<compile_context>
chip_gen: v7x
topology: tpu7x:2x2x1
jax: 0.10.2.dev20260603
libtpu: 0.0.44.dev20260713+nightly
codegen_flags: <defaults>
</compile_context>

<pallas_src>
import functools

import jax
import jax.numpy as jnp
from jax import lax
from jax.experimental import pallas as pl
from jax.experimental.pallas import tpu as pltpu
from jax.experimental.pallas import tpu_sc as plsc

_B = 16384
_K = 16
_NC = 2
_NS = 16
_NW = _NC * _NS
_BPW = _B // _NW
_L = 16
_SEG = 128
_NWAVE = _BPW // _L


def _mf_body(wt_hbm, ht_hbm, uidx_hbm, iidx_hbm, out_hbm,
             uidx_v, iidx_v, ublk, vblk, out_v, sem):
    wid = lax.axis_index("s") * _NC + lax.axis_index("c")
    lane = lax.iota(jnp.int32, _L)

    pltpu.sync_copy(uidx_hbm.at[wid], uidx_v)
    pltpu.sync_copy(iidx_hbm.at[wid], iidx_v)

    def _wave(w, carry):
        row = w >> 3
        col0 = (w & 7) * _L
        uvec = uidx_v[row, pl.ds(col0, _L)]
        ivec = iidx_v[row, pl.ds(col0, _L)]
        copies = []
        for t in range(_L):
            us = jnp.sum(jnp.where(lane == t, uvec, 0))
            vs = jnp.sum(jnp.where(lane == t, ivec, 0))
            uoff = pl.multiple_of((us >> 7) * _SEG, _SEG)
            voff = pl.multiple_of((vs >> 7) * _SEG, _SEG)
            copies.append(pltpu.async_copy(
                wt_hbm.at[:, pl.ds(uoff, _SEG)], ublk.at[t], sem))
            copies.append(pltpu.async_copy(
                ht_hbm.at[:, pl.ds(voff, _SEG)], vblk.at[t], sem))
        for c in copies:
            c.wait()

        ucol = uvec & (_SEG - 1)
        icol = ivec & (_SEG - 1)
        acc = jnp.zeros((_L,), jnp.float32)
        for k in range(_K):
            kv = jnp.full((_L,), k, jnp.int32)
            u = plsc.load_gather(ublk, [lane, kv, ucol])
            v = plsc.load_gather(vblk, [lane, kv, icol])
            acc = acc + u * v
        out_v[pl.ds(w * _L, _L)] = 1.0 / (1.0 + jnp.exp(-acc))
        return carry

    lax.fori_loop(0, _NWAVE, _wave, 0)

    pltpu.sync_copy(out_v, out_hbm.at[pl.ds(wid * _BPW, _BPW)])


_mf_call = functools.partial(
    pl.kernel,
    out_type=jax.ShapeDtypeStruct((_B,), jnp.float32),
    mesh=plsc.VectorSubcoreMesh(core_axis_name="c", subcore_axis_name="s"),
    scratch_types=[
        pltpu.VMEM((_BPW // 128, 128), jnp.int32),
        pltpu.VMEM((_BPW // 128, 128), jnp.int32),
        pltpu.VMEM((_L, _K, _SEG), jnp.float32),
        pltpu.VMEM((_L, _K, _SEG), jnp.float32),
        pltpu.VMEM((_BPW,), jnp.float32),
        pltpu.SemaphoreType.DMA,
    ],
    compiler_params=pltpu.CompilerParams(
        needs_layout_passes=False, use_tc_tiling_on_sc=True),
)(_mf_body)


def kernel(x, W, H):
    wt = W.T
    ht = H.T
    shape = (_NW, _BPW // 128, 128)
    uidx = x[:, 0].reshape(shape)
    iidx = x[:, 1].reshape(shape)
    return _mf_call(wt, ht, uidx, iidx)

# --- scband reference (transcript-rebuilt; emitter-appended) ---
"""Pipeline reference for scband-mf-dr-jl-ce-76794015252924 (READ-ONLY COPY).

The authoritative reference and input builder live on the scoring server;
editing this copy changes nothing except your own understanding.
"""

import jax, jax.numpy as jnp
import numpy as np

NUM_USERS = 1000000
NUM_ITEMS = 1000000
EMBEDDING_K = 16
BATCH = 16384


def setup_inputs(seed: int = 0) -> dict:
    key = jax.random.key(seed)
    k1, k2, k3 = jax.random.split(key, 3)
    # x[:, 0] are user indices, x[:, 1] are item indices
    x = jax.random.randint(k1, (BATCH, 2), 0, NUM_USERS, dtype=jnp.int32)
    # Embedding tables (torch nn.Embedding default init ~ N(0,1))
    W = jax.random.normal(k2, (NUM_USERS, EMBEDDING_K), dtype=jnp.float32)
    H = jax.random.normal(k3, (NUM_ITEMS, EMBEDDING_K), dtype=jnp.float32)
    return {"x": x, "W": W, "H": H}


def reference(x, W, H):
    # Faithful translation of MF_DR_JL_CE.prediction_model.forward(x):
    #   U_emb = W(user_idx); V_emb = H(item_idx)
    #   out = sigmoid(sum(U_emb * V_emb, dim=1))
    user_idx = x[:, 0]
    item_idx = x[:, 1]
    U_emb = jnp.take(W, user_idx, axis=0)
    V_emb = jnp.take(H, item_idx, axis=0)
    out = jax.nn.sigmoid(jnp.sum(U_emb * V_emb, axis=1))
    return out

if __name__ == "__main__":
    import jax
    _d = setup_inputs()
    print(jax.jit(kernel)(*tuple(_d.values())))

</pallas_src>

<mosaic_0001>
#map = affine_map<(d0, d1) -> (0, 0)>
#map1 = affine_map<(d0, d1) -> (0, 0, 0)>
#map2 = affine_map<(d0, d1) -> (0)>
module attributes {stable_mosaic.version = 14 : i64} {
  func.func @_mf_body(%arg0: i32, %arg1: i32, %arg2: memref<16x1000000xf32, #tpu.memory_space<hbm>>, %arg3: memref<16x1000000xf32, #tpu.memory_space<hbm>>, %arg4: memref<32x4x128xi32, #tpu.memory_space<hbm>>, %arg5: memref<32x4x128xi32, #tpu.memory_space<hbm>>, %arg6: memref<16384xf32, #tpu.memory_space<hbm>>, %arg7: memref<4x128xi32, #tpu.memory_space<vmem>>, %arg8: memref<4x128xi32, #tpu.memory_space<vmem>>, %arg9: memref<16x16x128xf32, #tpu.memory_space<vmem>>, %arg10: memref<16x16x128xf32, #tpu.memory_space<vmem>>, %arg11: memref<512xf32, #tpu.memory_space<vmem>>, %arg12: memref<!tpu.dma_semaphore, #tpu.memory_space<semaphore_mem>>) attributes {dimension_semantics = [#tpu.dimension_semantics<core_parallel>, #tpu.dimension_semantics<subcore_parallel>], iteration_bounds = array<i64: 2, 16>, scalar_prefetch = 0 : i64, scratch_operands = 6 : i64, tpu.core_type = #tpu.core_type<sc_vector_subcore>, window_params = [{transform_indices = #map}, {transform_indices = #map}, {transform_indices = #map1}, {transform_indices = #map1}, {transform_indices = #map2}]} {
    %mul3A = arith.constant 2 : i32
    %mul3A_0 = arith.muli %arg1, %mul3A : i32
    %add3A = arith.addi %mul3A_0, %arg0 : i32
    %iota3A = tpu.iota {dimensions = array<i32: 0>} : vector<16xi32>
    "tpu.region"() ({
      %run_scoped3A = tpu.sem_alloc : memref<!tpu.dma_semaphore, #tpu.memory_space<semaphore_mem>>
      %dma_start3A = arith.constant 0 : i32
      %dma_start3A_8 = arith.constant 0 : i32
      %dma_start3A_9 = tpu.memref_slice %arg4[%add3A, %dma_start3A, %dma_start3A_8] : memref<32x4x128xi32, #tpu.memory_space<hbm>> -> memref<1x4x128xi32, #tpu.memory_space<hbm>>
      %dma_start3A_10 = tpu.memref_squeeze %dma_start3A_9 : memref<1x4x128xi32, #tpu.memory_space<hbm>> -> memref<4x128xi32, #tpu.memory_space<hbm>>
      %dma_start3A_11 = arith.constant 0 : i32
      %dma_start3A_12 = arith.constant 0 : i32
      %dma_start3A_13 = tpu.memref_slice %arg4[%add3A, %dma_start3A_11, %dma_start3A_12] : memref<32x4x128xi32, #tpu.memory_space<hbm>> -> memref<1x4x128xi32, #tpu.memory_space<hbm>>
      %dma_start3A_14 = tpu.memref_squeeze %dma_start3A_13 : memref<1x4x128xi32, #tpu.memory_space<hbm>> -> memref<4x128xi32, #tpu.memory_space<hbm>>
      tpu.enqueue_dma source(%dma_start3A_14 : memref<4x128xi32, #tpu.memory_space<hbm>>) target(%arg7 : memref<4x128xi32, #tpu.memory_space<vmem>>) target_semaphore(%run_scoped3A : memref<!tpu.dma_semaphore, #tpu.memory_space<semaphore_mem>>)
      %dma_wait3A = arith.constant 0 : i32
      %dma_wait3A_15 = arith.constant 0 : i32
      %dma_wait3A_16 = tpu.memref_slice %arg4[%add3A, %dma_wait3A, %dma_wait3A_15] : memref<32x4x128xi32, #tpu.memory_space<hbm>> -> memref<1x4x128xi32, #tpu.memory_space<hbm>>
      %dma_wait3A_17 = tpu.memref_squeeze %dma_wait3A_16 : memref<1x4x128xi32, #tpu.memory_space<hbm>> -> memref<4x128xi32, #tpu.memory_space<hbm>>
      %dma_wait3A_18 = arith.constant 0 : i32
      %dma_wait3A_19 = arith.constant 0 : i32
      %dma_wait3A_20 = tpu.memref_slice %arg4[%add3A, %dma_wait3A_18, %dma_wait3A_19] : memref<32x4x128xi32, #tpu.memory_space<hbm>> -> memref<1x4x128xi32, #tpu.memory_space<hbm>>
      %dma_wait3A_21 = tpu.memref_squeeze %dma_wait3A_20 : memref<1x4x128xi32, #tpu.memory_space<hbm>> -> memref<4x128xi32, #tpu.memory_space<hbm>>
      tpu.wait_dma2 semaphore(%run_scoped3A : memref<!tpu.dma_semaphore, #tpu.memory_space<semaphore_mem>>) src(%dma_wait3A_21 : memref<4x128xi32, #tpu.memory_space<hbm>>) dst(%arg7 : memref<4x128xi32, #tpu.memory_space<vmem>>)
      tpu.yield
    }) : () -> ()
    "tpu.region"() ({
      %run_scoped3A = tpu.sem_alloc : memref<!tpu.dma_semaphore, #tpu.memory_space<semaphore_mem>>
      %dma_start3A = arith.constant 0 : i32
      %dma_start3A_8 = arith.constant 0 : i32
      %dma_start3A_9 = tpu.memref_slice %arg5[%add3A, %dma_start3A, %dma_start3A_8] : memref<32x4x128xi32, #tpu.memory_space<hbm>> -> memref<1x4x128xi32, #tpu.memory_space<hbm>>
      %dma_start3A_10 = tpu.memref_squeeze %dma_start3A_9 : memref<1x4x128xi32, #tpu.memory_space<hbm>> -> memref<4x128xi32, #tpu.memory_space<hbm>>
      %dma_start3A_11 = arith.constant 0 : i32
      %dma_start3A_12 = arith.constant 0 : i32
      %dma_start3A_13 = tpu.memref_slice %arg5[%add3A, %dma_start3A_11, %dma_start3A_12] : memref<32x4x128xi32, #tpu.memory_space<hbm>> -> memref<1x4x128xi32, #tpu.memory_space<hbm>>
      %dma_start3A_14 = tpu.memref_squeeze %dma_start3A_13 : memref<1x4x128xi32, #tpu.memory_space<hbm>> -> memref<4x128xi32, #tpu.memory_space<hbm>>
      tpu.enqueue_dma source(%dma_start3A_14 : memref<4x128xi32, #tpu.memory_space<hbm>>) target(%arg8 : memref<4x128xi32, #tpu.memory_space<vmem>>) target_semaphore(%run_scoped3A : memref<!tpu.dma_semaphore, #tpu.memory_space<semaphore_mem>>)
      %dma_wait3A = arith.constant 0 : i32
      %dma_wait3A_15 = arith.constant 0 : i32
      %dma_wait3A_16 = tpu.memref_slice %arg5[%add3A, %dma_wait3A, %dma_wait3A_15] : memref<32x4x128xi32, #tpu.memory_space<hbm>> -> memref<1x4x128xi32, #tpu.memory_space<hbm>>
      %dma_wait3A_17 = tpu.memref_squeeze %dma_wait3A_16 : memref<1x4x128xi32, #tpu.memory_space<hbm>> -> memref<4x128xi32, #tpu.memory_space<hbm>>
      %dma_wait3A_18 = arith.constant 0 : i32
      %dma_wait3A_19 = arith.constant 0 : i32
      %dma_wait3A_20 = tpu.memref_slice %arg5[%add3A, %dma_wait3A_18, %dma_wait3A_19] : memref<32x4x128xi32, #tpu.memory_space<hbm>> -> memref<1x4x128xi32, #tpu.memory_space<hbm>>
      %dma_wait3A_21 = tpu.memref_squeeze %dma_wait3A_20 : memref<1x4x128xi32, #tpu.memory_space<hbm>> -> memref<4x128xi32, #tpu.memory_space<hbm>>
      tpu.wait_dma2 semaphore(%run_scoped3A : memref<!tpu.dma_semaphore, #tpu.memory_space<semaphore_mem>>) src(%dma_wait3A_21 : memref<4x128xi32, #tpu.memory_space<hbm>>) dst(%arg8 : memref<4x128xi32, #tpu.memory_space<vmem>>)
      tpu.yield
    }) : () -> ()
    %scan3A = arith.constant 0 : i32
    %scan3A_1 = arith.constant 0 : i32
    %scan3A_2 = arith.constant 32 : i32
    %scan3A_3 = arith.addi %scan3A_1, %scan3A_2 : i32
    %scan3A_4 = arith.constant 1 : i32
    scf.for %scan3A_8 = %scan3A_1 to %scan3A_3 step %scan3A_4  : i32 {
      %shift_right_arithmetic3A = arith.constant 3 : i32
      %shift_right_arithmetic3A_9 = arith.shrsi %scan3A_8, %shift_right_arithmetic3A : i32
      %and3A = arith.constant 7 : i32
      %and3A_10 = arith.andi %scan3A_8, %and3A : i32
      %mul3A_11 = arith.constant 16 : i32
      %mul3A_12 = arith.muli %and3A_10, %mul3A_11 : i32
      %get3A = arith.index_cast %shift_right_arithmetic3A_9 : i32 to index
      %get3A_13 = arith.index_cast %mul3A_12 : i32 to index
      %get3A_14 = tpu.vector_load %arg7[%get3A, %get3A_13] {strides = array<i32>} : memref<4x128xi32, #tpu.memory_space<vmem>>, vector<16xi32>,
      %get3A_15 = arith.index_cast %shift_right_arithmetic3A_9 : i32 to index
      %get3A_16 = arith.index_cast %mul3A_12 : i32 to index
      %get3A_17 = tpu.vector_load %arg8[%get3A_15, %get3A_16] {strides = array<i32>} : memref<4x128xi32, #tpu.memory_space<vmem>>, vector<16xi32>,
      %eq3A = arith.constant 0 : i32
      %eq3A_18 = vector.broadcast %eq3A : i32 to vector<16xi32>
      %eq3A_19 = arith.cmpi eq, %iota3A, %eq3A_18 : vector<16xi32>
      %jit3A = arith.constant 0 : i32
      %broadcast_in_dim3A = vector.broadcast %jit3A : i32 to vector<16xi32>
      %select_n3A = arith.select %eq3A_19, %get3A_14, %broadcast_in_dim3A : vector<16xi1>, vector<16xi32>
      %reduce_sum3A = arith.constant true
      %reduce_sum3A_20 = vector.broadcast %reduce_sum3A : i1 to vector<16xi1>
      %reduce_sum3A_21 = tpu.scan <sum>, %select_n3A masked %reduce_sum3A_20 : vector<16xi32>, vector<16xi1> -> vector<16xi32>
      %reduce_sum3A_22 = vector.extract %reduce_sum3A_21[15] : i32 from vector<16xi32>
      %eq3A_23 = arith.constant 0 : i32
      %eq3A_24 = vector.broadcast %eq3A_23 : i32 to vector<16xi32>
      %eq3A_25 = arith.cmpi eq, %iota3A, %eq3A_24 : vector<16xi32>
      %jit3A_26 = arith.constant 0 : i32
      %broadcast_in_dim3A_27 = vector.broadcast %jit3A_26 : i32 to vector<16xi32>
      %select_n3A_28 = arith.select %eq3A_25, %get3A_17, %broadcast_in_dim3A_27 : vector<16xi1>, vector<16xi32>
      %reduce_sum3A_29 = arith.constant true
      %reduce_sum3A_30 = vector.broadcast %reduce_sum3A_29 : i1 to vector<16xi1>
      %reduce_sum3A_31 = tpu.scan <sum>, %select_n3A_28 masked %reduce_sum3A_30 : vector<16xi32>, vector<16xi1> -> vector<16xi32>
      %reduce_sum3A_32 = vector.extract %reduce_sum3A_31[15] : i32 from vector<16xi32>
      %shift_right_arithmetic3A_33 = arith.constant 7 : i32
      %shift_right_arithmetic3A_34 = arith.shrsi %reduce_sum3A_22, %shift_right_arithmetic3A_33 : i32
      %mul3A_35 = arith.constant 128 : i32
      %mul3A_36 = arith.muli %shift_right_arithmetic3A_34, %mul3A_35 : i32
      %multiple_of3A = tpu.assume_multiple %mul3A_36, 128 : i32
      %shift_right_arithmetic3A_37 = arith.constant 7 : i32
      %shift_right_arithmetic3A_38 = arith.shrsi %reduce_sum3A_32, %shift_right_arithmetic3A_37 : i32
      %mul3A_39 = arith.constant 128 : i32
      %mul3A_40 = arith.muli %shift_right_arithmetic3A_38, %mul3A_39 : i32
      %multiple_of3A_41 = tpu.assume_multiple %mul3A_40, 128 : i32
      %dma_start3A = arith.constant 0 : i32
      %dma_start3A_42 = arith.constant 0 : i32
      %dma_start3A_43 = arith.constant 0 : i32
      %dma_start3A_44 = tpu.memref_slice %arg9[%dma_start3A, %dma_start3A_42, %dma_start3A_43] : memref<16x16x128xf32, #tpu.memory_space<vmem>> -> memref<1x16x128xf32, #tpu.memory_space<vmem>>
      %dma_start3A_45 = tpu.memref_squeeze %dma_start3A_44 : memref<1x16x128xf32, #tpu.memory_space<vmem>> -> memref<16x128xf32, #tpu.memory_space<vmem>>
      %dma_start3A_46 = arith.constant 0 : i32
      %dma_start3A_47 = tpu.memref_slice %arg2[%dma_start3A_46, %multiple_of3A] : memref<16x1000000xf32, #tpu.memory_space<hbm>> -> memref<16x128xf32, #tpu.memory_space<hbm>>
      %dma_start3A_48 = arith.constant 0 : i32
      %dma_start3A_49 = arith.constant 0 : i32
      %dma_start3A_50 = tpu.memref_slice %arg9[%dma_start3A, %dma_start3A_48, %dma_start3A_49] : memref<16x16x128xf32, #tpu.memory_space<vmem>> -> memref<1x16x128xf32, #tpu.memory_space<vmem>>
      %dma_start3A_51 = tpu.memref_squeeze %dma_start3A_50 : memref<1x16x128xf32, #tpu.memory_space<vmem>> -> memref<16x128xf32, #tpu.memory_space<vmem>>
      %dma_start3A_52 = arith.constant 0 : i32
      %dma_start3A_53 = tpu.memref_slice %arg2[%dma_start3A_52, %multiple_of3A] : memref<16x1000000xf32, #tpu.memory_space<hbm>> -> memref<16x128xf32, #tpu.memory_space<hbm>>
      tpu.enqueue_dma source(%dma_start3A_53 : memref<16x128xf32, #tpu.memory_space<hbm>>) target(%dma_start3A_51 : memref<16x128xf32, #tpu.memory_space<vmem>>) target_semaphore(%arg12 : memref<!tpu.dma_semaphore, #tpu.memory_space<semaphore_mem>>)
      %dma_start3A_54 = arith.constant 0 : i32
      %dma_start3A_55 = arith.constant 0 : i32
      %dma_start3A_56 = arith.constant 0 : i32
      %dma_start3A_57 = tpu.memref_slice %arg10[%dma_start3A_54, %dma_start3A_55, %dma_start3A_56] : memref<16x16x128xf32, #tpu.memory_space<vmem>> -> memref<1x16x128xf32, #tpu.memory_space<vmem>>
      %dma_start3A_58 = tpu.memref_squeeze %dma_start3A_57 : memref<1x16x128xf32, #tpu.memory_space<vmem>> -> memref<16x128xf32, #tpu.memory_space<vmem>>
      %dma_start3A_59 = arith.constant 0 : i32
      %dma_start3A_60 = tpu.memref_slice %arg3[%dma_start3A_59, %multiple_of3A_41] : memref<16x1000000xf32, #tpu.memory_space<hbm>> -> memref<16x128xf32, #tpu.memory_space<hbm>>
      %dma_start3A_61 = arith.constant 0 : i32
      %dma_start3A_62 = arith.constant 0 : i32
      %dma_start3A_63 = tpu.memref_slice %arg10[%dma_start3A_54, %dma_start3A_61, %dma_start3A_62] : memref<16x16x128xf32, #tpu.memory_space<vmem>> -> memref<1x16x128xf32, #tpu.memory_space<vmem>>
      %dma_start3A_64 = tpu.memref_squeeze %dma_start3A_63 : memref<1x16x128xf32, #tpu.memory_space<vmem>> -> memref<16x128xf32, #tpu.memory_space<vmem>>
      %dma_start3A_65 = arith.constant 0 : i32
      %dma_start3A_66 = tpu.memref_slice %arg3[%dma_start3A_65, %multiple_of3A_41] : memref<16x1000000xf32, #tpu.memory_space<hbm>> -> memref<16x128xf32, #tpu.memory_space<hbm>>
      tpu.enqueue_dma source(%dma_start3A_66 : memref<16x128xf32, #tpu.memory_space<hbm>>) target(%dma_start3A_64 : memref<16x128xf32, #tpu.memory_space<vmem>>) target_semaphore(%arg12 : memref<!tpu.dma_semaphore, #tpu.memory_space<semaphore_mem>>)
      %eq3A_67 = arith.constant 1 : i32
      %eq3A_68 = vector.broadcast %eq3A_67 : i32 to vector<16xi32>
      %eq3A_69 = arith.cmpi eq, %iota3A, %eq3A_68 : vector<16xi32>
      %jit3A_70 = arith.constant 0 : i32
      %broadcast_in_dim3A_71 = vector.broadcast %jit3A_70 : i32 to vector<16xi32>
      %select_n3A_72 = arith.select %eq3A_69, %get3A_14, %broadcast_in_dim3A_71 : vector<16xi1>, vector<16xi32>
      %reduce_sum3A_73 = arith.constant true
      %reduce_sum3A_74 = vector.broadcast %reduce_sum3A_73 : i1 to vector<16xi1>
      %reduce_sum3A_75 = tpu.scan <sum>, %select_n3A_72 masked %reduce_sum3A_74 : vector<16xi32>, vector<16xi1> -> vector<16xi32>
      %reduce_sum3A_76 = vector.extract %reduce_sum3A_75[15] : i32 from vector<16xi32>
      %eq3A_77 = arith.constant 1 : i32
      %eq3A_78 = vector.broadcast %eq3A_77 : i32 to vector<16xi32>
      %eq3A_79 = arith.cmpi eq, %iota3A, %eq3A_78 : vector<16xi32>
      %jit3A_80 = arith.constant 0 : i32
      %broadcast_in_dim3A_81 = vector.broadcast %jit3A_80 : i32 to vector<16xi32>
      %select_n3A_82 = arith.select %eq3A_79, %get3A_17, %broadcast_in_dim3A_81 : vector<16xi1>, vector<16xi32>
      %reduce_sum3A_83 = arith.constant true
      %reduce_sum3A_84 = vector.broadcast %reduce_sum3A_83 : i1 to vector<16xi1>
      %reduce_sum3A_85 = tpu.scan <sum>, %select_n3A_82 masked %reduce_sum3A_84 : vector<16xi32>, vector<16xi1> -> vector<16xi32>
      %reduce_sum3A_86 = vector.extract %reduce_sum3A_85[15] : i32 from vector<16xi32>
      %shift_right_arithmetic3A_87 = arith.constant 7 : i32
      %shift_right_arithmetic3A_88 = arith.shrsi %reduce_sum3A_76, %shift_right_arithmetic3A_87 : i32
      %mul3A_89 = arith.constant 128 : i32
      %mul3A_90 = arith.muli %shift_right_arithmetic3A_88, %mul3A_89 : i32
      %multiple_of3A_91 = tpu.assume_multiple %mul3A_90, 128 : i32
      %shift_right_arithmetic3A_92 = arith.constant 7 : i32
      %shift_right_arithmetic3A_93 = arith.shrsi %reduce_sum3A_86, %shift_right_arithmetic3A_92 : i32
      %mul3A_94 = arith.constant 128 : i32
      %mul3A_95 = arith.muli %shift_right_arithmetic3A_93, %mul3A_94 : i32
      %multiple_of3A_96 = tpu.assume_multiple %mul3A_95, 128 : i32
      %dma_start3A_97 = arith.constant 1 : i32
      %dma_start3A_98 = arith.constant 0 : i32
      %dma_start3A_99 = arith.constant 0 : i32
      %dma_start3A_100 = tpu.memref_slice %arg9[%dma_start3A_97, %dma_start3A_98, %dma_start3A_99] : memref<16x16x128xf32, #tpu.memory_space<vmem>> -> memref<1x16x128xf32, #tpu.memory_space<vmem>>
      %dma_start3A_101 = tpu.memref_squeeze %dma_start3A_100 : memref<1x16x128xf32, #tpu.memory_space<vmem>> -> memref<16x128xf32, #tpu.memory_space<vmem>>
      %dma_start3A_102 = arith.constant 0 : i32
      %dma_start3A_103 = tpu.memref_slice %arg2[%dma_start3A_102, %multiple_of3A_91] : memref<16x1000000xf32, #tpu.memory_space<hbm>> -> memref<16x128xf32, #tpu.memory_space<hbm>>
      %dma_start3A_104 = arith.constant 0 : i32
      %dma_start3A_105 = arith.constant 0 : i32
      %dma_start3A_106 = tpu.memref_slice %arg9[%dma_start3A_97, %dma_start3A_104, %dma_start3A_105] : memref<16x16x128xf32, #tpu.memory_space<vmem>> -> memref<1x16x128xf32, #tpu.memory_space<vmem>>
      %dma_start3A_107 = tpu.memref_squeeze %dma_start3A_106 : memref<1x16x128xf32, #tpu.memory_space<vmem>> -> memref<16x128xf32, #tpu.memory_space<vmem>>
      %dma_start3A_108 = arith.constant 0 : i32
      %dma_start3A_109 = tpu.memref_slice %arg2[%dma_start3A_108, %multiple_of3A_91] : memref<16x1000000xf32, #tpu.memory_space<hbm>> -> memref<16x128xf32, #tpu.memory_space<hbm>>
      tpu.enqueue_dma source(%dma_start3A_109 : memref<16x128xf32, #tpu.memory_space<hbm>>) target(%dma_start3A_107 : memref<16x128xf32, #tpu.memory_space<vmem>>) target_semaphore(%arg12 : memref<!tpu.dma_semaphore, #tpu.memory_space<semaphore_mem>>)
      %dma_start3A_110 = arith.constant 1 : i32
      %dma_start3A_111 = arith.constant 0 : i32
      %dma_start3A_112 = arith.constant 0 : i32
      %dma_start3A_113 = tpu.memref_slice %arg10[%dma_start3A_110, %dma_start3A_111, %dma_start3A_112] : memref<16x16x128xf32, #tpu.memory_space<vmem>> -> memref<1x16x128xf32, #tpu.memory_space<vmem>>
      %dma_start3A_114 = tpu.memref_squeeze %dma_start3A_113 : memref<1x16x128xf32, #tpu.memory_space<vmem>> -> memref<16x128xf32, #tpu.memory_space<vmem>>
      %dma_start3A_115 = arith.constant 0 : i32
      %dma_start3A_116 = tpu.memref_slice %arg3[%dma_start3A_115, %multiple_of3A_96] : memref<16x1000000xf32, #tpu.memory_space<hbm>> -> memref<16x128xf32, #tpu.memory_space<hbm>>
      %dma_start3A_117 = arith.constant 0 : i32
      %dma_start3A_118 = arith.constant 0 : i32
      %dma_start3A_119 = tpu.memref_slice %arg10[%dma_start3A_110, %dma_start3A_117, %dma_start3A_118] : memref<16x16x128xf32, #tpu.memory_space<vmem>> -> memref<1x16x128xf32, #tpu.memory_space<vmem>>
      %dma_start3A_120 = tpu.memref_squeeze %dma_start3A_119 : memref<1x16x128xf32, #tpu.memory_space<vmem>> -> memref<16x128xf32, #tpu.memory_space<vmem>>
      %dma_start3A_121 = arith.constant 0 : i32
      %dma_start3A_122 = tpu.memref_slice %arg3[%dma_start3A_121, %multiple_of3A_96] : memref<16x1000000xf32, #tpu.memory_space<hbm>> -> memref<16x128xf32, #tpu.memory_space<hbm>>
      tpu.enqueue_dma source(%dma_start3A_122 : memref<16x128xf32, #tpu.memory_space<hbm>>) target(%dma_start3A_120 : memref<16x128xf32, #tpu.memory_space<vmem>>) target_semaphore(%arg12 : memref<!tpu.dma_semaphore, #tpu.memory_space<semaphore_mem>>)
      %eq3A_123 = arith.constant 2 : i32
      %eq3A_124 = vector.broadcast %eq3A_123 : i32 to vector<16xi32>
      %eq3A_125 = arith.cmpi eq, %iota3A, %eq3A_124 : vector<16xi32>
      %jit3A_126 = arith.constant 0 : i32
      %broadcast_in_dim3A_127 = vector.broadcast %jit3A_126 : i32 to vector<16xi32>
      %select_n3A_128 = arith.select %eq3A_125, %get3A_14, %broadcast_in_dim3A_127 : vector<16xi1>, vector<16xi32>
      %reduce_sum3A_129 = arith.constant true
      %reduce_sum3A_130 = vector.broadcast %reduce_sum3A_129 : i1 to vector<16xi1>
      %reduce_sum3A_131 = tpu.scan <sum>, %select_n3A_128 masked %reduce_sum3A_130 : vector<16xi32>, vector<16xi1> -> vector<16xi32>
      %reduce_sum3A_132 = vector.extract %reduce_sum3A_131[15] : i32 from vector<16xi32>
      %eq3A_133 = arith.constant 2 : i32
      %eq3A_134 = vector.broadcast %eq3A_133 : i32 to vector<16xi32>
      %eq3A_135 = arith.cmpi eq, %iota3A, %eq3A_134 : vector<16xi32>
      %jit3A_136 = arith.constant 0 : i32
      %broadcast_in_dim3A_137 = vector.broadcast %jit3A_136 : i32 to vector<16xi32>
      %select_n3A_138 = arith.select %eq3A_135, %get3A_17, %broadcast_in_dim3A_137 : vector<16xi1>, vector<16xi32>
      %reduce_sum3A_139 = arith.constant true
      %reduce_sum3A_140 = vector.broadcast %reduce_sum3A_139 : i1 to vector<16xi1>
      %reduce_sum3A_141 = tpu.scan <sum>, %select_n3A_138 masked %reduce_sum3A_140 : vector<16xi32>, vector<16xi1> -> vector<16xi32>
      %reduce_sum3A_142 = vector.extract %reduce_sum3A_141[15] : i32 from vector<16xi32>
      %shift_right_arithmetic3A_143 = arith.constant 7 : i32
      %shift_right_arithmetic3A_144 = arith.shrsi %reduce_sum3A_132, %shift_right_arithmetic3A_143 : i32
      %mul3A_145 = arith.constant 128 : i32
      %mul3A_146 = arith.muli %shift_right_arithmetic3A_144, %mul3A_145 : i32
      %multiple_of3A_147 = tpu.assume_multiple %mul3A_146, 128 : i32
      %shift_right_arithmetic3A_148 = arith.constant 7 : i32
      %shift_right_arithmetic3A_149 = arith.shrsi %reduce_sum3A_142, %shift_right_arithmetic3A_148 : i32
      %mul3A_150 = arith.constant 128 : i32
      %mul3A_151 = arith.muli %shift_right_arithmetic3A_149, %mul3A_150 : i32
      %multiple_of3A_152 = tpu.assume_multiple %mul3A_151, 128 : i32
      %dma_start3A_153 = arith.constant 2 : i32
      %dma_start3A_154 = arith.constant 0 : i32
      %dma_start3A_155 = arith.constant 0 : i32
      %dma_start3A_156 = tpu.memref_slice %arg9[%dma_start3A_153, %dma_start3A_154, %dma_start3A_155] : memref<16x16x128xf32, #tpu.memory_space<vmem>> -> memref<1x16x128xf32, #tpu.memory_space<vmem>>
      %dma_start3A_157 = tpu.memref_squeeze %dma_start3A_156 : memref<1x16x128xf32, #tpu.memory_space<vmem>> -> memref<16x128xf32, #tpu.memory_space<vmem>>
      %dma_start3A_158 = arith.constant 0 : i32
      %dma_start3A_159 = tpu.memref_slice %arg2[%dma_start3A_158, %multiple_of3A_147] : memref<16x1000000xf32, #tpu.memory_space<hbm>> -> memref<16x128xf32, #tpu.memory_space<hbm>>
      %dma_start3A_160 = arith.constant 0 : i32
      %dma_start3A_161 = arith.constant 0 : i32
      %dma_start3A_162 = tpu.memref_slice %arg9[%dma_start3A_153, %dma_start3A_160, %dma_start3A_161] : memref<16x16x128xf32, #tpu.memory_space<vmem>> -> memref<1x16x128xf32, #tpu.memory_space<vmem>>
      %dma_start3A_163 = tpu.memref_squeeze %dma_start3A_162 : memref<1x16x128xf32, #tpu.memory_space<vmem>> -> memref<16x128xf32, #tpu.memory_space<vmem>>
      %dma_start3A_164 = arith.constant 0 : i32
      %dma_start3A_165 = tpu.memref_slice %arg2[%dma_start3A_164, %multiple_of3A_147] : memref<16x1000000xf32, #tpu.memory_space<hbm>> -> memref<16x128xf32, #tpu.memory_space<hbm>>
      tpu.enqueue_dma source(%dma_start3A_165 : memref<16x128xf32, #tpu.memory_space<hbm>>) target(%dma_start3A_163 : memref<16x128xf32, #tpu.memory_space<vmem>>) target_semaphore(%arg12 : memref<!tpu.dma_semaphore, #tpu.memory_space<semaphore_mem>>)
      %dma_start3A_166 = arith.constant 2 : i32
      %dma_start3A_167 = arith.constant 0 : i32
      %dma_start3A_168 = arith.constant 0 : i32
      %dma_start3A_169 = tpu.memref_slice %arg10[%dma_start3A_166, %dma_start3A_167, %dma_start3A_168] : memref<16x16x128xf32, #tpu.memory_space<vmem>> -> memref<1x16x128xf32, #tpu.memory_space<vmem>>
      %dma_start3A_170 = tpu.memref_squeeze %dma_start3A_169 : memref<1x16x128xf32, #tpu.memory_space<vmem>> -> memref<16x128xf32, #tpu.memory_space<vmem>>
      %dma_start3A_171 = arith.constant 0 : i32
      %dma_start3A_172 = tpu.memref_slice %arg3[%dma_start3A_171, %multiple_of3A_152] : memref<16x1000000xf32, #tpu.memory_space<hbm>> -> memref<16x128xf32, #tpu.memory_space<hbm>>
      %dma_start3A_173 = arith.constant 0 : i32
      %dma_start3A_174 = arith.constant 0 : i32
      %dma_start3A_175 = tpu.memref_slice %arg10[%dma_start3A_166, %dma_start3A_173, %dma_start3A_174] : memref<16x16x128xf32, #tpu.memory_space<vmem>> -> memref<1x16x128xf32, #tpu.memory_space<vmem>>
      %dma_start3A_176 = tpu.memref_squeeze %dma_start3A_175 : memref<1x16x128xf32, #tpu.memory_space<vmem>> -> memref<16x128xf32, #tpu.memory_space<vmem>>
      %dma_start3A_177 = arith.constant 0 : i32
      %dma_start3A_178 = tpu.memref_slice %arg3[%dma_start3A_177, %multiple_of3A_152] : memref<16x1000000xf32, #tpu.memory_space<hbm>> -> memref<16x128xf32, #tpu.memory_space<hbm>>
      tpu.enqueue_dma source(%dma_start3A_178 : memref<16x128xf32, #tpu.memory_space<hbm>>) target(%dma_start3A_176 : memref<16x128xf32, #tpu.memory_space<vmem>>) target_semaphore(%arg12 : memref<!tpu.dma_semaphore, #tpu.memory_space<semaphore_mem>>)
      %eq3A_179 = arith.constant 3 : i32
      %eq3A_180 = vector.broadcast %eq3A_179 : i32 to vector<16xi32>
      %eq3A_181 = arith.cmpi eq, %iota3A, %eq3A_180 : vector<16xi32>
      %jit3A_182 = arith.constant 0 : i32
      %broadcast_in_dim3A_183 = vector.broadcast %jit3A_182 : i32 to vector<16xi32>
      %select_n3A_184 = arith.select %eq3A_181, %get3A_14, %broadcast_in_dim3A_183 : vector<16xi1>, vector<16xi32>
      %reduce_sum3A_185 = arith.constant true
      %reduce_sum3A_186 = vector.broadcast %reduce_sum3A_185 : i1 to vector<16xi1>
      %reduce_sum3A_187 = tpu.scan <sum>, %select_n3A_184 masked %reduce_sum3A_186 : vector<16xi32>, vector<16xi1> -> vector<16xi32>
      %reduce_sum3A_188 = vector.extract %reduce_sum3A_187[15] : i32 from vector<16xi32>
      %eq3A_189 = arith.constant 3 : i32
      %eq3A_190 = vector.broadcast %eq3A_189 : i32 to vector<16xi32>
      %eq3A_191 = arith.cmpi eq, %iota3A, %eq3A_190 : vector<16xi32>
      %jit3A_192 = arith.constant 0 : i32
      %broadcast_in_dim3A_193 = vector.broadcast %jit3A_192 : i32 to vector<16xi32>
      %select_n3A_194 = arith.select %eq3A_191, %get3A_17, %broadcast_in_dim3A_193 : vector<16xi1>, vector<16xi32>
      %reduce_sum3A_195 = arith.constant true
      %reduce_sum3A_196 = vector.broadcast %reduce_sum3A_195 : i1 to vector<16xi1>
      %reduce_sum3A_197 = tpu.scan <sum>, %select_n3A_194 masked %reduce_sum3A_196 : vector<16xi32>, vector<16xi1> -> vector<16xi32>
      %reduce_sum3A_198 = vector.extract %reduce_sum3A_197[15] : i32 from vector<16xi32>
      %shift_right_arithmetic3A_199 = arith.constant 7 : i32
      %shift_right_arithmetic3A_200 = arith.shrsi %reduce_sum3A_188, %shift_right_arithmetic3A_199 : i32
      %mul3A_201 = arith.constant 128 : i32
      %mul3A_202 = arith.muli %shift_right_arithmetic3A_200, %mul3A_201 : i32
      %multiple_of3A_203 = tpu.assume_multiple %mul3A_202, 128 : i32
      %shift_right_arithmetic3A_204 = arith.constant 7 : i32
      %shift_right_arithmetic3A_205 = arith.shrsi %reduce_sum3A_198, %shift_right_arithmetic3A_204 : i32
      %mul3A_206 = arith.constant 128 : i32
      %mul3A_207 = arith.muli %shift_right_arithmetic3A_205, %mul3A_206 : i32
      %multiple_of3A_208 = tpu.assume_multiple %mul3A_207, 128 : i32
      %dma_start3A_209 = arith.constant 3 : i32
      %dma_start3A_210 = arith.constant 0 : i32
      %dma_start3A_211 = arith.constant 0 : i32
      %dma_start3A_212 = tpu.memref_slice %arg9[%dma_start3A_209, %dma_start3A_210, %dma_start3A_211] : memref<16x16x128xf32, #tpu.memory_space<vmem>> -> memref<1x16x128xf32, #tpu.memory_space<vmem>>
      %dma_start3A_213 = tpu.memref_squeeze %dma_start3A_212 : memref<1x16x128xf32, #tpu.memory_space<vmem>> -> memref<16x128xf32, #tpu.memory_space<vmem>>
      %dma_start3A_214 = arith.constant 0 : i32
      %dma_start3A_215 = tpu.memref_slice %arg2[%dma_start3A_214, %multiple_of3A_203] : memref<16x1000000xf32, #tpu.memory_space<hbm>> -> memref<16x128xf32, #tpu.memory_space<hbm>>
      %dma_start3A_216 = arith.constant 0 : i32
      %dma_start3A_217 = arith.constant 0 : i32
      %dma_start3A_218 = tpu.memref_slice %arg9[%dma_start3A_209, %dma_start3A_216, %dma_start3A_217] : memref<16x16x128xf32, #tpu.memory_space<vmem>> -> memref<1x16x128xf32, #tpu.memory_space<vmem>>
      %dma_start3A_219 = tpu.memref_squeeze %dma_start3A_218 : memref<1x16x128xf32, #tpu.memory_space<vmem>> -> memref<16x128xf32, #tpu.memory_space<vmem>>
      %dma_start3A_220 = arith.constant 0 : i32
      %dma_start3A_221 = tpu.memref_slice %arg2[%dma_start3A_220, %multiple_of3A_203] : memref<16x1000000xf32, #tpu.memory_space<hbm>> -> memref<16x128xf32, #tpu.memory_space<hbm>>
      tpu.enqueue_dma source(%dma_start3A_221 : memref<16x128xf32, #tpu.memory_space<hbm>>) target(%dma_start3A_219 : memref<16x128xf32, #tpu.memory_space<vmem>>) target_semaphore(%arg12 : memref<!tpu.dma_semaphore, #tpu.memory_space<semaphore_mem>>)
      %dma_start3A_222 = arith.constant 3 : i32
      %dma_start3A_223 = arith.constant 0 : i32
      %dma_start3A_224 = arith.constant 0 : i32
      %dma_start3A_225 = tpu.memref_slice %arg10[%dma_start3A_222, %dma_start3A_223, %dma_start3A_224] : memref<16x16x128xf32, #tpu.memory_space<vmem>> -> memref<1x16x128xf32, #tpu.memory_space<vmem>>
      %dma_start3A_226 = tpu.memref_squeeze %dma_start3A_225 : memref<1x16x128xf32, #tpu.memory_space<vmem>> -> memref<16x128xf32, #tpu.memory_space<vmem>>
      %dma_start3A_227 = arith.constant 0 : i32
      %dma_start3A_228 = tpu.memref_slice %arg3[%dma_start3A_227, %multiple_of3A_208] : memref<16x1000000xf32, #tpu.memory_space<hbm>> -> memref<16x128xf32, #tpu.memory_space<hbm>>
      %dma_start3A_229 = arith.constant 0 : i32
      %dma_start3A_230 = arith.constant 0 : i32
      %dma_start3A_231 = tpu.memref_slice %arg10[%dma_start3A_222, %dma_start3A_229, %dma_start3A_230] : memref<16x16x128xf32, #tpu.memory_space<vmem>> -> memref<1x16x128xf32, #tpu.memory_space<vmem>>
      %dma_start3A_232 = tpu.memref_squeeze %dma_start3A_231 : memref<1x16x128xf32, #tpu.memory_space<vmem>> -> memref<16x128xf32, #tpu.memory_space<vmem>>
      %dma_start3A_233 = arith.constant 0 : i32
      %dma_start3A_234 = tpu.memref_slice %arg3[%dma_start3A_233, %multiple_of3A_208] : memref<16x1000000xf32, #tpu.memory_space<hbm>> -> memref<16x128xf32, #tpu.memory_space<hbm>>
      tpu.enqueue_dma source(%dma_start3A_234 : memref<16x128xf32, #tpu.memory_space<hbm>>) target(%dma_start3A_232 : memref<16x128xf32, #tpu.memory_space<vmem>>) target_semaphore(%arg12 : memref<!tpu.dma_semaphore, #tpu.memory_space<semaphore_mem>>)
      %eq3A_235 = arith.constant 4 : i32
      %eq3A_236 = vector.broadcast %eq3A_235 : i32 to vector<16xi32>
      %eq3A_237 = arith.cmpi eq, %iota3A, %eq3A_236 : vector<16xi32>
      %jit3A_238 = arith.constant 0 : i32
      %broadcast_in_dim3A_239 = vector.broadcast %jit3A_238 : i32 to vector<16xi32>
      %select_n3A_240 = arith.select %eq3A_237, %get3A_14, %broadcast_in_dim3A_239 : vector<16xi1>, vector<16xi32>
      %reduce_sum3A_241 = arith.constant true
      %reduce_sum3A_242 = vector.broadcast %reduce_sum3A_241 : i1 to vector<16xi1>
      %reduce_sum3A_243 = tpu.scan <sum>, %select_n3A_240 masked %reduce_sum3A_242 : vector<16xi32>, vector<16xi1> -> vector<16xi32>
      %reduce_sum3A_244 = vector.extract %reduce_sum3A_243[15] : i32 from vector<16xi32>
      %eq3A_245 = arith.constant 4 : i32
      %eq3A_246 = vector.broadcast %eq3A_245 : i32 to vector<16xi32>
      %eq3A_247 = arith.cmpi eq, %iota3A, %eq3A_246 : vector<16xi32>
      %jit3A_248 = arith.constant 0 : i32
      %broadcast_in_dim3A_249 = vector.broadcast %jit3A_248 : i32 to vector<16xi32>
      %select_n3A_250 = arith.select %eq3A_247, %get3A_17, %broadcast_in_dim3A_249 : vector<16xi1>, vector<16xi32>
      %reduce_sum3A_251 = arith.constant true
      %reduce_sum3A_252 = vector.broadcast %reduce_sum3A_251 : i1 to vector<16xi1>
      %reduce_sum3A_253 = tpu.scan <sum>, %select_n3A_250 masked %reduce_sum3A_252 : vector<16xi32>, vector<16xi1> -> vector<16xi32>
      %reduce_sum3A_254 = vector.extract %reduce_sum3A_253[15] : i32 from vector<16xi32>
      %shift_right_arithmetic3A_255 = arith.constant 7 : i32
      %shift_right_arithmetic3A_256 = arith.shrsi %reduce_sum3A_244, %shift_right_arithmetic3A_255 : i32
      %mul3A_257 = arith.constant 128 : i32
      %mul3A_258 = arith.muli %shift_right_arithmetic3A_256, %mul3A_257 : i32
      %multiple_of3A_259 = tpu.assume_multiple %mul3A_258, 128 : i32
      %shift_right_arithmetic3A_260 = arith.constant 7 : i32
      %shift_right_arithmetic3A_261 = arith.shrsi %reduce_sum3A_254, %shift_right_arithmetic3A_260 : i32
      %mul3A_262 = arith.constant 128 : i32
      %mul3A_263 = arith.muli %shift_right_arithmetic3A_261, %mul3A_262 : i32
      %multiple_of3A_264 = tpu.assume_multiple %mul3A_263, 128 : i32
      %dma_start3A_265 = arith.constant 4 : i32
      %dma_start3A_266 = arith.constant 0 : i32
      %dma_start3A_267 = arith.constant 0 : i32
      %dma_start3A_268 = tpu.memref_slice %arg9[%dma_start3A_265, %dma_start3A_266, %dma_start3A_267] : memref<16x16x128xf32, #tpu.memory_space<vmem>> -> memref<1x16x128xf32, #tpu.memory_space<vmem>>
      %dma_start3A_269 = tpu.memref_squeeze %dma_start3A_268 : memref<1x16x128xf32, #tpu.memory_space<vmem>> -> memref<16x128xf32, #tpu.memory_space<vmem>>
      %dma_start3A_270 = arith.constant 0 : i32
      %dma_start3A_271 = tpu.memref_slice %arg2[%dma_start3A_270, %multiple_of3A_259] : memref<16x1000000xf32, #tpu.memory_space<hbm>> -> memref<16x128xf32, #tpu.memory_space<hbm>>
      %dma_start3A_272 = arith.constant 0 : i32
      %dma_start3A_273 = arith.constant 0 : i32
      %dma_start3A_274 = tpu.memref_slice %arg9[%dma_start3A_265, %dma_start3A_272, %dma_start3A_273] : memref<16x16x128xf32, #tpu.memory_space<vmem>> -> memref<1x16x128xf32, #tpu.memory_space<vmem>>
      %dma_start3A_275 = tpu.memref_squeeze %dma_start3A_274 : memref<1x16x128xf32, #tpu.memory_space<vmem>> -> memref<16x128xf32, #tpu.memory_space<vmem>>
      %dma_start3A_276 = arith.constant 0 : i32
      %dma_start3A_277 = tpu.memref_slice %arg2[%dma_start3A_276, %multiple_of3A_259] : memref<16x1000000xf32, #tpu.memory_space<hbm>> -> memref<16x128xf32, #tpu.memory_space<hbm>>
      tpu.enqueue_dma source(%dma_start3A_277 : memref<16x128xf32, #tpu.memory_space<hbm>>) target(%dma_start3A_275 : memref<16x128xf32, #tpu.memory_space<vmem>>) target_semaphore(%arg12 : memref<!tpu.dma_semaphore, #tpu.memory_space<semaphore_mem>>)
      %dma_start3A_278 = arith.constant 4 : i32
      %dma_start3A_279 = arith.constant 0 : i32
      %dma_start3A_280 = arith.constant 0 : i32
      %dma_start3A_281 = tpu.memref_slice %arg10[%dma_start3A_278, %dma_start3A_279, %dma_start3A_280] : memref<16x16x128xf32, #tpu.memory_space<vmem>> -> memref<1x16x128xf32, #tpu.memory_space<vmem>>
      %dma_start3A_282 = tpu.memref_squeeze %dma_start3A_281 : memref<1x16x128xf32, #tpu.memory_space<vmem>> -> memref<16x128xf32, #tpu.memory_space<vmem>>
      %dma_start3A_283 = arith.constant 0 : i32
      %dma_start3A_284 = tpu.memref_slice %arg3[%dma_start3A_283, %multiple_of3A_264] : memref<16x1000000xf32, #tpu.memory_space<hbm>> -> memref<16x128xf32, #tpu.memory_space<hbm>>
      %dma_start3A_285 = arith.constant 0 : i32
      %dma_start3A_286 = arith.constant 0 : i32
      %dma_start3A_287 = tpu.memref_slice %arg10[%dma_start3A_278, %dma_start3A_285, %dma_start3A_286] : memref<16x16x128xf32, #tpu.memory_space<vmem>> -> memref<1x16x128xf32, #tpu.memory_space<vmem>>
      %dma_start3A_288 = tpu.memref_squeeze %dma_start3A_287 : memref<1x16x128xf32, #tpu.memory_space<vmem>> -> memref<16x128xf32, #tpu.memory_space<vmem>>
      %dma_start3A_289 = arith.constant 0 : i32
      %dma_start3A_290 = tpu.memref_slice %arg3[%dma_start3A_289, %multiple_of3A_264] : memref<16x1000000xf32, #tpu.memory_space<hbm>> -> memref<16x128xf32, #tpu.memory_space<hbm>>
      tpu.enqueue_dma source(%dma_start3A_290 : memref<16x128xf32, #tpu.memory_space<hbm>>) target(%dma_start3A_288 : memref<16x128xf32, #tpu.memory_space<vmem>>) target_semaphore(%arg12 : memref<!tpu.dma_semaphore, #tpu.memory_space<semaphore_mem>>)
      %eq3A_291 = arith.constant 5 : i32
      %eq3A_292 = vector.broadcast %eq3A_291 : i32 to vector<16xi32>
      %eq3A_293 = arith.cmpi eq, %iota3A, %eq3A_292 : vector<16xi32>
      %jit3A_294 = arith.constant 0 : i32
      %broadcast_in_dim3A_295 = vector.broadcast %jit3A_294 : i32 to vector<16xi32>
      %select_n3A_296 = arith.select %eq3A_293, %get3A_14, %broadcast_in_dim3A_295 : vector<16xi1>, vector<16xi32>
      %reduce_sum3A_297 = arith.constant true
      %reduce_sum3A_298 = vector.broadcast %reduce_sum3A_297 : i1 to vector<16xi1>
      %reduce_sum3A_299 = tpu.scan <sum>, %select_n3A_296 masked %reduce_sum3A_298 : vector<16xi32>, vector<16xi1> -> vector<16xi32>
      %reduce_sum3A_300 = vector.extract %reduce_sum3A_299[15] : i32 from vector<16xi32>
      %eq3A_301 = arith.constant 5 : i32
      %eq3A_302 = vector.broadcast %eq3A_301 : i32 to vector<16xi32>
      %eq3A_303 = arith.cmpi eq, %iota3A, %eq3A_302 : vector<16xi32>
      %jit3A_304 = arith.constant 0 : i32
      %broadcast_in_dim3A_305 = vector.broadcast %jit3A_304 : i32 to vector<16xi32>
      %select_n3A_306 = arith.select %eq3A_303, %get3A_17, %broadcast_in_dim3A_305 : vector<16xi1>, vector<16xi32>
      %reduce_sum3A_307 = arith.constant true
      %reduce_sum3A_308 = vector.broadcast %reduce_sum3A_307 : i1 to vector<16xi1>
      %reduce_sum3A_309 = tpu.scan <sum>, %select_n3A_306 masked %reduce_sum3A_308 : vector<16xi32>, vector<16xi1> -> vector<16xi32>
      %reduce_sum3A_310 = vector.extract %reduce_sum3A_309[15] : i32 from vector<16xi32>
      %shift_right_arithmetic3A_311 = arith.constant 7 : i32
      %shift_right_arithmetic3A_312 = arith.shrsi %reduce_sum3A_300, %shift_right_arithmetic3A_311 : i32
      %mul3A_313 = arith.constant 128 : i32
      %mul3A_314 = arith.muli %shift_right_arithmetic3A_312, %mul3A_313 : i32
      %multiple_of3A_315 = tpu.assume_multiple %mul3A_314, 128 : i32
      %shift_right_arithmetic3A_316 = arith.constant 7 : i32
      %shift_right_arithmetic3A_317 = arith.shrsi %reduce_sum3A_310, %shift_right_arithmetic3A_316 : i32
      %mul3A_318 = arith.constant 128 : i32
      %mul3A_319 = arith.muli %shift_right_arithmetic3A_317, %mul3A_318 : i32
      %multiple_of3A_320 = tpu.assume_multiple %mul3A_319, 128 : i32
      %dma_start3A_321 = arith.constant 5 : i32
      %dma_start3A_322 = arith.constant 0 : i32
      %dma_start3A_323 = arith.constant 0 : i32
      %dma_start3A_324 = tpu.memref_slice %arg9[%dma_start3A_321, %dma_start3A_322, %dma_start3A_323] : memref<16x16x128xf32, #tpu.memory_space<vmem>> -> memref<1x16x128xf32, #tpu.memory_space<vmem>>
      %dma_start3A_325 = tpu.memref_squeeze %dma_start3A_324 : memref<1x16x128xf32, #tpu.memory_space<vmem>> -> memref<16x128xf32, #tpu.memory_space<vmem>>
      %dma_start3A_326 = arith.constant 0 : i32
      %dma_start3A_327 = tpu.memref_slice %arg2[%dma_start3A_326, %multiple_of3A_315] : memref<16x1000000xf32, #tpu.memory_space<hbm>> -> memref<16x128xf32, #tpu.memory_space<hbm>>
      %dma_start3A_328 = arith.constant 0 : i32
      %dma_start3A_329 = arith.constant 0 : i32
      %dma_start3A_330 = tpu.memref_slice %arg9[%dma_start3A_321, %dma_start3A_328, %dma_start3A_329] : memref<16x16x128xf32, #tpu.memory_space<vmem>> -> memref<1x16x128xf32, #tpu.memory_space<vmem>>
      %dma_start3A_331 = tpu.memref_squeeze %dma_start3A_330 : memref<1x16x128xf32, #tpu.memory_space<vmem>> -> memref<16x128xf32, #tpu.memory_space<vmem>>
      %dma_start3A_332 = arith.constant 0 : i32
      %dma_start3A_333 = tpu.memref_slice %arg2[%dma_start3A_332, %multiple_of3A_315] : memref<16x1000000xf32, #tpu.memory_space<hbm>> -> memref<16x128xf32, #tpu.memory_space<hbm>>
      tpu.enqueue_dma source(%dma_start3A_333 : memref<16x128xf32, #tpu.memory_space<hbm>>) target(%dma_start3A_331 : memref<16x128xf32, #tpu.memory_space<vmem>>) target_semaphore(%arg12 : memref<!tpu.dma_semaphore, #tpu.memory_space<semaphore_mem>>)
      %dma_start3A_334 = arith.constant 5 : i32
      %dma_start3A_335 = arith.constant 0 : i32
      %dma_start3A_336 = arith.constant 0 : i32
      %dma_start3A_337 = tpu.memref_slice %arg10[%dma_start3A_334, %dma_start3A_335, %dma_start3A_336] : memref<16x16x128xf32, #tpu.memory_space<vmem>> -> memref<1x16x128xf32, #tpu.memory_space<vmem>>
      %dma_start3A_338 = tpu.memref_squeeze %dma_start3A_337 : memref<1x16x128xf32, #tpu.memory_space<vmem>> -> memref<16x128xf32, #tpu.memory_space<vmem>>
      %dma_start3A_339 = arith.constant 0 : i32
      %dma_start3A_340 = tpu.memref_slice %arg3[%dma_start3A_339, %multiple_of3A_320] : memref<16x1000000xf32, #tpu.memory_space<hbm>> -> memref<16x128xf32, #tpu.memory_space<hbm>>
      %dma_start3A_341 = arith.constant 0 : i32
      %dma_start3A_342 = arith.constant 0 : i32
      %dma_start3A_343 = tpu.memref_slice %arg10[%dma_start3A_334, %dma_start3A_341, %dma_start3A_342] : memref<16x16x128xf32, #tpu.memory_space<vmem>> -> memref<1x16x128xf32, #tpu.memory_space<vmem>>
      %dma_start3A_344 = tpu.memref_squeeze %dma_start3A_343 : memref<1x16x128xf32, #tpu.memory_space<vmem>> -> memref<16x128xf32, #tpu.memory_space<vmem>>
      %dma_start3A_345 = arith.constant 0 : i32
      %dma_start3A_346 = tpu.memref_slice %arg3[%dma_start3A_345, %multiple_of3A_320] : memref<16x1000000xf32, #tpu.memory_space<hbm>> -> memref<16x128xf32, #tpu.memory_space<hbm>>
      tpu.enqueue_dma source(%dma_start3A_346 : memref<16x128xf32, #tpu.memory_space<hbm>>) target(%dma_start3A_344 : memref<16x128xf32, #tpu.memory_space<vmem>>) target_semaphore(%arg12 : memref<!tpu.dma_semaphore, #tpu.memory_space<semaphore_mem>>)
      %eq3A_347 = arith.constant 6 : i32
      %eq3A_348 = vector.broadcast %eq3A_347 : i32 to vector<16xi32>
      %eq3A_349 = arith.cmpi eq, %iota3A, %eq3A_348 : vector<16xi32>
      %jit3A_350 = arith.constant 0 : i32
      %broadcast_in_dim3A_351 = vector.broadcast %jit3A_350 : i32 to vector<16xi32>
      %select_n3A_352 = arith.select %eq3A_349, %get3A_14, %broadcast_in_dim3A_351 : vector<16xi1>, vector<16xi32>
      %reduce_sum3A_353 = arith.constant true
      %reduce_sum3A_354 = vector.broadcast %reduce_sum3A_353 : i1 to vector<16xi1>
      %reduce_sum3A_355 = tpu.scan <sum>, %select_n3A_352 masked %reduce_sum3A_354 : vector<16xi32>, vector<16xi1> -> vector<16xi32>
      %reduce_sum3A_356 = vector.extract %reduce_sum3A_355[15] : i32 from vector<16xi32>
      %eq3A_357 = arith.constant 6 : i32
      %eq3A_358 = vector.broadcast %eq3A_357 : i32 to vector<16xi32>
      %eq3A_359 = arith.cmpi eq, %iota3A, %eq3A_358 : vector<16xi32>
      %jit3A_360 = arith.constant 0 : i32
      %broadcast_in_dim3A_361 = vector.broadcast %jit3A_360 : i32 to vector<16xi32>
      %select_n3A_362 = arith.select %eq3A_359, %get3A_17, %broadcast_in_dim3A_361 : vector<16xi1>, vector<16xi32>
      %reduce_sum3A_363 = arith.constant true
      %reduce_sum3A_364 = vector.broadcast %reduce_sum3A_363 : i1 to vector<16xi1>
      %reduce_sum3A_365 = tpu.scan <sum>, %select_n3A_362 masked %reduce_sum3A_364 : vector<16xi32>, vector<16xi1> -> vector<16xi32>
      %reduce_sum3A_366 = vector.extract %reduce_sum3A_365[15] : i32 from vector<16xi32>
      %shift_right_arithmetic3A_367 = arith.constant 7 : i32
      %shift_right_arithmetic3A_368 = arith.shrsi %reduce_sum3A_356, %shift_right_arithmetic3A_367 : i32
      %mul3A_369 = arith.constant 128 : i32
      %mul3A_370 = arith.muli %shift_right_arithmetic3A_368, %mul3A_369 : i32
      %multiple_of3A_371 = tpu.assume_multiple %mul3A_370, 128 : i32
      %shift_right_arithmetic3A_372 = arith.constant 7 : i32
      %shift_right_arithmetic3A_373 = arith.shrsi %reduce_sum3A_366, %shift_right_arithmetic3A_372 : i32
      %mul3A_374 = arith.constant 128 : i32
      %mul3A_375 = arith.muli %shift_right_arithmetic3A_373, %mul3A_374 : i32
      %multiple_of3A_376 = tpu.assume_multiple %mul3A_375, 128 : i32
      %dma_start3A_377 = arith.constant 6 : i32
      %dma_start3A_378 = arith.constant 0 : i32
      %dma_start3A_379 = arith.constant 0 : i32
      %dma_start3A_380 = tpu.memref_slice %arg9[%dma_start3A_377, %dma_start3A_378, %dma_start3A_379] : memref<16x16x128xf32, #tpu.memory_space<vmem>> -> memref<1x16x128xf32, #tpu.memory_space<vmem>>
      %dma_start3A_381 = tpu.memref_squeeze %dma_start3A_380 : memref<1x16x128xf32, #tpu.memory_space<vmem>> -> memref<16x128xf32, #tpu.memory_space<vmem>>
      %dma_start3A_382 = arith.constant 0 : i32
      %dma_start3A_383 = tpu.memref_slice %arg2[%dma_start3A_382, %multiple_of3A_371] : memref<16x1000000xf32, #tpu.memory_space<hbm>> -> memref<16x128xf32, #tpu.memory_space<hbm>>
      %dma_start3A_384 = arith.constant 0 : i32
      %dma_start3A_385 = arith.constant 0 : i32
      %dma_start3A_386 = tpu.memref_slice %arg9[%dma_start3A_377, %dma_start3A_384, %dma_start3A_385] : memref<16x16x128xf32, #tpu.memory_space<vmem>> -> memref<1x16x128xf32, #tpu.memory_space<vmem>>
      %dma_start3A_387 = tpu.memref_squeeze %dma_start3A_386 : memref<1x16x128xf32, #tpu.memory_space<vmem>> -> memref<16x128xf32, #tpu.memory_space<vmem>>
      %dma_start3A_388 = arith.constant 0 : i32
      %dma_start3A_389 = tpu.memref_slice %arg2[%dma_start3A_388, %multiple_of3A_371] : memref<16x1000000xf32, #tpu.memory_space<hbm>> -> memref<16x128xf32, #tpu.memory_space<hbm>>
      tpu.enqueue_dma source(%dma_start3A_389 : memref<16x128xf32, #tpu.memory_space<hbm>>) target(%dma_start3A_387 : memref<16x128xf32, #tpu.memory_space<vmem>>) target_semaphore(%arg12 : memref<!tpu.dma_semaphore, #tpu.memory_space<semaphore_mem>>)
      %dma_start3A_390 = arith.constant 6 : i32
      %dma_start3A_391 = arith.constant 0 : i32
      %dma_start3A_392 = arith.constant 0 : i32
      %dma_start3A_393 = tpu.memref_slice %arg10[%dma_start3A_390, %dma_start3A_391, %dma_start3A_392] : memref<16x16x128xf32, #tpu.memory_space<vmem>> -> memref<1x16x128xf32, #tpu.memory_space<vmem>>
      %dma_start3A_394 = tpu.memref_squeeze %dma_start3A_393 : memref<1x16x128xf32, #tpu.memory_space<vmem>> -> memref<16x128xf32, #tpu.memory_space<vmem>>
      %dma_start3A_395 = arith.constant 0 : i32
      %dma_start3A_396 = tpu.memref_slice %arg3[%dma_start3A_395, %multiple_of3A_376] : memref<16x1000000xf32, #tpu.memory_space<hbm>> -> memref<16x128xf32, #tpu.memory_space<hbm>>
      %dma_start3A_397 = arith.constant 0 : i32
      %dma_start3A_398 = arith.constant 0 : i32
      %dma_start3A_399 = tpu.memref_slice %arg10[%dma_start3A_390, %dma_start3A_397, %dma_start3A_398] : memref<16x16x128xf32, #tpu.memory_space<vmem>> -> memref<1x16x128xf32, #tpu.memory_space<vmem>>
      %dma_start3A_400 = tpu.memref_squeeze %dma_start3A_399 : memref<1x16x128xf32, #tpu.memory_space<vmem>> -> memref<16x128xf32, #tpu.memory_space<vmem>>
      %dma_start3A_401 = arith.constant 0 : i32
      %dma_start3A_402 = tpu.memref_slice %arg3[%dma_start3A_401, %multiple_of3A_376] : memref<16x1000000xf32, #tpu.memory_space<hbm>> -> memref<16x128xf32, #tpu.memory_space<hbm>>
      tpu.enqueue_dma source(%dma_start3A_402 : memref<16x128xf32, #tpu.memory_space<hbm>>) target(%dma_start3A_400 : memref<16x128xf32, #tpu.memory_space<vmem>>) target_semaphore(%arg12 : memref<!tpu.dma_semaphore, #tpu.memory_space<semaphore_mem>>)
      %eq3A_403 = arith.constant 7 : i32
      %eq3A_404 = vector.broadcast %eq3A_403 : i32 to vector<16xi32>
      %eq3A_405 = arith.cmpi eq, %iota3A, %eq3A_404 : vector<16xi32>
      %jit3A_406 = arith.constant 0 : i32
      %broadcast_in_dim3A_407 = vector.broadcast %jit3A_406 : i32 to vector<16xi32>
      %select_n3A_408 = arith.select %eq3A_405, %get3A_14, %broadcast_in_dim3A_407 : vector<16xi1>, vector<16xi32>
      %reduce_sum3A_409 = arith.constant true
      %reduce_sum3A_410 = vector.broadcast %reduce_sum3A_409 : i1 to vector<16xi1>
      %reduce_sum3A_411 = tpu.scan <sum>, %select_n3A_408 masked %reduce_sum3A_410 : vector<16xi32>, vector<16xi1> -> vector<16xi32>
      %reduce_sum3A_412 = vector.extract %reduce_sum3A_411[15] : i32 from vector<16xi32>
      %eq3A_413 = arith.constant 7 : i32
      %eq3A_414 = vector.broadcast %eq3A_413 : i32 to vector<16xi32>
      %eq3A_415 = arith.cmpi eq, %iota3A, %eq3A_414 : vector<16xi32>
      %jit3A_416 = arith.constant 0 : i32
      %broadcast_in_dim3A_417 = vector.broadcast %jit3A_416 : i32 to vector<16xi32>
      %select_n3A_418 = arith.select %eq3A_415, %get3A_17, %broadcast_in_dim3A_417 : vector<16xi1>, vector<16xi32>
      %reduce_sum3A_419 = arith.constant true
      %reduce_sum3A_420 = vector.broadcast %reduce_sum3A_419 : i1 to vector<16xi1>
      %reduce_sum3A_421 = tpu.scan <sum>, %select_n3A_418 masked %reduce_sum3A_420 : vector<16xi32>, vector<16xi1> -> vector<16xi32>
      %reduce_sum3A_422 = vector.extract %reduce_sum3A_421[15] : i32 from vector<16xi32>
      %shift_right_arithmetic3A_423 = arith.constant 7 : i32
      %shift_right_arithmetic3A_424 = arith.shrsi %reduce_sum3A_412, %shift_right_arithmetic3A_423 : i32
      %mul3A_425 = arith.constant 128 : i32
      %mul3A_426 = arith.muli %shift_right_arithmetic3A_424, %mul3A_425 : i32
      %multiple_of3A_427 = tpu.assume_multiple %mul3A_426, 128 : i32
      %shift_right_arithmetic3A_428 = arith.constant 7 : i32
      %shift_right_arithmetic3A_429 = arith.shrsi %reduce_sum3A_422, %shift_right_arithmetic3A_428 : i32
      %mul3A_430 = arith.constant 128 : i32
      %mul3A_431 = arith.muli %shift_right_arithmetic3A_429, %mul3A_430 : i32
      %multiple_of3A_432 = tpu.assume_multiple %mul3A_431, 128 : i32
      %dma_start3A_433 = arith.constant 7 : i32
      %dma_start3A_434 = arith.constant 0 : i32
      %dma_start3A_435 = arith.constant 0 : i32
      %dma_start3A_436 = tpu.memref_slice %arg9[%dma_start3A_433, %dma_start3A_434, %dma_start3A_435] : memref<16x16x128xf32, #tpu.memory_space<vmem>> -> memref<1x16x128xf32, #tpu.memory_space<vmem>>
      %dma_start3A_437 = tpu.memref_squeeze %dma_start3A_436 : memref<1x16x128xf32, #tpu.memory_space<vmem>> -> memref<16x128xf32, #tpu.memory_space<vmem>>
      %dma_start3A_438 = arith.constant 0 : i32
      %dma_start3A_439 = tpu.memref_slice %arg2[%dma_start3A_438, %multiple_of3A_427] : memref<16x1000000xf32, #tpu.memory_space<hbm>> -> memref<16x128xf32, #tpu.memory_space<hbm>>
      %dma_start3A_440 = arith.constant 0 : i32
      %dma_start3A_441 = arith.constant 0 : i32
      %dma_start3A_442 = tpu.memref_slice %arg9[%dma_start3A_433, %dma_start3A_440, %dma_start3A_441] : memref<16x16x128xf32, #tpu.memory_space<vmem>> -> memref<1x16x128xf32, #tpu.memory_space<vmem>>
      %dma_start3A_443 = tpu.memref_squeeze %dma_start3A_442 : memref<1x16x128xf32, #tpu.memory_space<vmem>> -> memref<16x128xf32, #tpu.memory_space<vmem>>
      %dma_start3A_444 = arith.constant 0 : i32
      %dma_start3A_445 = tpu.memref_slice %arg2[%dma_start3A_444, %multiple_of3A_427] : memref<16x1000000xf32, #tpu.memory_space<hbm>> -> memref<16x128xf32, #tpu.memory_space<hbm>>
      tpu.enqueue_dma source(%dma_start3A_445 : memref<16x128xf32, #tpu.memory_space<hbm>>) target(%dma_start3A_443 : memref<16x128xf32, #tpu.memory_space<vmem>>) target_semaphore(%arg12 : memref<!tpu.dma_semaphore, #tpu.memory_space<semaphore_mem>>)
      %dma_start3A_446 = arith.constant 7 : i32
      %dma_start3A_447 = arith.constant 0 : i32
      %dma_start3A_448 = arith.constant 0 : i32
      %dma_start3A_449 = tpu.memref_slice %arg10[%dma_start3A_446, %dma_start3A_447, %dma_start3A_448] : memref<16x16x128xf32, #tpu.memory_space<vmem>> -> memref<1x16x128xf32, #tpu.memory_space<vmem>>
      %dma_start3A_450 = tpu.memref_squeeze %dma_start3A_449 : memref<1x16x128xf32, #tpu.memory_space<vmem>> -> memref<16x128xf32, #tpu.memory_space<vmem>>
      %dma_start3A_451 = arith.constant 0 : i32
      %dma_start3A_452 = tpu.memref_slice %arg3[%dma_start3A_451, %multiple_of3A_432] : memref<16x1000000xf32, #tpu.memory_space<hbm>> -> memref<16x128xf32, #tpu.memory_space<hbm>>
      %dma_start3A_453 = arith.constant 0 : i32
      %dma_start3A_454 = arith.constant 0 : i32
      %dma_start3A_455 = tpu.memref_slice %arg10[%dma_start3A_446, %dma_start3A_453, %dma_start3A_454] : memref<16x16x128xf32, #tpu.memory_space<vmem>> -> memref<1x16x128xf32, #tpu.memory_space<vmem>>
      %dma_start3A_456 = tpu.memref_squeeze %dma_start3A_455 : memref<1x16x128xf32, #tpu.memory_space<vmem>> -> memref<16x128xf32, #tpu.memory_space<vmem>>
      %dma_start3A_457 = arith.constant 0 : i32
      %dma_start3A_458 = tpu.memref_slice %arg3[%dma_start3A_457, %multiple_of3A_432] : memref<16x1000000xf32, #tpu.memory_space<hbm>> -> memref<16x128xf32, #tpu.memory_space<hbm>>
      tpu.enqueue_dma source(%dma_start3A_458 : memref<16x128xf32, #tpu.memory_space<hbm>>) target(%dma_start3A_456 : memref<16x128xf32, #tpu.memory_space<vmem>>) target_semaphore(%arg12 : memref<!tpu.dma_semaphore, #tpu.memory_space<semaphore_mem>>)
      %eq3A_459 = arith.constant 8 : i32
      %eq3A_460 = vector.broadcast %eq3A_459 : i32 to vector<16xi32>
      %eq3A_461 = arith.cmpi eq, %iota3A, %eq3A_460 : vector<16xi32>
      %jit3A_462 = arith.constant 0 : i32
      %broadcast_in_dim3A_463 = vector.broadcast %jit3A_462 : i32 to vector<16xi32>
      %select_n3A_464 = arith.select %eq3A_461, %get3A_14, %broadcast_in_dim3A_463 : vector<16xi1>, vector<16xi32>
      %reduce_sum3A_465 = arith.constant true
      %reduce_sum3A_466 = vector.broadcast %reduce_sum3A_465 : i1 to vector<16xi1>
      %reduce_sum3A_467 = tpu.scan <sum>, %select_n3A_464 masked %reduce_sum3A_466 : vector<16xi32>, vector<16xi1> -> vector<16xi32>
      %reduce_sum3A_468 = vector.extract %reduce_sum3A_467[15] : i32 from vector<16xi32>
      %eq3A_469 = arith.constant 8 : i32
      %eq3A_470 = vector.broadcast %eq3A_469 : i32 to vector<16xi32>
      %eq3A_471 = arith.cmpi eq, %iota3A, %eq3A_470 : vector<16xi32>
      %jit3A_472 = arith.constant 0 : i32
      %broadcast_in_dim3A_473 = vector.broadcast %jit3A_472 : i32 to vector<16xi32>
      %select_n3A_474 = arith.select %eq3A_471, %get3A_17, %broadcast_in_dim3A_473 : vector<16xi1>, vector<16xi32>
      %reduce_sum3A_475 = arith.constant true
      %reduce_sum3A_476 = vector.broadcast %reduce_sum3A_475 : i1 to vector<16xi1>
      %reduce_sum3A_477 = tpu.scan <sum>, %select_n3A_474 masked %reduce_sum3A_476 : vector<16xi32>, vector<16xi1> -> vector<16xi32>
      %reduce_sum3A_478 = vector.extract %reduce_sum3A_477[15] : i32 from vector<16xi32>
      %shift_right_arithmetic3A_479 = arith.constant 7 : i32
      %shift_right_arithmetic3A_480 = arith.shrsi %reduce_sum3A_468, %shift_right_arithmetic3A_479 : i32
      %mul3A_481 = arith.constant 128 : i32
      %mul3A_482 = arith.muli %shift_right_arithmetic3A_480, %mul3A_481 : i32
      %multiple_of3A_483 = tpu.assume_multiple %mul3A_482, 128 : i32
      %shift_right_arithmetic3A_484 = arith.constant 7 : i32
      %shift_right_arithmetic3A_485 = arith.shrsi %reduce_sum3A_478, %shift_right_arithmetic3A_484 : i32
      %mul3A_486 = arith.constant 128 : i32
      %mul3A_487 = arith.muli %shift_right_arithmetic3A_485, %mul3A_486 : i32
      %multiple_of3A_488 = tpu.assume_multiple %mul3A_487, 128 : i32
      %dma_start3A_489 = arith.constant 8 : i32
      %dma_start3A_490 = arith.constant 0 : i32
      %dma_start3A_491 = arith.constant 0 : i32
      %dma_start3A_492 = tpu.memref_slice %arg9[%dma_start3A_489, %dma_start3A_490, %dma_start3A_491] : memref<16x16x128xf32, #tpu.memory_space<vmem>> -> memref<1x16x128xf32, #tpu.memory_space<vmem>>
      %dma_start3A_493 = tpu.memref_squeeze %dma_start3A_492 : memref<1x16x128xf32, #tpu.memory_space<vmem>> -> memref<16x128xf32, #tpu.memory_space<vmem>>
      %dma_start3A_494 = arith.constant 0 : i32
      %dma_start3A_495 = tpu.memref_slice %arg2[%dma_start3A_494, %multiple_of3A_483] : memref<16x1000000xf32, #tpu.memory_space<hbm>> -> memref<16x128xf32, #tpu.memory_space<hbm>>
      %dma_start3A_496 = arith.constant 0 : i32
      %dma_start3A_497 = arith.constant 0 : i32
      %dma_start3A_498 = tpu.memref_slice %arg9[%dma_start3A_489, %dma_start3A_496, %dma_start3A_497] : memref<16x16x128xf32, #tpu.memory_space<vmem>> -> memref<1x16x128xf32, #tpu.memory_space<vmem>>
      %dma_start3A_499 = tpu.memref_squeeze %dma_start3A_498 : memref<1x16x128xf32, #tpu.memory_space<vmem>> -> memref<16x128xf32, #tpu.memory_space<vmem>>
      %dma_start3A_500 = arith.constant 0 : i32
      %dma_start3A_501 = tpu.memref_slice %arg2[%dma_start3A_500, %multiple_of3A_483] : memref<16x1000000xf32, #tpu.memory_space<hbm>> -> memref<16x128xf32, #tpu.memory_space<hbm>>
      tpu.enqueue_dma source(%dma_start3A_501 : memref<16x128xf32, #tpu.memory_space<hbm>>) target(%dma_start3A_499 : memref<16x128xf32, #tpu.memory_space<vmem>>) target_semaphore(%arg12 : memref<!tpu.dma_semaphore, #tpu.memory_space<semaphore_mem>>)
      %dma_start3A_502 = arith.constant 8 : i32
      %dma_start3A_503 = arith.constant 0 : i32
      %dma_start3A_504 = arith.constant 0 : i32
      %dma_start3A_505 = tpu.memref_slice %arg10[%dma_start3A_502, %dma_start3A_503, %dma_start3A_504] : memref<16x16x128xf32, #tpu.memory_space<vmem>> -> memref<1x16x128xf32, #tpu.memory_space<vmem>>
      %dma_start3A_506 = tpu.memref_squeeze %dma_start3A_505 : memref<1x16x128xf32, #tpu.memory_space<vmem>> -> memref<16x128xf32, #tpu.memory_space<vmem>>
      %dma_start3A_507 = arith.constant 0 : i32
      %dma_start3A_508 = tpu.memref_slice %arg3[%dma_start3A_507, %multiple_of3A_488] : memref<16x1000000xf32, #tpu.memory_space<hbm>> -> memref<16x128xf32, #tpu.memory_space<hbm>>
      %dma_start3A_509 = arith.constant 0 : i32
      %dma_start3A_510 = arith.constant 0 : i32
      %dma_start3A_511 = tpu.memref_slice %arg10[%dma_start3A_502, %dma_start3A_509, %dma_start3A_510] : memref<16x16x128xf32, #tpu.memory_space<vmem>> -> memref<1x16x128xf32, #tpu.memory_space<vmem>>
      %dma_start3A_512 = tpu.memref_squeeze %dma_start3A_511 : memref<1x16x128xf32, #tpu.memory_space<vmem>> -> memref<16x128xf32, #tpu.memory_space<vmem>>
      %dma_start3A_513 = arith.constant 0 : i32
      %dma_start3A_514 = tpu.memref_slice %arg3[%dma_start3A_513, %multiple_of3A_488] : memref<16x1000000xf32, #tpu.memory_space<hbm>> -> memref<16x128xf32, #tpu.memory_space<hbm>>
      tpu.enqueue_dma source(%dma_start3A_514 : memref<16x128xf32, #tpu.memory_space<hbm>>) target(%dma_start3A_512 : memref<16x128xf32, #tpu.memory_space<vmem>>) target_semaphore(%arg12 : memref<!tpu.dma_semaphore, #tpu.memory_space<semaphore_mem>>)
      %eq3A_515 = arith.constant 9 : i32
      %eq3A_516 = vector.broadcast %eq3A_515 : i32 to vector<16xi32>
      %eq3A_517 = arith.cmpi eq, %iota3A, %eq3A_516 : vector<16xi32>
      %jit3A_518 = arith.constant 0 : i32
      %broadcast_in_dim3A_519 = vector.broadcast %jit3A_518 : i32 to vector<16xi32>
      %select_n3A_520 = arith.select %eq3A_517, %get3A_14, %broadcast_in_dim3A_519 : vector<16xi1>, vector<16xi32>
      %reduce_sum3A_521 = arith.constant true
      %reduce_sum3A_522 = vector.broadcast %reduce_sum3A_521 : i1 to vector<16xi1>
      %reduce_sum3A_523 = tpu.scan <sum>, %select_n3A_520 masked %reduce_sum3A_522 : vector<16xi32>, vector<16xi1> -> vector<16xi32>
      %reduce_sum3A_524 = vector.extract %reduce_sum3A_523[15] : i32 from vector<16xi32>
      %eq3A_525 = arith.constant 9 : i32
      %eq3A_526 = vector.broadcast %eq3A_525 : i32 to vector<16xi32>
      %eq3A_527 = arith.cmpi eq, %iota3A, %eq3A_526 : vector<16xi32>
      %jit3A_528 = arith.constant 0 : i32
      %broadcast_in_dim3A_529 = vector.broadcast %jit3A_528 : i32 to vector<16xi32>
      %select_n3A_530 = arith.select %eq3A_527, %get3A_17, %broadcast_in_dim3A_529 : vector<16xi1>, vector<16xi32>
      %reduce_sum3A_531 = arith.constant true
      %reduce_sum3A_532 = vector.broadcast %reduce_sum3A_531 : i1 to vector<16xi1>
      %reduce_sum3A_533 = tpu.scan <sum>, %select_n3A_530 masked %reduce_sum3A_532 : vector<16xi32>, vector<16xi1> -> vector<16xi32>
      %reduce_sum3A_534 = vector.extract %reduce_sum3A_533[15] : i32 from vector<16xi32>
      %shift_right_arithmetic3A_535 = arith.constant 7 : i32
      %shift_right_arithmetic3A_536 = arith.shrsi %reduce_sum3A_524, %shift_right_arithmetic3A_535 : i32
      %mul3A_537 = arith.constant 128 : i32
      %mul3A_538 = arith.muli %shift_right_arithmetic3A_536, %mul3A_537 : i32
      %multiple_of3A_539 = tpu.assume_multiple %mul3A_538, 128 : i32
      %shift_right_arithmetic3A_540 = arith.constant 7 : i32
      %shift_right_arithmetic3A_541 = arith.shrsi %reduce_sum3A_534, %shift_right_arithmetic3A_540 : i32
      %mul3A_542 = arith.constant 128 : i32
      %mul3A_543 = arith.muli %shift_right_arithmetic3A_541, %mul3A_542 : i32
      %multiple_of3A_544 = tpu.assume_multiple %mul3A_543, 128 : i32
      %dma_start3A_545 = arith.constant 9 : i32
      %dma_start3A_546 = arith.constant 0 : i32
      %dma_start3A_547 = arith.constant 0 : i32
      %dma_start3A_548 = tpu.memref_slice %arg9[%dma_start3A_545, %dma_start3A_546, %dma_start3A_547] : memref<16x16x128xf32, #tpu.memory_space<vmem>> -> memref<1x16x128xf32, #tpu.memory_space<vmem>>
      %dma_start3A_549 = tpu.memref_squeeze %dma_start3A_548 : memref<1x16x128xf32, #tpu.memory_space<vmem>> -> memref<16x128xf32, #tpu.memory_space<vmem>>
      %dma_start3A_550 = arith.constant 0 : i32
      %dma_start3A_551 = tpu.memref_slice %arg2[%dma_start3A_550, %multiple_of3A_539] : memref<16x1000000xf32, #tpu.memory_space<hbm>> -> memref<16x128xf32, #tpu.memory_space<hbm>>
      %dma_start3A_552 = arith.constant 0 : i32
      %dma_start3A_553 = arith.constant 0 : i32
      %dma_start3A_554 = tpu.memref_slice %arg9[%dma_start3A_545, %dma_start3A_552, %dma_start3A_553] : memref<16x16x128xf32, #tpu.memory_space<vmem>> -> memref<1x16x128xf32, #tpu.memory_space<vmem>>
      %dma_start3A_555 = tpu.memref_squeeze %dma_start3A_554 : memref<1x16x128xf32, #tpu.memory_space<vmem>> -> memref<16x128xf32, #tpu.memory_space<vmem>>
      %dma_start3A_556 = arith.constant 0 : i32
      %dma_start3A_557 = tpu.memref_slice %arg2[%dma_start3A_556, %multiple_of3A_539] : memref<16x1000000xf32, #tpu.memory_space<hbm>> -> memref<16x128xf32, #tpu.memory_space<hbm>>
      tpu.enqueue_dma source(%dma_start3A_557 : memref<16x128xf32, #tpu.memory_space<hbm>>) target(%dma_start3A_555 : memref<16x128xf32, #tpu.memory_space<vmem>>) target_semaphore(%arg12 : memref<!tpu.dma_semaphore, #tpu.memory_space<semaphore_mem>>)
      %dma_start3A_558 = arith.constant 9 : i32
      %dma_start3A_559 = arith.constant 0 : i32
      %dma_start3A_560 = arith.constant 0 : i32
      %dma_start3A_561 = tpu.memref_slice %arg10[%dma_start3A_558, %dma_start3A_559, %dma_start3A_560] : memref<16x16x128xf32, #tpu.memory_space<vmem>> -> memref<1x16x128xf32, #tpu.memory_space<vmem>>
      %dma_start3A_562 = tpu.memref_squeeze %dma_start3A_561 : memref<1x16x128xf32, #tpu.memory_space<vmem>> -> memref<16x128xf32, #tpu.memory_space<vmem>>
      %dma_start3A_563 = arith.constant 0 : i32
      %dma_start3A_564 = tpu.memref_slice %arg3[%dma_start3A_563, %multiple_of3A_544] : memref<16x1000000xf32, #tpu.memory_space<hbm>> -> memref<16x128xf32, #tpu.memory_space<hbm>>
      %dma_start3A_565 = arith.constant 0 : i32
      %dma_start3A_566 = arith.constant 0 : i32
      %dma_start3A_567 = tpu.memref_slice %arg10[%dma_start3A_558, %dma_start3A_565, %dma_start3A_566] : memref<16x16x128xf32, #tpu.memory_space<vmem>> -> memref<1x16x128xf32, #tpu.memory_space<vmem>>
      %dma_start3A_568 = tpu.memref_squeeze %dma_start3A_567 : memref<1x16x128xf32, #tpu.memory_space<vmem>> -> memref<16x128xf32, #tpu.memory_space<vmem>>
      %dma_start3A_569 = arith.constant 0 : i32
      %dma_start3A_570 = tpu.memref_slice %arg3[%dma_start3A_569, %multiple_of3A_544] : memref<16x1000000xf32, #tpu.memory_space<hbm>> -> memref<16x128xf32, #tpu.memory_space<hbm>>
      tpu.enqueue_dma source(%dma_start3A_570 : memref<16x128xf32, #tpu.memory_space<hbm>>) target(%dma_start3A_568 : memref<16x128xf32, #tpu.memory_space<vmem>>) target_semaphore(%arg12 : memref<!tpu.dma_semaphore, #tpu.memory_space<semaphore_mem>>)
      %eq3A_571 = arith.constant 10 : i32
      %eq3A_572 = vector.broadcast %eq3A_571 : i32 to vector<16xi32>
      %eq3A_573 = arith.cmpi eq, %iota3A, %eq3A_572 : vector<16xi32>
      %jit3A_574 = arith.constant 0 : i32
      %broadcast_in_dim3A_575 = vector.broadcast %jit3A_574 : i32 to vector<16xi32>
      %select_n3A_576 = arith.select %eq3A_573, %get3A_14, %broadcast_in_dim3A_575 : vector<16xi1>, vector<16xi32>
      %reduce_sum3A_577 = arith.constant true
      %reduce_sum3A_578 = vector.broadcast %reduce_sum3A_577 : i1 to vector<16xi1>
      %reduce_sum3A_579 = tpu.scan <sum>, %select_n3A_576 masked %reduce_sum3A_578 : vector<16xi32>, vector<16xi1> -> vector<16xi32>
      %reduce_sum3A_580 = vector.extract %reduce_sum3A_579[15] : i32 from vector<16xi32>
      %eq3A_581 = arith.constant 10 : i32
      %eq3A_582 = vector.broadcast %eq3A_581 : i32 to vector<16xi32>
      %eq3A_583 = arith.cmpi eq, %iota3A, %eq3A_582 : vector<16xi32>
      %jit3A_584 = arith.constant 0 : i32
      %broadcast_in_dim3A_585 = vector.broadcast %jit3A_584 : i32 to vector<16xi32>
      %select_n3A_586 = arith.select %eq3A_583, %get3A_17, %broadcast_in_dim3A_585 : vector<16xi1>, vector<16xi32>
      %reduce_sum3A_587 = arith.constant true
      %reduce_sum3A_588 = vector.broadcast %reduce_sum3A_587 : i1 to vector<16xi1>
      %reduce_sum3A_589 = tpu.scan <sum>, %select_n3A_586 masked %reduce_sum3A_588 : vector<16xi32>, vector<16xi1> -> vector<16xi32>
      %reduce_sum3A_590 = vector.extract %reduce_sum3A_589[15] : i32 from vector<16xi32>
      %shift_right_arithmetic3A_591 = arith.constant 7 : i32
      %shift_right_arithmetic3A_592 = arith.shrsi %reduce_sum3A_580, %shift_right_arithmetic3A_591 : i32
      %mul3A_593 = arith.constant 128 : i32
      %mul3A_594 = arith.muli %shift_right_arithmetic3A_592, %mul3A_593 : i32
      %multiple_of3A_595 = tpu.assume_multiple %mul3A_594, 128 : i32
      %shift_right_arithmetic3A_596 = arith.constant 7 : i32
      %shift_right_arithmetic3A_597 = arith.shrsi %reduce_sum3A_590, %shift_right_arithmetic3A_596 : i32
      %mul3A_598 = arith.constant 128 : i32
      %mul3A_599 = arith.muli %shift_right_arithmetic3A_597, %mul3A_598 : i32
      %multiple_of3A_600 = tpu.assume_multiple %mul3A_599, 128 : i32
      %dma_start3A_601 = arith.constant 10 : i32
      %dma_start3A_602 = arith.constant 0 : i32
      %dma_start3A_603 = arith.constant 0 : i32
      %dma_start3A_604 = tpu.memref_slice %arg9[%dma_start3A_601, %dma_start3A_602, %dma_start3A_603] : memref<16x16x128xf32, #tpu.memory_space<vmem>> -> memref<1x16x128xf32, #tpu.memory_space<vmem>>
      %dma_start3A_605 = tpu.memref_squeeze %dma_start3A_604 : memref<1x16x128xf32, #tpu.memory_space<vmem>> -> memref<16x128xf32, #tpu.memory_space<vmem>>
      %dma_start3A_606 = arith.constant 0 : i32
      %dma_start3A_607 = tpu.memref_slice %arg2[%dma_start3A_606, %multiple_of3A_595] : memref<16x1000000xf32, #tpu.memory_space<hbm>> -> memref<16x128xf32, #tpu.memory_space<hbm>>
      %dma_start3A_608 = arith.constant 0 : i32
      %dma_start3A_609 = arith.constant 0 : i32
      %dma_start3A_610 = tpu.memref_slice %arg9[%dma_start3A_601, %dma_start3A_608, %dma_start3A_609] : memref<16x16x128xf32, #tpu.memory_space<vmem>> -> memref<1x16x128xf32, #tpu.memory_space<vmem>>
      %dma_start3A_611 = tpu.memref_squeeze %dma_start3A_610 : memref<1x16x128xf32, #tpu.memory_space<vmem>> -> memref<16x128xf32, #tpu.memory_space<vmem>>
      %dma_start3A_612 = arith.constant 0 : i32
      %dma_start3A_613 = tpu.memref_slice %arg2[%dma_start3A_612, %multiple_of3A_595] : memref<16x1000000xf32, #tpu.memory_space<hbm>> -> memref<16x128xf32, #tpu.memory_space<hbm>>
      tpu.enqueue_dma source(%dma_start3A_613 : memref<16x128xf32, #tpu.memory_space<hbm>>) target(%dma_start3A_611 : memref<16x128xf32, #tpu.memory_space<vmem>>) target_semaphore(%arg12 : memref<!tpu.dma_semaphore, #tpu.memory_space<semaphore_mem>>)
      %dma_start3A_614 = arith.constant 10 : i32
      %dma_start3A_615 = arith.constant 0 : i32
      %dma_start3A_616 = arith.constant 0 : i32
      %dma_start3A_617 = tpu.memref_slice %arg10[%dma_start3A_614, %dma_start3A_615, %dma_start3A_616] : memref<16x16x128xf32, #tpu.memory_space<vmem>> -> memref<1x16x128xf32, #tpu.memory_space<vmem>>
      %dma_start3A_618 = tpu.memref_squeeze %dma_start3A_617 : memref<1x16x128xf32, #tpu.memory_space<vmem>> -> memref<16x128xf32, #tpu.memory_space<vmem>>
      %dma_start3A_619 = arith.constant 0 : i32
      %dma_start3A_620 = tpu.memref_slice %arg3[%dma_start3A_619, %multiple_of3A_600] : memref<16x1000000xf32, #tpu.memory_space<hbm>> -> memref<16x128xf32, #tpu.memory_space<hbm>>
      %dma_start3A_621 = arith.constant 0 : i32
      %dma_start3A_622 = arith.constant 0 : i32
      %dma_start3A_623 = tpu.memref_slice %arg10[%dma_start3A_614, %dma_start3A_621, %dma_start3A_622] : memref<16x16x128xf32, #tpu.memory_space<vmem>> -> memref<1x16x128xf32, #tpu.memory_space<vmem>>
      %dma_start3A_624 = tpu.memref_squeeze %dma_start3A_623 : memref<1x16x128xf32, #tpu.memory_space<vmem>> -> memref<16x128xf32, #tpu.memory_space<vmem>>
      %dma_start3A_625 = arith.constant 0 : i32
      %dma_start3A_626 = tpu.memref_slice %arg3[%dma_start3A_625, %multiple_of3A_600] : memref<16x1000000xf32, #tpu.memory_space<hbm>> -> memref<16x128xf32, #tpu.memory_space<hbm>>
      tpu.enqueue_dma source(%dma_start3A_626 : memref<16x128xf32, #tpu.memory_space<hbm>>) target(%dma_start3A_624 : memref<16x128xf32, #tpu.memory_space<vmem>>) target_semaphore(%arg12 : memref<!tpu.dma_semaphore, #tpu.memory_space<semaphore_mem>>)
      %eq3A_627 = arith.constant 11 : i32
      %eq3A_628 = vector.broadcast %eq3A_627 : i32 to vector<16xi32>
      %eq3A_629 = arith.cmpi eq, %iota3A, %eq3A_628 : vector<16xi32>
      %jit3A_630 = arith.constant 0 : i32
      %broadcast_in_dim3A_631 = vector.broadcast %jit3A_630 : i32 to vector<16xi32>
      %select_n3A_632 = arith.select %eq3A_629, %get3A_14, %broadcast_in_dim3A_631 : vector<16xi1>, vector<16xi32>
      %reduce_sum3A_633 = arith.constant true
      %reduce_sum3A_634 = vector.broadcast %reduce_sum3A_633 : i1 to vector<16xi1>
      %reduce_sum3A_635 = tpu.scan <sum>, %select_n3A_632 masked %reduce_sum3A_634 : vector<16xi32>, vector<16xi1> -> vector<16xi32>
      %reduce_sum3A_636 = vector.extract %reduce_sum3A_635[15] : i32 from vector<16xi32>
      %eq3A_637 = arith.constant 11 : i32
      %eq3A_638 = vector.broadcast %eq3A_637 : i32 to vector<16xi32>
      %eq3A_639 = arith.cmpi eq, %iota3A, %eq3A_638 : vector<16xi32>
      %jit3A_640 = arith.constant 0 : i32
      %broadcast_in_dim3A_641 = vector.broadcast %jit3A_640 : i32 to vector<16xi32>
      %select_n3A_642 = arith.select %eq3A_639, %get3A_17, %broadcast_in_dim3A_641 : vector<16xi1>, vector<16xi32>
      %reduce_sum3A_643 = arith.constant true
      %reduce_sum3A_644 = vector.broadcast %reduce_sum3A_643 : i1 to vector<16xi1>
      %reduce_sum3A_645 = tpu.scan <sum>, %select_n3A_642 masked %reduce_sum3A_644 : vector<16xi32>, vector<16xi1> -> vector<16xi32>
      %reduce_sum3A_646 = vector.extract %reduce_sum3A_645[15] : i32 from vector<16xi32>
      %shift_right_arithmetic3A_647 = arith.constant 7 : i32
      %shift_right_arithmetic3A_648 = arith.shrsi %reduce_sum3A_636, %shift_right_arithmetic3A_647 : i32
      %mul3A_649 = arith.constant 128 : i32
      %mul3A_650 = arith.muli %shift_right_arithmetic3A_648, %mul3A_649 : i32
      %multiple_of3A_651 = tpu.assume_multiple %mul3A_650, 128 : i32
      %shift_right_arithmetic3A_652 = arith.constant 7 : i32
      %shift_right_arithmetic3A_653 = arith.shrsi %reduce_sum3A_646, %shift_right_arithmetic3A_652 : i32
      %mul3A_654 = arith.constant 128 : i32
      %mul3A_655 = arith.muli %shift_right_arithmetic3A_653, %mul3A_654 : i32
      %multiple_of3A_656 = tpu.assume_multiple %mul3A_655, 128 : i32
      %dma_start3A_657 = arith.constant 11 : i32
      %dma_start3A_658 = arith.constant 0 : i32
      %dma_start3A_659 = arith.constant 0 : i32
      %dma_start3A_660 = tpu.memref_slice %arg9[%dma_start3A_657, %dma_start3A_658, %dma_start3A_659] : memref<16x16x128xf32, #tpu.memory_space<vmem>> -> memref<1x16x128xf32, #tpu.memory_space<vmem>>
      %dma_start3A_661 = tpu.memref_squeeze %dma_start3A_660 : memref<1x16x128xf32, #tpu.memory_space<vmem>> -> memref<16x128xf32, #tpu.memory_space<vmem>>
      %dma_start3A_662 = arith.constant 0 : i32
      %dma_start3A_663 = tpu.memref_slice %arg2[%dma_start3A_662, %multiple_of3A_651] : memref<16x1000000xf32, #tpu.memory_space<hbm>> -> memref<16x128xf32, #tpu.memory_space<hbm>>
      %dma_start3A_664 = arith.constant 0 : i32
      %dma_start3A_665 = arith.constant 0 : i32
      %dma_start3A_666 = tpu.memref_slice %arg9[%dma_start3A_657, %dma_start3A_664, %dma_start3A_665] : memref<16x16x128xf32, #tpu.memory_space<vmem>> -> memref<1x16x128xf32, #tpu.memory_space<vmem>>
      %dma_start3A_667 = tpu.memref_squeeze %dma_start3A_666 : memref<1x16x128xf32, #tpu.memory_space<vmem>> -> memref<16x128xf32, #tpu.memory_space<vmem>>
      %dma_start3A_668 = arith.constant 0 : i32
      %dma_start3A_669 = tpu.memref_slice %arg2[%dma_start3A_668, %multiple_of3A_651] : memref<16x1000000xf32, #tpu.memory_space<hbm>> -> memref<16x128xf32, #tpu.memory_space<hbm>>
      tpu.enqueue_dma source(%dma_start3A_669 : memref<16x128xf32, #tpu.memory_space<hbm>>) target(%dma_start3A_667 : memref<16x128xf32, #tpu.memory_space<vmem>>) target_semaphore(%arg12 : memref<!tpu.dma_semaphore, #tpu.memory_space<semaphore_mem>>)
      %dma_start3A_670 = arith.constant 11 : i32
      %dma_start3A_671 = arith.constant 0 : i32
      %dma_start3A_672 = arith.constant 0 : i32
      %dma_start3A_673 = tpu.memref_slice %arg10[%dma_start3A_670, %dma_start3A_671, %dma_start3A_672] : memref<16x16x128xf32, #tpu.memory_space<vmem>> -> memref<1x16x128xf32, #tpu.memory_space<vmem>>
      %dma_start3A_674 = tpu.memref_squeeze %dma_start3A_673 : memref<1x16x128xf32, #tpu.memory_space<vmem>> -> memref<16x128xf32, #tpu.memory_space<vmem>>
      %dma_start3A_675 = arith.constant 0 : i32
      %dma_start3A_676 = tpu.memref_slice %arg3[%dma_start3A_675, %multiple_of3A_656] : memref<16x1000000xf32, #tpu.memory_space<hbm>> -> memref<16x128xf32, #tpu.memory_space<hbm>>
      %dma_start3A_677 = arith.constant 0 : i32
      %dma_start3A_678 = arith.constant 0 : i32
      %dma_start3A_679 = tpu.memref_slice %arg10[%dma_start3A_670, %dma_start3A_677, %dma_start3A_678] : memref<16x16x128xf32, #tpu.memory_space<vmem>> -> memref<1x16x128xf32, #tpu.memory_space<vmem>>
      %dma_start3A_680 = tpu.memref_squeeze %dma_start3A_679 : memref<1x16x128xf32, #tpu.memory_space<vmem>> -> memref<16x128xf32, #tpu.memory_space<vmem>>
      %dma_start3A_681 = arith.constant 0 : i32
      %dma_start3A_682 = tpu.memref_slice %arg3[%dma_start3A_681, %multiple_of3A_656] : memref<16x1000000xf32, #tpu.memory_space<hbm>> -> memref<16x128xf32, #tpu.memory_space<hbm>>
      tpu.enqueue_dma source(%dma_start3A_682 : memref<16x128xf32, #tpu.memory_space<hbm>>) target(%dma_start3A_680 : memref<16x128xf32, #tpu.memory_space<vmem>>) target_semaphore(%arg12 : memref<!tpu.dma_semaphore, #tpu.memory_space<semaphore_mem>>)
      %eq3A_683 = arith.constant 12 : i32
      %eq3A_684 = vector.broadcast %eq3A_683 : i32 to vector<16xi32>
      %eq3A_685 = arith.cmpi eq, %iota3A, %eq3A_684 : vector<16xi32>
      %jit3A_686 = arith.constant 0 : i32
      %broadcast_in_dim3A_687 = vector.broadcast %jit3A_686 : i32 to vector<16xi32>
      %select_n3A_688 = arith.select %eq3A_685, %get3A_14, %broadcast_in_dim3A_687 : vector<16xi1>, vector<16xi32>
      %reduce_sum3A_689 = arith.constant true
      %reduce_sum3A_690 = vector.broadcast %reduce_sum3A_689 : i1 to vector<16xi1>
      %reduce_sum3A_691 = tpu.scan <sum>, %select_n3A_688 masked %reduce_sum3A_690 : vector<16xi32>, vector<16xi1> -> vector<16xi32>
      %reduce_sum3A_692 = vector.extract %reduce_sum3A_691[15] : i32 from vector<16xi32>
      %eq3A_693 = arith.constant 12 : i32
      %eq3A_694 = vector.broadcast %eq3A_693 : i32 to vector<16xi32>
      %eq3A_695 = arith.cmpi eq, %iota3A, %eq3A_694 : vector<16xi32>
      %jit3A_696 = arith.constant 0 : i32
      %broadcast_in_dim3A_697 = vector.broadcast %jit3A_696 : i32 to vector<16xi32>
      %select_n3A_698 = arith.select %eq3A_695, %get3A_17, %broadcast_in_dim3A_697 : vector<16xi1>, vector<16xi32>
      %reduce_sum3A_699 = arith.constant true
      %reduce_sum3A_700 = vector.broadcast %reduce_sum3A_699 : i1 to vector<16xi1>
      %reduce_sum3A_701 = tpu.scan <sum>, %select_n3A_698 masked %reduce_sum3A_700 : vector<16xi32>, vector<16xi1> -> vector<16xi32>
      %reduce_sum3A_702 = vector.extract %reduce_sum3A_701[15] : i32 from vector<16xi32>
      %shift_right_arithmetic3A_703 = arith.constant 7 : i32
      %shift_right_arithmetic3A_704 = arith.shrsi %reduce_sum3A_692, %shift_right_arithmetic3A_703 : i32
      %mul3A_705 = arith.constant 128 : i32
      %mul3A_706 = arith.muli %shift_right_arithmetic3A_704, %mul3A_705 : i32
      %multiple_of3A_707 = tpu.assume_multiple %mul3A_706, 128 : i32
      %shift_right_arithmetic3A_708 = arith.constant 7 : i32
      %shift_right_arithmetic3A_709 = arith.shrsi %reduce_sum3A_702, %shift_right_arithmetic3A_708 : i32
      %mul3A_710 = arith.constant 128 : i32
      %mul3A_711 = arith.muli %shift_right_arithmetic3A_709, %mul3A_710 : i32
      %multiple_of3A_712 = tpu.assume_multiple %mul3A_711, 128 : i32
      %dma_start3A_713 = arith.constant 12 : i32
      %dma_start3A_714 = arith.constant 0 : i32
      %dma_start3A_715 = arith.constant 0 : i32
      %dma_start3A_716 = tpu.memref_slice %arg9[%dma_start3A_713, %dma_start3A_714, %dma_start3A_715] : memref<16x16x128xf32, #tpu.memory_space<vmem>> -> memref<1x16x128xf32, #tpu.memory_space<vmem>>
      %dma_start3A_717 = tpu.memref_squeeze %dma_start3A_716 : memref<1x16x128xf32, #tpu.memory_space<vmem>> -> memref<16x128xf32, #tpu.memory_space<vmem>>
      %dma_start3A_718 = arith.constant 0 : i32
      %dma_start3A_719 = tpu.memref_slice %arg2[%dma_start3A_718, %multiple_of3A_707] : memref<16x1000000xf32, #tpu.memory_space<hbm>> -> memref<16x128xf32, #tpu.memory_space<hbm>>
      %dma_start3A_720 = arith.constant 0 : i32
      %dma_start3A_721 = arith.constant 0 : i32
      %dma_start3A_722 = tpu.memref_slice %arg9[%dma_start3A_713, %dma_start3A_720, %dma_start3A_721] : memref<16x16x128xf32, #tpu.memory_space<vmem>> -> memref<1x16x128xf32, #tpu.memory_space<vmem>>
      %dma_start3A_723 = tpu.memref_squeeze %dma_start3A_722 : memref<1x16x128xf32, #tpu.memory_space<vmem>> -> memref<16x128xf32, #tpu.memory_space<vmem>>
      %dma_start3A_724 = arith.constant 0 : i32
      %dma_start3A_725 = tpu.memref_slice %arg2[%dma_start3A_724, %multiple_of3A_707] : memref<16x1000000xf32, #tpu.memory_space<hbm>> -> memref<16x128xf32, #tpu.memory_space<hbm>>
      tpu.enqueue_dma source(%dma_start3A_725 : memref<16x128xf32, #tpu.memory_space<hbm>>) target(%dma_start3A_723 : memref<16x128xf32, #tpu.memory_space<vmem>>) target_semaphore(%arg12 : memref<!tpu.dma_semaphore, #tpu.memory_space<semaphore_mem>>)
      %dma_start3A_726 = arith.constant 12 : i32
      %dma_start3A_727 = arith.constant 0 : i32
      %dma_start3A_728 = arith.constant 0 : i32
      %dma_start3A_729 = tpu.memref_slice %arg10[%dma_start3A_726, %dma_start3A_727, %dma_start3A_728] : memref<16x16x128xf32, #tpu.memory_space<vmem>> -> memref<1x16x128xf32, #tpu.memory_space<vmem>>
      %dma_start3A_730 = tpu.memref_squeeze %dma_start3A_729 : memref<1x16x128xf32, #tpu.memory_space<vmem>> -> memref<16x128xf32, #tpu.memory_space<vmem>>
      %dma_start3A_731 = arith.constant 0 : i32
      %dma_start3A_732 = tpu.memref_slice %arg3[%dma_start3A_731, %multiple_of3A_712] : memref<16x1000000xf32, #tpu.memory_space<hbm>> -> memref<16x128xf32, #tpu.memory_space<hbm>>
      %dma_start3A_733 = arith.constant 0 : i32
      %dma_start3A_734 = arith.constant 0 : i32
      %dma_start3A_735 = tpu.memref_slice %arg10[%dma_start3A_726, %dma_start3A_733, %dma_start3A_734] : memref<16x16x128xf32, #tpu.memory_space<vmem>> -> memref<1x16x128xf32, #tpu.memory_space<vmem>>
      %dma_start3A_736 = tpu.memref_squeeze %dma_start3A_735 : memref<1x16x128xf32, #tpu.memory_space<vmem>> -> memref<16x128xf32, #tpu.memory_space<vmem>>
      %dma_start3A_737 = arith.constant 0 : i32
      %dma_start3A_738 = tpu.memref_slice %arg3[%dma_start3A_737, %multiple_of3A_712] : memref<16x1000000xf32, #tpu.memory_space<hbm>> -> memref<16x128xf32, #tpu.memory_space<hbm>>
      tpu.enqueue_dma source(%dma_start3A_738 : memref<16x128xf32, #tpu.memory_space<hbm>>) target(%dma_start3A_736 : memref<16x128xf32, #tpu.memory_space<vmem>>) target_semaphore(%arg12 : memref<!tpu.dma_semaphore, #tpu.memory_space<semaphore_mem>>)
      %eq3A_739 = arith.constant 13 : i32
      %eq3A_740 = vector.broadcast %eq3A_739 : i32 to vector<16xi32>
      %eq3A_741 = arith.cmpi eq, %iota3A, %eq3A_740 : vector<16xi32>
      %jit3A_742 = arith.constant 0 : i32
      %broadcast_in_dim3A_743 = vector.broadcast %jit3A_742 : i32 to vector<16xi32>
      %select_n3A_744 = arith.select %eq3A_741, %get3A_14, %broadcast_in_dim3A_743 : vector<16xi1>, vector<16xi32>
      %reduce_sum3A_745 = arith.constant true
      %reduce_sum3A_746 = vector.broadcast %reduce_sum3A_745 : i1 to vector<16xi1>
      %reduce_sum3A_747 = tpu.scan <sum>, %select_n3A_744 masked %reduce_sum3A_746 : vector<16xi32>, vector<16xi1> -> vector<16xi32>
      %reduce_sum3A_748 = vector.extract %reduce_sum3A_747[15] : i32 from vector<16xi32>
      %eq3A_749 = arith.constant 13 : i32
      %eq3A_750 = vector.broadcast %eq3A_749 : i32 to vector<16xi32>
      %eq3A_751 = arith.cmpi eq, %iota3A, %eq3A_750 : vector<16xi32>
      %jit3A_752 = arith.constant 0 : i32
      %broadcast_in_dim3A_753 = vector.broadcast %jit3A_752 : i32 to vector<16xi32>
      %select_n3A_754 = arith.select %eq3A_751, %get3A_17, %broadcast_in_dim3A_753 : vector<16xi1>, vector<16xi32>
      %reduce_sum3A_755 = arith.constant true
      %reduce_sum3A_756 = vector.broadcast %reduce_sum3A_755 : i1 to vector<16xi1>
      %reduce_sum3A_757 = tpu.scan <sum>, %select_n3A_754 masked %reduce_sum3A_756 : vector<16xi32>, vector<16xi1> -> vector<16xi32>
      %reduce_sum3A_758 = vector.extract %reduce_sum3A_757[15] : i32 from vector<16xi32>
      %shift_right_arithmetic3A_759 = arith.constant 7 : i32
      %shift_right_arithmetic3A_760 = arith.shrsi %reduce_sum3A_748, %shift_right_arithmetic3A_759 : i32
      %mul3A_761 = arith.constant 128 : i32
      %mul3A_762 = arith.muli %shift_right_arithmetic3A_760, %mul3A_761 : i32
      %multiple_of3A_763 = tpu.assume_multiple %mul3A_762, 128 : i32
      %shift_right_arithmetic3A_764 = arith.constant 7 : i32
      %shift_right_arithmetic3A_765 = arith.shrsi %reduce_sum3A_758, %shift_right_arithmetic3A_764 : i32
      %mul3A_766 = arith.constant 128 : i32
      %mul3A_767 = arith.muli %shift_right_arithmetic3A_765, %mul3A_766 : i32
      %multiple_of3A_768 = tpu.assume_multiple %mul3A_767, 128 : i32
      %dma_start3A_769 = arith.constant 13 : i32
      %dma_start3A_770 = arith.constant 0 : i32
      %dma_start3A_771 = arith.constant 0 : i32
      %dma_start3A_772 = tpu.memref_slice %arg9[%dma_start3A_769, %dma_start3A_770, %dma_start3A_771] : memref<16x16x128xf32, #tpu.memory_space<vmem>> -> memref<1x16x128xf32, #tpu.memory_space<vmem>>
      %dma_start3A_773 = tpu.memref_squeeze %dma_start3A_772 : memref<1x16x128xf32, #tpu.memory_space<vmem>> -> memref<16x128xf32, #tpu.memory_space<vmem>>
      %dma_start3A_774 = arith.constant 0 : i32
      %dma_start3A_775 = tpu.memref_slice %arg2[%dma_start3A_774, %multiple_of3A_763] : memref<16x1000000xf32, #tpu.memory_space<hbm>> -> memref<16x128xf32, #tpu.memory_space<hbm>>
      %dma_start3A_776 = arith.constant 0 : i32
      %dma_start3A_777 = arith.constant 0 : i32
      %dma_start3A_778 = tpu.memref_slice %arg9[%dma_start3A_769, %dma_start3A_776, %dma_start3A_777] : memref<16x16x128xf32, #tpu.memory_space<vmem>> -> memref<1x16x128xf32, #tpu.memory_space<vmem>>
      %dma_start3A_779 = tpu.memref_squeeze %dma_start3A_778 : memref<1x16x128xf32, #tpu.memory_space<vmem>> -> memref<16x128xf32, #tpu.memory_space<vmem>>
      %dma_start3A_780 = arith.constant 0 : i32
      %dma_start3A_781 = tpu.memref_slice %arg2[%dma_start3A_780, %multiple_of3A_763] : memref<16x1000000xf32, #tpu.memory_space<hbm>> -> memref<16x128xf32, #tpu.memory_space<hbm>>
      tpu.enqueue_dma source(%dma_start3A_781 : memref<16x128xf32, #tpu.memory_space<hbm>>) target(%dma_start3A_779 : memref<16x128xf32, #tpu.memory_space<vmem>>) target_semaphore(%arg12 : memref<!tpu.dma_semaphore, #tpu.memory_space<semaphore_mem>>)
      %dma_start3A_782 = arith.constant 13 : i32
      %dma_start3A_783 = arith.constant 0 : i32
      %dma_start3A_784 = arith.constant 0 : i32
      %dma_start3A_785 = tpu.memref_slice %arg10[%dma_start3A_782, %dma_start3A_783, %dma_start3A_784] : memref<16x16x128xf32, #tpu.memory_space<vmem>> -> memref<1x16x128xf32, #tpu.memory_space<vmem>>
      %dma_start3A_786 = tpu.memref_squeeze %dma_start3A_785 : memref<1x16x128xf32, #tpu.memory_space<vmem>> -> memref<16x128xf32, #tpu.memory_space<vmem>>
      %dma_start3A_787 = arith.constant 0 : i32
      %dma_start3A_788 = tpu.memref_slice %arg3[%dma_start3A_787, %multiple_of3A_768] : memref<16x1000000xf32, #tpu.memory_space<hbm>> -> memref<16x128xf32, #tpu.memory_space<hbm>>
      %dma_start3A_789 = arith.constant 0 : i32
      %dma_start3A_790 = arith.constant 0 : i32
      %dma_start3A_791 = tpu.memref_slice %arg10[%dma_start3A_782, %dma_start3A_789, %dma_start3A_790] : memref<16x16x128xf32, #tpu.memory_space<vmem>> -> memref<1x16x128xf32, #tpu.memory_space<vmem>>
      %dma_start3A_792 = tpu.memref_squeeze %dma_start3A_791 : memref<1x16x128xf32, #tpu.memory_space<vmem>> -> memref<16x128xf32, #tpu.memory_space<vmem>>
      %dma_start3A_793 = arith.constant 0 : i32
      %dma_start3A_794 = tpu.memref_slice %arg3[%dma_start3A_793, %multiple_of3A_768] : memref<16x1000000xf32, #tpu.memory_space<hbm>> -> memref<16x128xf32, #tpu.memory_space<hbm>>
      tpu.enqueue_dma source(%dma_start3A_794 : memref<16x128xf32, #tpu.memory_space<hbm>>) target(%dma_start3A_792 : memref<16x128xf32, #tpu.memory_space<vmem>>) target_semaphore(%arg12 : memref<!tpu.dma_semaphore, #tpu.memory_space<semaphore_mem>>)
      %eq3A_795 = arith.constant 14 : i32
      %eq3A_796 = vector.broadcast %eq3A_795 : i32 to vector<16xi32>
      %eq3A_797 = arith.cmpi eq, %iota3A, %eq3A_796 : vector<16xi32>
      %jit3A_798 = arith.constant 0 : i32
      %broadcast_in_dim3A_799 = vector.broadcast %jit3A_798 : i32 to vector<16xi32>
      %select_n3A_800 = arith.select %eq3A_797, %get3A_14, %broadcast_in_dim3A_799 : vector<16xi1>, vector<16xi32>
      %reduce_sum3A_801 = arith.constant true
      %reduce_sum3A_802 = vector.broadcast %reduce_sum3A_801 : i1 to vector<16xi1>
      %reduce_sum3A_803 = tpu.scan <sum>, %select_n3A_800 masked %reduce_sum3A_802 : vector<16xi32>, vector<16xi1> -> vector<16xi32>
      %reduce_sum3A_804 = vector.extract %reduce_sum3A_803[15] : i32 from vector<16xi32>
      %eq3A_805 = arith.constant 14 : i32
      %eq3A_806 = vector.broadcast %eq3A_805 : i32 to vector<16xi32>
      %eq3A_807 = arith.cmpi eq, %iota3A, %eq3A_806 : vector<16xi32>
      %jit3A_808 = arith.constant 0 : i32
      %broadcast_in_dim3A_809 = vector.broadcast %jit3A_808 : i32 to vector<16xi32>
      %select_n3A_810 = arith.select %eq3A_807, %get3A_17, %broadcast_in_dim3A_809 : vector<16xi1>, vector<16xi32>
      %reduce_sum3A_811 = arith.constant true
      %reduce_sum3A_812 = vector.broadcast %reduce_sum3A_811 : i1 to vector<16xi1>
      %reduce_sum3A_813 = tpu.scan <sum>, %select_n3A_810 masked %reduce_sum3A_812 : vector<16xi32>, vector<16xi1> -> vector<16xi32>
      %reduce_sum3A_814 = vector.extract %reduce_sum3A_813[15] : i32 from vector<16xi32>
      %shift_right_arithmetic3A_815 = arith.constant 7 : i32
      %shift_right_arithmetic3A_816 = arith.shrsi %reduce_sum3A_804, %shift_right_arithmetic3A_815 : i32
      %mul3A_817 = arith.constant 128 : i32
      %mul3A_818 = arith.muli %shift_right_arithmetic3A_816, %mul3A_817 : i32
      %multiple_of3A_819 = tpu.assume_multiple %mul3A_818, 128 : i32
      %shift_right_arithmetic3A_820 = arith.constant 7 : i32
      %shift_right_arithmetic3A_821 = arith.shrsi %reduce_sum3A_814, %shift_right_arithmetic3A_820 : i32
      %mul3A_822 = arith.constant 128 : i32
      %mul3A_823 = arith.muli %shift_right_arithmetic3A_821, %mul3A_822 : i32
      %multiple_of3A_824 = tpu.assume_multiple %mul3A_823, 128 : i32
      %dma_start3A_825 = arith.constant 14 : i32
      %dma_start3A_826 = arith.constant 0 : i32
      %dma_start3A_827 = arith.constant 0 : i32
      %dma_start3A_828 = tpu.memref_slice %arg9[%dma_start3A_825, %dma_start3A_826, %dma_start3A_827] : memref<16x16x128xf32, #tpu.memory_space<vmem>> -> memref<1x16x128xf32, #tpu.memory_space<vmem>>
      %dma_start3A_829 = tpu.memref_squeeze %dma_start3A_828 : memref<1x16x128xf32, #tpu.memory_space<vmem>> -> memref<16x128xf32, #tpu.memory_space<vmem>>
      %dma_start3A_830 = arith.constant 0 : i32
      %dma_start3A_831 = tpu.memref_slice %arg2[%dma_start3A_830, %multiple_of3A_819] : memref<16x1000000xf32, #tpu.memory_space<hbm>> -> memref<16x128xf32, #tpu.memory_space<hbm>>
      %dma_start3A_832 = arith.constant 0 : i32
      %dma_start3A_833 = arith.constant 0 : i32
      %dma_start3A_834 = tpu.memref_slice %arg9[%dma_start3A_825, %dma_start3A_832, %dma_start3A_833] : memref<16x16x128xf32, #tpu.memory_space<vmem>> -> memref<1x16x128xf32, #tpu.memory_space<vmem>>
      %dma_start3A_835 = tpu.memref_squeeze %dma_start3A_834 : memref<1x16x128xf32, #tpu.memory_space<vmem>> -> memref<16x128xf32, #tpu.memory_space<vmem>>
      %dma_start3A_836 = arith.constant 0 : i32
      %dma_start3A_837 = tpu.memref_slice %arg2[%dma_start3A_836, %multiple_of3A_819] : memref<16x1000000xf32, #tpu.memory_space<hbm>> -> memref<16x128xf32, #tpu.memory_space<hbm>>
      tpu.enqueue_dma source(%dma_start3A_837 : memref<16x128xf32, #tpu.memory_space<hbm>>) target(%dma_start3A_835 : memref<16x128xf32, #tpu.memory_space<vmem>>) target_semaphore(%arg12 : memref<!tpu.dma_semaphore, #tpu.memory_space<semaphore_mem>>)
      %dma_start3A_838 = arith.constant 14 : i32
      %dma_start3A_839 = arith.constant 0 : i32
      %dma_start3A_840 = arith.constant 0 : i32
      %dma_start3A_841 = tpu.memref_slice %arg10[%dma_start3A_838, %dma_start3A_839, %dma_start3A_840] : memref<16x16x128xf32, #tpu.memory_space<vmem>> -> memref<1x16x128xf32, #tpu.memory_space<vmem>>
      %dma_start3A_842 = tpu.memref_squeeze %dma_start3A_841 : memref<1x16x128xf32, #tpu.memory_space<vmem>> -> memref<16x128xf32, #tpu.memory_space<vmem>>
      %dma_start3A_843 = arith.constant 0 : i32
      %dma_start3A_844 = tpu.memref_slice %arg3[%dma_start3A_843, %multiple_of3A_824] : memref<16x1000000xf32, #tpu.memory_space<hbm>> -> memref<16x128xf32, #tpu.memory_space<hbm>>
      %dma_start3A_845 = arith.constant 0 : i32
      %dma_start3A_846 = arith.constant 0 : i32
      %dma_start3A_847 = tpu.memref_slice %arg10[%dma_start3A_838, %dma_start3A_845, %dma_start3A_846] : memref<16x16x128xf32, #tpu.memory_space<vmem>> -> memref<1x16x128xf32, #tpu.memory_space<vmem>>
      %dma_start3A_848 = tpu.memref_squeeze %dma_start3A_847 : memref<1x16x128xf32, #tpu.memory_space<vmem>> -> memref<16x128xf32, #tpu.memory_space<vmem>>
      %dma_start3A_849 = arith.constant 0 : i32
      %dma_start3A_850 = tpu.memref_slice %arg3[%dma_start3A_849, %multiple_of3A_824] : memref<16x1000000xf32, #tpu.memory_space<hbm>> -> memref<16x128xf32, #tpu.memory_space<hbm>>
      tpu.enqueue_dma source(%dma_start3A_850 : memref<16x128xf32, #tpu.memory_space<hbm>>) target(%dma_start3A_848 : memref<16x128xf32, #tpu.memory_space<vmem>>) target_semaphore(%arg12 : memref<!tpu.dma_semaphore, #tpu.memory_space<semaphore_mem>>)
      %eq3A_851 = arith.constant 15 : i32
      %eq3A_852 = vector.broadcast %eq3A_851 : i32 to vector<16xi32>
      %eq3A_853 = arith.cmpi eq, %iota3A, %eq3A_852 : vector<16xi32>
      %jit3A_854 = arith.constant 0 : i32
      %broadcast_in_dim3A_855 = vector.broadcast %jit3A_854 : i32 to vector<16xi32>
      %select_n3A_856 = arith.select %eq3A_853, %get3A_14, %broadcast_in_dim3A_855 : vector<16xi1>, vector<16xi32>
      %reduce_sum3A_857 = arith.constant true
      %reduce_sum3A_858 = vector.broadcast %reduce_sum3A_857 : i1 to vector<16xi1>
      %reduce_sum3A_859 = tpu.scan <sum>, %select_n3A_856 masked %reduce_sum3A_858 : vector<16xi32>, vector<16xi1> -> vector<16xi32>
      %reduce_sum3A_860 = vector.extract %reduce_sum3A_859[15] : i32 from vector<16xi32>
      %eq3A_861 = arith.constant 15 : i32
      %eq3A_862 = vector.broadcast %eq3A_861 : i32 to vector<16xi32>
      %eq3A_863 = arith.cmpi eq, %iota3A, %eq3A_862 : vector<16xi32>
      %jit3A_864 = arith.constant 0 : i32
      %broadcast_in_dim3A_865 = vector.broadcast %jit3A_864 : i32 to vector<16xi32>
      %select_n3A_866 = arith.select %eq3A_863, %get3A_17, %broadcast_in_dim3A_865 : vector<16xi1>, vector<16xi32>
      %reduce_sum3A_867 = arith.constant true
      %reduce_sum3A_868 = vector.broadcast %reduce_sum3A_867 : i1 to vector<16xi1>
      %reduce_sum3A_869 = tpu.scan <sum>, %select_n3A_866 masked %reduce_sum3A_868 : vector<16xi32>, vector<16xi1> -> vector<16xi32>
      %reduce_sum3A_870 = vector.extract %reduce_sum3A_869[15] : i32 from vector<16xi32>
      %shift_right_arithmetic3A_871 = arith.constant 7 : i32
      %shift_right_arithmetic3A_872 = arith.shrsi %reduce_sum3A_860, %shift_right_arithmetic3A_871 : i32
      %mul3A_873 = arith.constant 128 : i32
      %mul3A_874 = arith.muli %shift_right_arithmetic3A_872, %mul3A_873 : i32
      %multiple_of3A_875 = tpu.assume_multiple %mul3A_874, 128 : i32
      %shift_right_arithmetic3A_876 = arith.constant 7 : i32
      %shift_right_arithmetic3A_877 = arith.shrsi %reduce_sum3A_870, %shift_right_arithmetic3A_876 : i32
      %mul3A_878 = arith.constant 128 : i32
      %mul3A_879 = arith.muli %shift_right_arithmetic3A_877, %mul3A_878 : i32
      %multiple_of3A_880 = tpu.assume_multiple %mul3A_879, 128 : i32
      %dma_start3A_881 = arith.constant 15 : i32
      %dma_start3A_882 = arith.constant 0 : i32
      %dma_start3A_883 = arith.constant 0 : i32
      %dma_start3A_884 = tpu.memref_slice %arg9[%dma_start3A_881, %dma_start3A_882, %dma_start3A_883] : memref<16x16x128xf32, #tpu.memory_space<vmem>> -> memref<1x16x128xf32, #tpu.memory_space<vmem>>
      %dma_start3A_885 = tpu.memref_squeeze %dma_start3A_884 : memref<1x16x128xf32, #tpu.memory_space<vmem>> -> memref<16x128xf32, #tpu.memory_space<vmem>>
      %dma_start3A_886 = arith.constant 0 : i32
      %dma_start3A_887 = tpu.memref_slice %arg2[%dma_start3A_886, %multiple_of3A_875] : memref<16x1000000xf32, #tpu.memory_space<hbm>> -> memref<16x128xf32, #tpu.memory_space<hbm>>
      %dma_start3A_888 = arith.constant 0 : i32
      %dma_start3A_889 = arith.constant 0 : i32
      %dma_start3A_890 = tpu.memref_slice %arg9[%dma_start3A_881, %dma_start3A_888, %dma_start3A_889] : memref<16x16x128xf32, #tpu.memory_space<vmem>> -> memref<1x16x128xf32, #tpu.memory_space<vmem>>
      %dma_start3A_891 = tpu.memref_squeeze %dma_start3A_890 : memref<1x16x128xf32, #tpu.memory_space<vmem>> -> memref<16x128xf32, #tpu.memory_space<vmem>>
      %dma_start3A_892 = arith.constant 0 : i32
      %dma_start3A_893 = tpu.memref_slice %arg2[%dma_start3A_892, %multiple_of3A_875] : memref<16x1000000xf32, #tpu.memory_space<hbm>> -> memref<16x128xf32, #tpu.memory_space<hbm>>
      tpu.enqueue_dma source(%dma_start3A_893 : memref<16x128xf32, #tpu.memory_space<hbm>>) target(%dma_start3A_891 : memref<16x128xf32, #tpu.memory_space<vmem>>) target_semaphore(%arg12 : memref<!tpu.dma_semaphore, #tpu.memory_space<semaphore_mem>>)
      %dma_start3A_894 = arith.constant 15 : i32
      %dma_start3A_895 = arith.constant 0 : i32
      %dma_start3A_896 = arith.constant 0 : i32
      %dma_start3A_897 = tpu.memref_slice %arg10[%dma_start3A_894, %dma_start3A_895, %dma_start3A_896] : memref<16x16x128xf32, #tpu.memory_space<vmem>> -> memref<1x16x128xf32, #tpu.memory_space<vmem>>
      %dma_start3A_898 = tpu.memref_squeeze %dma_start3A_897 : memref<1x16x128xf32, #tpu.memory_space<vmem>> -> memref<16x128xf32, #tpu.memory_space<vmem>>
      %dma_start3A_899 = arith.constant 0 : i32
      %dma_start3A_900 = tpu.memref_slice %arg3[%dma_start3A_899, %multiple_of3A_880] : memref<16x1000000xf32, #tpu.memory_space<hbm>> -> memref<16x128xf32, #tpu.memory_space<hbm>>
      %dma_start3A_901 = arith.constant 0 : i32
      %dma_start3A_902 = arith.constant 0 : i32
      %dma_start3A_903 = tpu.memref_slice %arg10[%dma_start3A_894, %dma_start3A_901, %dma_start3A_902] : memref<16x16x128xf32, #tpu.memory_space<vmem>> -> memref<1x16x128xf32, #tpu.memory_space<vmem>>
      %dma_start3A_904 = tpu.memref_squeeze %dma_start3A_903 : memref<1x16x128xf32, #tpu.memory_space<vmem>> -> memref<16x128xf32, #tpu.memory_space<vmem>>
      %dma_start3A_905 = arith.constant 0 : i32
      %dma_start3A_906 = tpu.memref_slice %arg3[%dma_start3A_905, %multiple_of3A_880] : memref<16x1000000xf32, #tpu.memory_space<hbm>> -> memref<16x128xf32, #tpu.memory_space<hbm>>
      tpu.enqueue_dma source(%dma_start3A_906 : memref<16x128xf32, #tpu.memory_space<hbm>>) target(%dma_start3A_904 : memref<16x128xf32, #tpu.memory_space<vmem>>) target_semaphore(%arg12 : memref<!tpu.dma_semaphore, #tpu.memory_space<semaphore_mem>>)
      %dma_wait3A = arith.constant 0 : i32
      %dma_wait3A_907 = arith.constant 0 : i32
      %dma_wait3A_908 = arith.constant 0 : i32
      %dma_wait3A_909 = tpu.memref_slice %arg9[%dma_wait3A, %dma_wait3A_907, %dma_wait3A_908] : memref<16x16x128xf32, #tpu.memory_space<vmem>> -> memref<1x16x128xf32, #tpu.memory_space<vmem>>
      %dma_wait3A_910 = tpu.memref_squeeze %dma_wait3A_909 : memref<1x16x128xf32, #tpu.memory_space<vmem>> -> memref<16x128xf32, #tpu.memory_space<vmem>>
      %dma_wait3A_911 = arith.constant 0 : i32
      %dma_wait3A_912 = tpu.memref_slice %arg2[%dma_wait3A_911, %multiple_of3A] : memref<16x1000000xf32, #tpu.memory_space<hbm>> -> memref<16x128xf32, #tpu.memory_space<hbm>>
      %dma_wait3A_913 = arith.constant 0 : i32
      %dma_wait3A_914 = arith.constant 0 : i32
      %dma_wait3A_915 = tpu.memref_slice %arg9[%dma_wait3A, %dma_wait3A_913, %dma_wait3A_914] : memref<16x16x128xf32, #tpu.memory_space<vmem>> -> memref<1x16x128xf32, #tpu.memory_space<vmem>>
      %dma_wait3A_916 = tpu.memref_squeeze %dma_wait3A_915 : memref<1x16x128xf32, #tpu.memory_space<vmem>> -> memref<16x128xf32, #tpu.memory_space<vmem>>
      %dma_wait3A_917 = arith.constant 0 : i32
      %dma_wait3A_918 = tpu.memref_slice %arg2[%dma_wait3A_917, %multiple_of3A] : memref<16x1000000xf32, #tpu.memory_space<hbm>> -> memref<16x128xf32, #tpu.memory_space<hbm>>
      tpu.wait_dma2 semaphore(%arg12 : memref<!tpu.dma_semaphore, #tpu.memory_space<semaphore_mem>>) src(%dma_wait3A_918 : memref<16x128xf32, #tpu.memory_space<hbm>>) dst(%dma_wait3A_916 : memref<16x128xf32, #tpu.memory_space<vmem>>)
      %dma_wait3A_919 = arith.constant 0 : i32
      %dma_wait3A_920 = arith.constant 0 : i32
      %dma_wait3A_921 = arith.constant 0 : i32
      %dma_wait3A_922 = tpu.memref_slice %arg10[%dma_wait3A_919, %dma_wait3A_920, %dma_wait3A_921] : memref<16x16x128xf32, #tpu.memory_space<vmem>> -> memref<1x16x128xf32, #tpu.memory_space<vmem>>
      %dma_wait3A_923 = tpu.memref_squeeze %dma_wait3A_922 : memref<1x16x128xf32, #tpu.memory_space<vmem>> -> memref<16x128xf32, #tpu.memory_space<vmem>>
      %dma_wait3A_924 = arith.constant 0 : i32
      %dma_wait3A_925 = tpu.memref_slice %arg3[%dma_wait3A_924, %multiple_of3A_41] : memref<16x1000000xf32, #tpu.memory_space<hbm>> -> memref<16x128xf32, #tpu.memory_space<hbm>>
      %dma_wait3A_926 = arith.constant 0 : i32
      %dma_wait3A_927 = arith.constant 0 : i32
      %dma_wait3A_928 = tpu.memref_slice %arg10[%dma_wait3A_919, %dma_wait3A_926, %dma_wait3A_927] : memref<16x16x128xf32, #tpu.memory_space<vmem>> -> memref<1x16x128xf32, #tpu.memory_space<vmem>>
      %dma_wait3A_929 = tpu.memref_squeeze %dma_wait3A_928 : memref<1x16x128xf32, #tpu.memory_space<vmem>> -> memref<16x128xf32, #tpu.memory_space<vmem>>
      %dma_wait3A_930 = arith.constant 0 : i32
      %dma_wait3A_931 = tpu.memref_slice %arg3[%dma_wait3A_930, %multiple_of3A_41] : memref<16x1000000xf32, #tpu.memory_space<hbm>> -> memref<16x128xf32, #tpu.memory_space<hbm>>
      tpu.wait_dma2 semaphore(%arg12 : memref<!tpu.dma_semaphore, #tpu.memory_space<semaphore_mem>>) src(%dma_wait3A_931 : memref<16x128xf32, #tpu.memory_space<hbm>>) dst(%dma_wait3A_929 : memref<16x128xf32, #tpu.memory_space<vmem>>)
      %dma_wait3A_932 = arith.constant 1 : i32
      %dma_wait3A_933 = arith.constant 0 : i32
      %dma_wait3A_934 = arith.constant 0 : i32
      %dma_wait3A_935 = tpu.memref_slice %arg9[%dma_wait3A_932, %dma_wait3A_933, %dma_wait3A_934] : memref<16x16x128xf32, #tpu.memory_space<vmem>> -> memref<1x16x128xf32, #tpu.memory_space<vmem>>
      %dma_wait3A_936 = tpu.memref_squeeze %dma_wait3A_935 : memref<1x16x128xf32, #tpu.memory_space<vmem>> -> memref<16x128xf32, #tpu.memory_space<vmem>>
      %dma_wait3A_937 = arith.constant 0 : i32
      %dma_wait3A_938 = tpu.memref_slice %arg2[%dma_wait3A_937, %multiple_of3A_91] : memref<16x1000000xf32, #tpu.memory_space<hbm>> -> memref<16x128xf32, #tpu.memory_space<hbm>>
      %dma_wait3A_939 = arith.constant 0 : i32
      %dma_wait3A_940 = arith.constant 0 : i32
      %dma_wait3A_941 = tpu.memref_slice %arg9[%dma_wait3A_932, %dma_wait3A_939, %dma_wait3A_940] : memref<16x16x128xf32, #tpu.memory_space<vmem>> -> memref<1x16x128xf32, #tpu.memory_space<vmem>>
      %dma_wait3A_942 = tpu.memref_squeeze %dma_wait3A_941 : memref<1x16x128xf32, #tpu.memory_space<vmem>> -> memref<16x128xf32, #tpu.memory_space<vmem>>
      %dma_wait3A_943 = arith.constant 0 : i32
      %dma_wait3A_944 = tpu.memref_slice %arg2[%dma_wait3A_943, %multiple_of3A_91] : memref<16x1000000xf32, #tpu.memory_space<hbm>> -> memref<16x128xf32, #tpu.memory_space<hbm>>
      tpu.wait_dma2 semaphore(%arg12 : memref<!tpu.dma_semaphore, #tpu.memory_space<semaphore_mem>>) src(%dma_wait3A_944 : memref<16x128xf32, #tpu.memory_space<hbm>>) dst(%dma_wait3A_942 : memref<16x128xf32, #tpu.memory_space<vmem>>)
      %dma_wait3A_945 = arith.constant 1 : i32
      %dma_wait3A_946 = arith.constant 0 : i32
      %dma_wait3A_947 = arith.constant 0 : i32
      %dma_wait3A_948 = tpu.memref_slice %arg10[%dma_wait3A_945, %dma_wait3A_946, %dma_wait3A_947] : memref<16x16x128xf32, #tpu.memory_space<vmem>> -> memref<1x16x128xf32, #tpu.memory_space<vmem>>
      %dma_wait3A_949 = tpu.memref_squeeze %dma_wait3A_948 : memref<1x16x128xf32, #tpu.memory_space<vmem>> -> memref<16x128xf32, #tpu.memory_space<vmem>>
      %dma_wait3A_950 = arith.constant 0 : i32
      %dma_wait3A_951 = tpu.memref_slice %arg3[%dma_wait3A_950, %multiple_of3A_96] : memref<16x1000000xf32, #tpu.memory_space<hbm>> -> memref<16x128xf32, #tpu.memory_space<hbm>>
      %dma_wait3A_952 = arith.constant 0 : i32
      %dma_wait3A_953 = arith.constant 0 : i32
      %dma_wait3A_954 = tpu.memref_slice %arg10[%dma_wait3A_945, %dma_wait3A_952, %dma_wait3A_953] : memref<16x16x128xf32, #tpu.memory_space<vmem>> -> memref<1x16x128xf32, #tpu.memory_space<vmem>>
      %dma_wait3A_955 = tpu.memref_squeeze %dma_wait3A_954 : memref<1x16x128xf32, #tpu.memory_space<vmem>> -> memref<16x128xf32, #tpu.memory_space<vmem>>
      %dma_wait3A_956 = arith.constant 0 : i32
      %dma_wait3A_957 = tpu.memref_slice %arg3[%dma_wait3A_956, %multiple_of3A_96] : memref<16x1000000xf32, #tpu.memory_space<hbm>> -> memref<16x128xf32, #tpu.memory_space<hbm>>
      tpu.wait_dma2 semaphore(%arg12 : memref<!tpu.dma_semaphore, #tpu.memory_space<semaphore_mem>>) src(%dma_wait3A_957 : memref<16x128xf32, #tpu.memory_space<hbm>>) dst(%dma_wait3A_955 : memref<16x128xf32, #tpu.memory_space<vmem>>)
      %dma_wait3A_958 = arith.constant 2 : i32
      %dma_wait3A_959 = arith.constant 0 : i32
      %dma_wait3A_960 = arith.constant 0 : i32
      %dma_wait3A_961 = tpu.memref_slice %arg9[%dma_wait3A_958, %dma_wait3A_959, %dma_wait3A_960] : memref<16x16x128xf32, #tpu.memory_space<vmem>> -> memref<1x16x128xf32, #tpu.memory_space<vmem>>
      %dma_wait3A_962 = tpu.memref_squeeze %dma_wait3A_961 : memref<1x16x128xf32, #tpu.memory_space<vmem>> -> memref<16x128xf32, #tpu.memory_space<vmem>>
      %dma_wait3A_963 = arith.constant 0 : i32
      %dma_wait3A_964 = tpu.memref_slice %arg2[%dma_wait3A_963, %multiple_of3A_147] : memref<16x1000000xf32, #tpu.memory_space<hbm>> -> memref<16x128xf32, #tpu.memory_space<hbm>>
      %dma_wait3A_965 = arith.constant 0 : i32
      %dma_wait3A_966 = arith.constant 0 : i32
      %dma_wait3A_967 = tpu.memref_slice %arg9[%dma_wait3A_958, %dma_wait3A_965, %dma_wait3A_966] : memref<16x16x128xf32, #tpu.memory_space<vmem>> -> memref<1x16x128xf32, #tpu.memory_space<vmem>>
      %dma_wait3A_968 = tpu.memref_squeeze %dma_wait3A_967 : memref<1x16x128xf32, #tpu.memory_space<vmem>> -> memref<16x128xf32, #tpu.memory_space<vmem>>
      %dma_wait3A_969 = arith.constant 0 : i32
      %dma_wait3A_970 = tpu.memref_slice %arg2[%dma_wait3A_969, %multiple_of3A_147] : memref<16x1000000xf32, #tpu.memory_space<hbm>> -> memref<16x128xf32, #tpu.memory_space<hbm>>
      tpu.wait_dma2 semaphore(%arg12 : memref<!tpu.dma_semaphore, #tpu.memory_space<semaphore_mem>>) src(%dma_wait3A_970 : memref<16x128xf32, #tpu.memory_space<hbm>>) dst(%dma_wait3A_968 : memref<16x128xf32, #tpu.memory_space<vmem>>)
      %dma_wait3A_971 = arith.constant 2 : i32
      %dma_wait3A_972 = arith.constant 0 : i32
      %dma_wait3A_973 = arith.constant 0 : i32
      %dma_wait3A_974 = tpu.memref_slice %arg10[%dma_wait3A_971, %dma_wait3A_972, %dma_wait3A_973] : memref<16x16x128xf32, #tpu.memory_space<vmem>> -> memref<1x16x128xf32, #tpu.memory_space<vmem>>
      %dma_wait3A_975 = tpu.memref_squeeze %dma_wait3A_974 : memref<1x16x128xf32, #tpu.memory_space<vmem>> -> memref<16x128xf32, #tpu.memory_space<vmem>>
      %dma_wait3A_976 = arith.constant 0 : i32
      %dma_wait3A_977 = tpu.memref_slice %arg3[%dma_wait3A_976, %multiple_of3A_152] : memref<16x1000000xf32, #tpu.memory_space<hbm>> -> memref<16x128xf32, #tpu.memory_space<hbm>>
      %dma_wait3A_978 = arith.constant 0 : i32
      %dma_wait3A_979 = arith.constant 0 : i32
      %dma_wait3A_980 = tpu.memref_slice %arg10[%dma_wait3A_971, %dma_wait3A_978, %dma_wait3A_979] : memref<16x16x128xf32, #tpu.memory_space<vmem>> -> memref<1x16x128xf32, #tpu.memory_space<vmem>>
      %dma_wait3A_981 = tpu.memref_squeeze %dma_wait3A_980 : memref<1x16x128xf32, #tpu.memory_space<vmem>> -> memref<16x128xf32, #tpu.memory_space<vmem>>
      %dma_wait3A_982 = arith.constant 0 : i32
      %dma_wait3A_983 = tpu.memref_slice %arg3[%dma_wait3A_982, %multiple_of3A_152] : memref<16x1000000xf32, #tpu.memory_space<hbm>> -> memref<16x128xf32, #tpu.memory_space<hbm>>
      tpu.wait_dma2 semaphore(%arg12 : memref<!tpu.dma_semaphore, #tpu.memory_space<semaphore_mem>>) src(%dma_wait3A_983 : memref<16x128xf32, #tpu.memory_space<hbm>>) dst(%dma_wait3A_981 : memref<16x128xf32, #tpu.memory_space<vmem>>)
      %dma_wait3A_984 = arith.constant 3 : i32
      %dma_wait3A_985 = arith.constant 0 : i32
      %dma_wait3A_986 = arith.constant 0 : i32
      %dma_wait3A_987 = tpu.memref_slice %arg9[%dma_wait3A_984, %dma_wait3A_985, %dma_wait3A_986] : memref<16x16x128xf32, #tpu.memory_space<vmem>> -> memref<1x16x128xf32, #tpu.memory_space<vmem>>
      %dma_wait3A_988 = tpu.memref_squeeze %dma_wait3A_987 : memref<1x16x128xf32, #tpu.memory_space<vmem>> -> memref<16x128xf32, #tpu.memory_space<vmem>>
      %dma_wait3A_989 = arith.constant 0 : i32
      %dma_wait3A_990 = tpu.memref_slice %arg2[%dma_wait3A_989, %multiple_of3A_203] : memref<16x1000000xf32, #tpu.memory_space<hbm>> -> memref<16x128xf32, #tpu.memory_space<hbm>>
      %dma_wait3A_991 = arith.constant 0 : i32
      %dma_wait3A_992 = arith.constant 0 : i32
      %dma_wait3A_993 = tpu.memref_slice %arg9[%dma_wait3A_984, %dma_wait3A_991, %dma_wait3A_992] : memref<16x16x128xf32, #tpu.memory_space<vmem>> -> memref<1x16x128xf32, #tpu.memory_space<vmem>>
      %dma_wait3A_994 = tpu.memref_squeeze %dma_wait3A_993 : memref<1x16x128xf32, #tpu.memory_space<vmem>> -> memref<16x128xf32, #tpu.memory_space<vmem>>
      %dma_wait3A_995 = arith.constant 0 : i32
      %dma_wait3A_996 = tpu.memref_slice %arg2[%dma_wait3A_995, %multiple_of3A_203] : memref<16x1000000xf32, #tpu.memory_space<hbm>> -> memref<16x128xf32, #tpu.memory_space<hbm>>
      tpu.wait_dma2 semaphore(%arg12 : memref<!tpu.dma_semaphore, #tpu.memory_space<semaphore_mem>>) src(%dma_wait3A_996 : memref<16x128xf32, #tpu.memory_space<hbm>>) dst(%dma_wait3A_994 : memref<16x128xf32, #tpu.memory_space<vmem>>)
      %dma_wait3A_997 = arith.constant 3 : i32
      %dma_wait3A_998 = arith.constant 0 : i32
      %dma_wait3A_999 = arith.constant 0 : i32
      %dma_wait3A_1000 = tpu.memref_slice %arg10[%dma_wait3A_997, %dma_wait3A_998, %dma_wait3A_999] : memref<16x16x128xf32, #tpu.memory_space<vmem>> -> memref<1x16x128xf32, #tpu.memory_space<vmem>>
      %dma_wait3A_1001 = tpu.memref_squeeze %dma_wait3A_1000 : memref<1x16x128xf32, #tpu.memory_space<vmem>> -> memref<16x128xf32, #tpu.memory_space<vmem>>
      %dma_wait3A_1002 = arith.constant 0 : i32
      %dma_wait3A_1003 = tpu.memref_slice %arg3[%dma_wait3A_1002, %multiple_of3A_208] : memref<16x1000000xf32, #tpu.memory_space<hbm>> -> memref<16x128xf32, #tpu.memory_space<hbm>>
      %dma_wait3A_1004 = arith.constant 0 : i32
      %dma_wait3A_1005 = arith.constant 0 : i32
      %dma_wait3A_1006 = tpu.memref_slice %arg10[%dma_wait3A_997, %dma_wait3A_1004, %dma_wait3A_1005] : memref<16x16x128xf32, #tpu.memory_space<vmem>> -> memref<1x16x128xf32, #tpu.memory_space<vmem>>
      %dma_wait3A_1007 = tpu.memref_squeeze %dma_wait3A_1006 : memref<1x16x128xf32, #tpu.memory_space<vmem>> -> memref<16x128xf32, #tpu.memory_space<vmem>>
      %dma_wait3A_1008 = arith.constant 0 : i32
      %dma_wait3A_1009 = tpu.memref_slice %arg3[%dma_wait3A_1008, %multiple_of3A_208] : memref<16x1000000xf32, #tpu.memory_space<hbm>> -> memref<16x128xf32, #tpu.memory_space<hbm>>
      tpu.wait_dma2 semaphore(%arg12 : memref<!tpu.dma_semaphore, #tpu.memory_space<semaphore_mem>>) src(%dma_wait3A_1009 : memref<16x128xf32, #tpu.memory_space<hbm>>) dst(%dma_wait3A_1007 : memref<16x128xf32, #tpu.memory_space<vmem>>)
      %dma_wait3A_1010 = arith.constant 4 : i32
      %dma_wait3A_1011 = arith.constant 0 : i32
      %dma_wait3A_1012 = arith.constant 0 : i32
      %dma_wait3A_1013 = tpu.memref_slice %arg9[%dma_wait3A_1010, %dma_wait3A_1011, %dma_wait3A_1012] : memref<16x16x128xf32, #tpu.memory_space<vmem>> -> memref<1x16x128xf32, #tpu.memory_space<vmem>>
      %dma_wait3A_1014 = tpu.memref_squeeze %dma_wait3A_1013 : memref<1x16x128xf32, #tpu.memory_space<vmem>> -> memref<16x128xf32, #tpu.memory_space<vmem>>
      %dma_wait3A_1015 = arith.constant 0 : i32
      %dma_wait3A_1016 = tpu.memref_slice %arg2[%dma_wait3A_1015, %multiple_of3A_259] : memref<16x1000000xf32, #tpu.memory_space<hbm>> -> memref<16x128xf32, #tpu.memory_space<hbm>>
      %dma_wait3A_1017 = arith.constant 0 : i32
      %dma_wait3A_1018 = arith.constant 0 : i32
      %dma_wait3A_1019 = tpu.memref_slice %arg9[%dma_wait3A_1010, %dma_wait3A_1017, %dma_wait3A_1018] : memref<16x16x128xf32, #tpu.memory_space<vmem>> -> memref<1x16x128xf32, #tpu.memory_space<vmem>>
      %dma_wait3A_1020 = tpu.memref_squeeze %dma_wait3A_1019 : memref<1x16x128xf32, #tpu.memory_space<vmem>> -> memref<16x128xf32, #tpu.memory_space<vmem>>
      %dma_wait3A_1021 = arith.constant 0 : i32
      %dma_wait3A_1022 = tpu.memref_slice %arg2[%dma_wait3A_1021, %multiple_of3A_259] : memref<16x1000000xf32, #tpu.memory_space<hbm>> -> memref<16x128xf32, #tpu.memory_space<hbm>>
      tpu.wait_dma2 semaphore(%arg12 : memref<!tpu.dma_semaphore, #tpu.memory_space<semaphore_mem>>) src(%dma_wait3A_1022 : memref<16x128xf32, #tpu.memory_space<hbm>>) dst(%dma_wait3A_1020 : memref<16x128xf32, #tpu.memory_space<vmem>>)
      %dma_wait3A_1023 = arith.constant 4 : i32
      %dma_wait3A_1024 = arith.constant 0 : i32
      %dma_wait3A_1025 = arith.constant 0 : i32
      %dma_wait3A_1026 = tpu.memref_slice %arg10[%dma_wait3A_1023, %dma_wait3A_1024, %dma_wait3A_1025] : memref<16x16x128xf32, #tpu.memory_space<vmem>> -> memref<1x16x128xf32, #tpu.memory_space<vmem>>
      %dma_wait3A_1027 = tpu.memref_squeeze %dma_wait3A_1026 : memref<1x16x128xf32, #tpu.memory_space<vmem>> -> memref<16x128xf32, #tpu.memory_space<vmem>>
      %dma_wait3A_1028 = arith.constant 0 : i32
      %dma_wait3A_1029 = tpu.memref_slice %arg3[%dma_wait3A_1028, %multiple_of3A_264] : memref<16x1000000xf32, #tpu.memory_space<hbm>> -> memref<16x128xf32, #tpu.memory_space<hbm>>
      %dma_wait3A_1030 = arith.constant 0 : i32
      %dma_wait3A_1031 = arith.constant 0 : i32
      %dma_wait3A_1032 = tpu.memref_slice %arg10[%dma_wait3A_1023, %dma_wait3A_1030, %dma_wait3A_1031] : memref<16x16x128xf32, #tpu.memory_space<vmem>> -> memref<1x16x128xf32, #tpu.memory_space<vmem>>
      %dma_wait3A_1033 = tpu.memref_squeeze %dma_wait3A_1032 : memref<1x16x128xf32, #tpu.memory_space<vmem>> -> memref<16x128xf32, #tpu.memory_space<vmem>>
      %dma_wait3A_1034 = arith.constant 0 : i32
      %dma_wait3A_1035 = tpu.memref_slice %arg3[%dma_wait3A_1034, %multiple_of3A_264] : memref<16x1000000xf32, #tpu.memory_space<hbm>> -> memref<16x128xf32, #tpu.memory_space<hbm>>
      tpu.wait_dma2 semaphore(%arg12 : memref<!tpu.dma_semaphore, #tpu.memory_space<semaphore_mem>>) src(%dma_wait3A_1035 : memref<16x128xf32, #tpu.memory_space<hbm>>) dst(%dma_wait3A_1033 : memref<16x128xf32, #tpu.memory_space<vmem>>)
      %dma_wait3A_1036 = arith.constant 5 : i32
      %dma_wait3A_1037 = arith.constant 0 : i32
      %dma_wait3A_1038 = arith.constant 0 : i32
      %dma_wait3A_1039 = tpu.memref_slice %arg9[%dma_wait3A_1036, %dma_wait3A_1037, %dma_wait3A_1038] : memref<16x16x128xf32, #tpu.memory_space<vmem>> -> memref<1x16x128xf32, #tpu.memory_space<vmem>>
      %dma_wait3A_1040 = tpu.memref_squeeze %dma_wait3A_1039 : memref<1x16x128xf32, #tpu.memory_space<vmem>> -> memref<16x128xf32, #tpu.memory_space<vmem>>
      %dma_wait3A_1041 = arith.constant 0 : i32
      %dma_wait3A_1042 = tpu.memref_slice %arg2[%dma_wait3A_1041, %multiple_of3A_315] : memref<16x1000000xf32, #tpu.memory_space<hbm>> -> memref<16x128xf32, #tpu.memory_space<hbm>>
      %dma_wait3A_1043 = arith.constant 0 : i32
      %dma_wait3A_1044 = arith.constant 0 : i32
      %dma_wait3A_1045 = tpu.memref_slice %arg9[%dma_wait3A_1036, %dma_wait3A_1043, %dma_wait3A_1044] : memref<16x16x128xf32, #tpu.memory_space<vmem>> -> memref<1x16x128xf32, #tpu.memory_space<vmem>>
      %dma_wait3A_1046 = tpu.memref_squeeze %dma_wait3A_1045 : memref<1x16x128xf32, #tpu.memory_space<vmem>> -> memref<16x128xf32, #tpu.memory_space<vmem>>
      %dma_wait3A_1047 = arith.constant 0 : i32
      %dma_wait3A_1048 = tpu.memref_slice %arg2[%dma_wait3A_1047, %multiple_of3A_315] : memref<16x1000000xf32, #tpu.memory_space<hbm>> -> memref<16x128xf32, #tpu.memory_space<hbm>>
      tpu.wait_dma2 semaphore(%arg12 : memref<!tpu.dma_semaphore, #tpu.memory_space<semaphore_mem>>) src(%dma_wait3A_1048 : memref<16x128xf32, #tpu.memory_space<hbm>>) dst(%dma_wait3A_1046 : memref<16x128xf32, #tpu.memory_space<vmem>>)
      %dma_wait3A_1049 = arith.constant 5 : i32
      %dma_wait3A_1050 = arith.constant 0 : i32
      %dma_wait3A_1051 = arith.constant 0 : i32
      %dma_wait3A_1052 = tpu.memref_slice %arg10[%dma_wait3A_1049, %dma_wait3A_1050, %dma_wait3A_1051] : memref<16x16x128xf32, #tpu.memory_space<vmem>> -> memref<1x16x128xf32, #tpu.memory_space<vmem>>
      %dma_wait3A_1053 = tpu.memref_squeeze %dma_wait3A_1052 : memref<1x16x128xf32, #tpu.memory_space<vmem>> -> memref<16x128xf32, #tpu.memory_space<vmem>>
      %dma_wait3A_1054 = arith.constant 0 : i32
      %dma_wait3A_1055 = tpu.memref_slice %arg3[%dma_wait3A_1054, %multiple_of3A_320] : memref<16x1000000xf32, #tpu.memory_space<hbm>> -> memref<16x128xf32, #tpu.memory_space<hbm>>
      %dma_wait3A_1056 = arith.constant 0 : i32
      %dma_wait3A_1057 = arith.constant 0 : i32
      %dma_wait3A_1058 = tpu.memref_slice %arg10[%dma_wait3A_1049, %dma_wait3A_1056, %dma_wait3A_1057] : memref<16x16x128xf32, #tpu.memory_space<vmem>> -> memref<1x16x128xf32, #tpu.memory_space<vmem>>
      %dma_wait3A_1059 = tpu.memref_squeeze %dma_wait3A_1058 : memref<1x16x128xf32, #tpu.memory_space<vmem>> -> memref<16x128xf32, #tpu.memory_space<vmem>>
      %dma_wait3A_1060 = arith.constant 0 : i32
      %dma_wait3A_1061 = tpu.memref_slice %arg3[%dma_wait3A_1060, %multiple_of3A_320] : memref<16x1000000xf32, #tpu.memory_space<hbm>> -> memref<16x128xf32, #tpu.memory_space<hbm>>
      tpu.wait_dma2 semaphore(%arg12 : memref<!tpu.dma_semaphore, #tpu.memory_space<semaphore_mem>>) src(%dma_wait3A_1061 : memref<16x128xf32, #tpu.memory_space<hbm>>) dst(%dma_wait3A_1059 : memref<16x128xf32, #tpu.memory_space<vmem>>)
      %dma_wait3A_1062 = arith.constant 6 : i32
      %dma_wait3A_1063 = arith.constant 0 : i32
      %dma_wait3A_1064 = arith.constant 0 : i32
      %dma_wait3A_1065 = tpu.memref_slice %arg9[%dma_wait3A_1062, %dma_wait3A_1063, %dma_wait3A_1064] : memref<16x16x128xf32, #tpu.memory_space<vmem>> -> memref<1x16x128xf32, #tpu.memory_space<vmem>>
      %dma_wait3A_1066 = tpu.memref_squeeze %dma_wait3A_1065 : memref<1x16x128xf32, #tpu.memory_space<vmem>> -> memref<16x128xf32, #tpu.memory_space<vmem>>
      %dma_wait3A_1067 = arith.constant 0 : i32
      %dma_wait3A_1068 = tpu.memref_slice %arg2[%dma_wait3A_1067, %multiple_of3A_371] : memref<16x1000000xf32, #tpu.memory_space<hbm>> -> memref<16x128xf32, #tpu.memory_space<hbm>>
      %dma_wait3A_1069 = arith.constant 0 : i32
      %dma_wait3A_1070 = arith.constant 0 : i32
      %dma_wait3A_1071 = tpu.memref_slice %arg9[%dma_wait3A_1062, %dma_wait3A_1069, %dma_wait3A_1070] : memref<16x16x128xf32, #tpu.memory_space<vmem>> -> memref<1x16x128xf32, #tpu.memory_space<vmem>>
      %dma_wait3A_1072 = tpu.memref_squeeze %dma_wait3A_1071 : memref<1x16x128xf32, #tpu.memory_space<vmem>> -> memref<16x128xf32, #tpu.memory_space<vmem>>
      %dma_wait3A_1073 = arith.constant 0 : i32
      %dma_wait3A_1074 = tpu.memref_slice %arg2[%dma_wait3A_1073, %multiple_of3A_371] : memref<16x1000000xf32, #tpu.memory_space<hbm>> -> memref<16x128xf32, #tpu.memory_space<hbm>>
      tpu.wait_dma2 semaphore(%arg12 : memref<!tpu.dma_semaphore, #tpu.memory_space<semaphore_mem>>) src(%dma_wait3A_1074 : memref<16x128xf32, #tpu.memory_space<hbm>>) dst(%dma_wait3A_1072 : memref<16x128xf32, #tpu.memory_space<vmem>>)
      %dma_wait3A_1075 = arith.constant 6 : i32
      %dma_wait3A_1076 = arith.constant 0 : i32
      %dma_wait3A_1077 = arith.constant 0 : i32
      %dma_wait3A_1078 = tpu.memref_slice %arg10[%dma_wait3A_1075, %dma_wait3A_1076, %dma_wait3A_1077] : memref<16x16x128xf32, #tpu.memory_space<vmem>> -> memref<1x16x128xf32, #tpu.memory_space<vmem>>
      %dma_wait3A_1079 = tpu.memref_squeeze %dma_wait3A_1078 : memref<1x16x128xf32, #tpu.memory_space<vmem>> -> memref<16x128xf32, #tpu.memory_space<vmem>>
      %dma_wait3A_1080 = arith.constant 0 : i32
      %dma_wait3A_1081 = tpu.memref_slice %arg3[%dma_wait3A_1080, %multiple_of3A_376] : memref<16x1000000xf32, #tpu.memory_space<hbm>> -> memref<16x128xf32, #tpu.memory_space<hbm>>
      %dma_wait3A_1082 = arith.constant 0 : i32
      %dma_wait3A_1083 = arith.constant 0 : i32
      %dma_wait3A_1084 = tpu.memref_slice %arg10[%dma_wait3A_1075, %dma_wait3A_1082, %dma_wait3A_1083] : memref<16x16x128xf32, #tpu.memory_space<vmem>> -> memref<1x16x128xf32, #tpu.memory_space<vmem>>
      %dma_wait3A_1085 = tpu.memref_squeeze %dma_wait3A_1084 : memref<1x16x128xf32, #tpu.memory_space<vmem>> -> memref<16x128xf32, #tpu.memory_space<vmem>>
      %dma_wait3A_1086 = arith.constant 0 : i32
      %dma_wait3A_1087 = tpu.memref_slice %arg3[%dma_wait3A_1086, %multiple_of3A_376] : memref<16x1000000xf32, #tpu.memory_space<hbm>> -> memref<16x128xf32, #tpu.memory_space<hbm>>
      tpu.wait_dma2 semaphore(%arg12 : memref<!tpu.dma_semaphore, #tpu.memory_space<semaphore_mem>>) src(%dma_wait3A_1087 : memref<16x128xf32, #tpu.memory_space<hbm>>) dst(%dma_wait3A_1085 : memref<16x128xf32, #tpu.memory_space<vmem>>)
      %dma_wait3A_1088 = arith.constant 7 : i32
      %dma_wait3A_1089 = arith.constant 0 : i32
      %dma_wait3A_1090 = arith.constant 0 : i32
      %dma_wait3A_1091 = tpu.memref_slice %arg9[%dma_wait3A_1088, %dma_wait3A_1089, %dma_wait3A_1090] : memref<16x16x128xf32, #tpu.memory_space<vmem>> -> memref<1x16x128xf32, #tpu.memory_space<vmem>>
      %dma_wait3A_1092 = tpu.memref_squeeze %dma_wait3A_1091 : memref<1x16x128xf32, #tpu.memory_space<vmem>> -> memref<16x128xf32, #tpu.memory_space<vmem>>
      %dma_wait3A_1093 = arith.constant 0 : i32
      %dma_wait3A_1094 = tpu.memref_slice %arg2[%dma_wait3A_1093, %multiple_of3A_427] : memref<16x1000000xf32, #tpu.memory_space<hbm>> -> memref<16x128xf32, #tpu.memory_space<hbm>>
      %dma_wait3A_1095 = arith.constant 0 : i32
      %dma_wait3A_1096 = arith.constant 0 : i32
      %dma_wait3A_1097 = tpu.memref_slice %arg9[%dma_wait3A_1088, %dma_wait3A_1095, %dma_wait3A_1096] : memref<16x16x128xf32, #tpu.memory_space<vmem>> -> memref<1x16x128xf32, #tpu.memory_space<vmem>>
      %dma_wait3A_1098 = tpu.memref_squeeze %dma_wait3A_1097 : memref<1x16x128xf32, #tpu.memory_space<vmem>> -> memref<16x128xf32, #tpu.memory_space<vmem>>
      %dma_wait3A_1099 = arith.constant 0 : i32
      %dma_wait3A_1100 = tpu.memref_slice %arg2[%dma_wait3A_1099, %multiple_of3A_427] : memref<16x1000000xf32, #tpu.memory_space<hbm>> -> memref<16x128xf32, #tpu.memory_space<hbm>>
      tpu.wait_dma2 semaphore(%arg12 : memref<!tpu.dma_semaphore, #tpu.memory_space<semaphore_mem>>) src(%dma_wait3A_1100 : memref<16x128xf32, #tpu.memory_space<hbm>>) dst(%dma_wait3A_1098 : memref<16x128xf32, #tpu.memory_space<vmem>>)
      %dma_wait3A_1101 = arith.constant 7 : i32
      %dma_wait3A_1102 = arith.constant 0 : i32
      %dma_wait3A_1103 = arith.constant 0 : i32
      %dma_wait3A_1104 = tpu.memref_slice %arg10[%dma_wait3A_1101, %dma_wait3A_1102, %dma_wait3A_1103] : memref<16x16x128xf32, #tpu.memory_space<vmem>> -> memref<1x16x128xf32, #tpu.memory_space<vmem>>
      %dma_wait3A_1105 = tpu.memref_squeeze %dma_wait3A_1104 : memref<1x16x128xf32, #tpu.memory_space<vmem>> -> memref<16x128xf32, #tpu.memory_space<vmem>>
      %dma_wait3A_1106 = arith.constant 0 : i32
      %dma_wait3A_1107 = tpu.memref_slice %arg3[%dma_wait3A_1106, %multiple_of3A_432] : memref<16x1000000xf32, #tpu.memory_space<hbm>> -> memref<16x128xf32, #tpu.memory_space<hbm>>
      %dma_wait3A_1108 = arith.constant 0 : i32
      %dma_wait3A_1109 = arith.constant 0 : i32
      %dma_wait3A_1110 = tpu.memref_slice %arg10[%dma_wait3A_1101, %dma_wait3A_1108, %dma_wait3A_1109] : memref<16x16x128xf32, #tpu.memory_space<vmem>> -> memref<1x16x128xf32, #tpu.memory_space<vmem>>
      %dma_wait3A_1111 = tpu.memref_squeeze %dma_wait3A_1110 : memref<1x16x128xf32, #tpu.memory_space<vmem>> -> memref<16x128xf32, #tpu.memory_space<vmem>>
      %dma_wait3A_1112 = arith.constant 0 : i32
      %dma_wait3A_1113 = tpu.memref_slice %arg3[%dma_wait3A_1112, %multiple_of3A_432] : memref<16x1000000xf32, #tpu.memory_space<hbm>> -> memref<16x128xf32, #tpu.memory_space<hbm>>
      tpu.wait_dma2 semaphore(%arg12 : memref<!tpu.dma_semaphore, #tpu.memory_space<semaphore_mem>>) src(%dma_wait3A_1113 : memref<16x128xf32, #tpu.memory_space<hbm>>) dst(%dma_wait3A_1111 : memref<16x128xf32, #tpu.memory_space<vmem>>)
      %dma_wait3A_1114 = arith.constant 8 : i32
      %dma_wait3A_1115 = arith.constant 0 : i32
      %dma_wait3A_1116 = arith.constant 0 : i32
      %dma_wait3A_1117 = tpu.memref_slice %arg9[%dma_wait3A_1114, %dma_wait3A_1115, %dma_wait3A_1116] : memref<16x16x128xf32, #tpu.memory_space<vmem>> -> memref<1x16x128xf32, #tpu.memory_space<vmem>>
      %dma_wait3A_1118 = tpu.memref_squeeze %dma_wait3A_1117 : memref<1x16x128xf32, #tpu.memory_space<vmem>> -> memref<16x128xf32, #tpu.memory_space<vmem>>
      %dma_wait3A_1119 = arith.constant 0 : i32
      %dma_wait3A_1120 = tpu.memref_slice %arg2[%dma_wait3A_1119, %multiple_of3A_483] : memref<16x1000000xf32, #tpu.memory_space<hbm>> -> memref<16x128xf32, #tpu.memory_space<hbm>>
      %dma_wait3A_1121 = arith.constant 0 : i32
      %dma_wait3A_1122 = arith.constant 0 : i32
      %dma_wait3A_1123 = tpu.memref_slice %arg9[%dma_wait3A_1114, %dma_wait3A_1121, %dma_wait3A_1122] : memref<16x16x128xf32, #tpu.memory_space<vmem>> -> memref<1x16x128xf32, #tpu.memory_space<vmem>>
      %dma_wait3A_1124 = tpu.memref_squeeze %dma_wait3A_1123 : memref<1x16x128xf32, #tpu.memory_space<vmem>> -> memref<16x128xf32, #tpu.memory_space<vmem>>
      %dma_wait3A_1125 = arith.constant 0 : i32
      %dma_wait3A_1126 = tpu.memref_slice %arg2[%dma_wait3A_1125, %multiple_of3A_483] : memref<16x1000000xf32, #tpu.memory_space<hbm>> -> memref<16x128xf32, #tpu.memory_space<hbm>>
      tpu.wait_dma2 semaphore(%arg12 : memref<!tpu.dma_semaphore, #tpu.memory_space<semaphore_mem>>) src(%dma_wait3A_1126 : memref<16x128xf32, #tpu.memory_space<hbm>>) dst(%dma_wait3A_1124 : memref<16x128xf32, #tpu.memory_space<vmem>>)
      %dma_wait3A_1127 = arith.constant 8 : i32
      %dma_wait3A_1128 = arith.constant 0 : i32
      %dma_wait3A_1129 = arith.constant 0 : i32
      %dma_wait3A_1130 = tpu.memref_slice %arg10[%dma_wait3A_1127, %dma_wait3A_1128, %dma_wait3A_1129] : memref<16x16x128xf32, #tpu.memory_space<vmem>> -> memref<1x16x128xf32, #tpu.memory_space<vmem>>
      %dma_wait3A_1131 = tpu.memref_squeeze %dma_wait3A_1130 : memref<1x16x128xf32, #tpu.memory_space<vmem>> -> memref<16x128xf32, #tpu.memory_space<vmem>>
      %dma_wait3A_1132 = arith.constant 0 : i32
      %dma_wait3A_1133 = tpu.memref_slice %arg3[%dma_wait3A_1132, %multiple_of3A_488] : memref<16x1000000xf32, #tpu.memory_space<hbm>> -> memref<16x128xf32, #tpu.memory_space<hbm>>
      %dma_wait3A_1134 = arith.constant 0 : i32
      %dma_wait3A_1135 = arith.constant 0 : i32
      %dma_wait3A_1136 = tpu.memref_slice %arg10[%dma_wait3A_1127, %dma_wait3A_1134, %dma_wait3A_1135] : memref<16x16x128xf32, #tpu.memory_space<vmem>> -> memref<1x16x128xf32, #tpu.memory_space<vmem>>
      %dma_wait3A_1137 = tpu.memref_squeeze %dma_wait3A_1136 : memref<1x16x128xf32, #tpu.memory_space<vmem>> -> memref<16x128xf32, #tpu.memory_space<vmem>>
      %dma_wait3A_1138 = arith.constant 0 : i32
      %dma_wait3A_1139 = tpu.memref_slice %arg3[%dma_wait3A_1138, %multiple_of3A_488] : memref<16x1000000xf32, #tpu.memory_space<hbm>> -> memref<16x128xf32, #tpu.memory_space<hbm>>
      tpu.wait_dma2 semaphore(%arg12 : memref<!tpu.dma_semaphore, #tpu.memory_space<semaphore_mem>>) src(%dma_wait3A_1139 : memref<16x128xf32, #tpu.memory_space<hbm>>) dst(%dma_wait3A_1137 : memref<16x128xf32, #tpu.memory_space<vmem>>)
      %dma_wait3A_1140 = arith.constant 9 : i32
      %dma_wait3A_1141 = arith.constant 0 : i32
      %dma_wait3A_1142 = arith.constant 0 : i32
      %dma_wait3A_1143 = tpu.memref_slice %arg9[%dma_wait3A_1140, %dma_wait3A_1141, %dma_wait3A_1142] : memref<16x16x128xf32, #tpu.memory_space<vmem>> -> memref<1x16x128xf32, #tpu.memory_space<vmem>>
      %dma_wait3A_1144 = tpu.memref_squeeze %dma_wait3A_1143 : memref<1x16x128xf32, #tpu.memory_space<vmem>> -> memref<16x128xf32, #tpu.memory_space<vmem>>
      %dma_wait3A_1145 = arith.constant 0 : i32
      %dma_wait3A_1146 = tpu.memref_slice %arg2[%dma_wait3A_1145, %multiple_of3A_539] : memref<16x1000000xf32, #tpu.memory_space<hbm>> -> memref<16x128xf32, #tpu.memory_space<hbm>>
      %dma_wait3A_1147 = arith.constant 0 : i32
      %dma_wait3A_1148 = arith.constant 0 : i32
      %dma_wait3A_1149 = tpu.memref_slice %arg9[%dma_wait3A_1140, %dma_wait3A_1147, %dma_wait3A_1148] : memref<16x16x128xf32, #tpu.memory_space<vmem>> -> memref<1x16x128xf32, #tpu.memory_space<vmem>>
      %dma_wait3A_1150 = tpu.memref_squeeze %dma_wait3A_1149 : memref<1x16x128xf32, #tpu.memory_space<vmem>> -> memref<16x128xf32, #tpu.memory_space<vmem>>
      %dma_wait3A_1151 = arith.constant 0 : i32
      %dma_wait3A_1152 = tpu.memref_slice %arg2[%dma_wait3A_1151, %multiple_of3A_539] : memref<16x1000000xf32, #tpu.memory_space<hbm>> -> memref<16x128xf32, #tpu.memory_space<hbm>>
      tpu.wait_dma2 semaphore(%arg12 : memref<!tpu.dma_semaphore, #tpu.memory_space<semaphore_mem>>) src(%dma_wait3A_1152 : memref<16x128xf32, #tpu.memory_space<hbm>>) dst(%dma_wait3A_1150 : memref<16x128xf32, #tpu.memory_space<vmem>>)
      %dma_wait3A_1153 = arith.constant 9 : i32
      %dma_wait3A_1154 = arith.constant 0 : i32
      %dma_wait3A_1155 = arith.constant 0 : i32
      %dma_wait3A_1156 = tpu.memref_slice %arg10[%dma_wait3A_1153, %dma_wait3A_1154, %dma_wait3A_1155] : memref<16x16x128xf32, #tpu.memory_space<vmem>> -> memref<1x16x128xf32, #tpu.memory_space<vmem>>
      %dma_wait3A_1157 = tpu.memref_squeeze %dma_wait3A_1156 : memref<1x16x128xf32, #tpu.memory_space<vmem>> -> memref<16x128xf32, #tpu.memory_space<vmem>>
      %dma_wait3A_1158 = arith.constant 0 : i32
      %dma_wait3A_1159 = tpu.memref_slice %arg3[%dma_wait3A_1158, %multiple_of3A_544] : memref<16x1000000xf32, #tpu.memory_space<hbm>> -> memref<16x128xf32, #tpu.memory_space<hbm>>
      %dma_wait3A_1160 = arith.constant 0 : i32
      %dma_wait3A_1161 = arith.constant 0 : i32
      %dma_wait3A_1162 = tpu.memref_slice %arg10[%dma_wait3A_1153, %dma_wait3A_1160, %dma_wait3A_1161] : memref<16x16x128xf32, #tpu.memory_space<vmem>> -> memref<1x16x128xf32, #tpu.memory_space<vmem>>
      %dma_wait3A_1163 = tpu.memref_squeeze %dma_wait3A_1162 : memref<1x16x128xf32, #tpu.memory_space<vmem>> -> memref<16x128xf32, #tpu.memory_space<vmem>>
      %dma_wait3A_1164 = arith.constant 0 : i32
      %dma_wait3A_1165 = tpu.memref_slice %arg3[%dma_wait3A_1164, %multiple_of3A_544] : memref<16x1000000xf32, #tpu.memory_space<hbm>> -> memref<16x128xf32, #tpu.memory_space<hbm>>
      tpu.wait_dma2 semaphore(%arg12 : memref<!tpu.dma_semaphore, #tpu.memory_space<semaphore_mem>>) src(%dma_wait3A_1165 : memref<16x128xf32, #tpu.memory_space<hbm>>) dst(%dma_wait3A_1163 : memref<16x128xf32, #tpu.memory_space<vmem>>)
      %dma_wait3A_1166 = arith.constant 10 : i32
      %dma_wait3A_1167 = arith.constant 0 : i32
      %dma_wait3A_1168 = arith.constant 0 : i32
      %dma_wait3A_1169 = tpu.memref_slice %arg9[%dma_wait3A_1166, %dma_wait3A_1167, %dma_wait3A_1168] : memref<16x16x128xf32, #tpu.memory_space<vmem>> -> memref<1x16x128xf32, #tpu.memory_space<vmem>>
      %dma_wait3A_1170 = tpu.memref_squeeze %dma_wait3A_1169 : memref<1x16x128xf32, #tpu.memory_space<vmem>> -> memref<16x128xf32, #tpu.memory_space<vmem>>
      %dma_wait3A_1171 = arith.constant 0 : i32
      %dma_wait3A_1172 = tpu.memref_slice %arg2[%dma_wait3A_1171, %multiple_of3A_595] : memref<16x1000000xf32, #tpu.memory_space<hbm>> -> memref<16x128xf32, #tpu.memory_space<hbm>>
      %dma_wait3A_1173 = arith.constant 0 : i32
      %dma_wait3A_1174 = arith.constant 0 : i32
      %dma_wait3A_1175 = tpu.memref_slice %arg9[%dma_wait3A_1166, %dma_wait3A_1173, %dma_wait3A_1174] : memref<16x16x128xf32, #tpu.memory_space<vmem>> -> memref<1x16x128xf32, #tpu.memory_space<vmem>>
      %dma_wait3A_1176 = tpu.memref_squeeze %dma_wait3A_1175 : memref<1x16x128xf32, #tpu.memory_space<vmem>> -> memref<16x128xf32, #tpu.memory_space<vmem>>
      %dma_wait3A_1177 = arith.constant 0 : i32
      %dma_wait3A_1178 = tpu.memref_slice %arg2[%dma_wait3A_1177, %multiple_of3A_595] : memref<16x1000000xf32, #tpu.memory_space<hbm>> -> memref<16x128xf32, #tpu.memory_space<hbm>>
      tpu.wait_dma2 semaphore(%arg12 : memref<!tpu.dma_semaphore, #tpu.memory_space<semaphore_mem>>) src(%dma_wait3A_1178 : memref<16x128xf32, #tpu.memory_space<hbm>>) dst(%dma_wait3A_1176 : memref<16x128xf32, #tpu.memory_space<vmem>>)
      %dma_wait3A_1179 = arith.constant 10 : i32
      %dma_wait3A_1180 = arith.constant 0 : i32
      %dma_wait3A_1181 = arith.constant 0 : i32
      %dma_wait3A_1182 = tpu.memref_slice %arg10[%dma_wait3A_1179, %dma_wait3A_1180, %dma_wait3A_1181] : memref<16x16x128xf32, #tpu.memory_space<vmem>> -> memref<1x16x128xf32, #tpu.memory_space<vmem>>
      %dma_wait3A_1183 = tpu.memref_squeeze %dma_wait3A_1182 : memref<1x16x128xf32, #tpu.memory_space<vmem>> -> memref<16x128xf32, #tpu.memory_space<vmem>>
      %dma_wait3A_1184 = arith.constant 0 : i32
      %dma_wait3A_1185 = tpu.memref_slice %arg3[%dma_wait3A_1184, %multiple_of3A_600] : memref<16x1000000xf32, #tpu.memory_space<hbm>> -> memref<16x128xf32, #tpu.memory_space<hbm>>
      %dma_wait3A_1186 = arith.constant 0 : i32
      %dma_wait3A_1187 = arith.constant 0 : i32
      %dma_wait3A_1188 = tpu.memref_slice %arg10[%dma_wait3A_1179, %dma_wait3A_1186, %dma_wait3A_1187] : memref<16x16x128xf32, #tpu.memory_space<vmem>> -> memref<1x16x128xf32, #tpu.memory_space<vmem>>
      %dma_wait3A_1189 = tpu.memref_squeeze %dma_wait3A_1188 : memref<1x16x128xf32, #tpu.memory_space<vmem>> -> memref<16x128xf32, #tpu.memory_space<vmem>>
      %dma_wait3A_1190 = arith.constant 0 : i32
      %dma_wait3A_1191 = tpu.memref_slice %arg3[%dma_wait3A_1190, %multiple_of3A_600] : memref<16x1000000xf32, #tpu.memory_space<hbm>> -> memref<16x128xf32, #tpu.memory_space<hbm>>
      tpu.wait_dma2 semaphore(%arg12 : memref<!tpu.dma_semaphore, #tpu.memory_space<semaphore_mem>>) src(%dma_wait3A_1191 : memref<16x128xf32, #tpu.memory_space<hbm>>) dst(%dma_wait3A_1189 : memref<16x128xf32, #tpu.memory_space<vmem>>)
      %dma_wait3A_1192 = arith.constant 11 : i32
      %dma_wait3A_1193 = arith.constant 0 : i32
      %dma_wait3A_1194 = arith.constant 0 : i32
      %dma_wait3A_1195 = tpu.memref_slice %arg9[%dma_wait3A_1192, %dma_wait3A_1193, %dma_wait3A_1194] : memref<16x16x128xf32, #tpu.memory_space<vmem>> -> memref<1x16x128xf32, #tpu.memory_space<vmem>>
      %dma_wait3A_1196 = tpu.memref_squeeze %dma_wait3A_1195 : memref<1x16x128xf32, #tpu.memory_space<vmem>> -> memref<16x128xf32, #tpu.memory_space<vmem>>
      %dma_wait3A_1197 = arith.constant 0 : i32
      %dma_wait3A_1198 = tpu.memref_slice %arg2[%dma_wait3A_1197, %multiple_of3A_651] : memref<16x1000000xf32, #tpu.memory_space<hbm>> -> memref<16x128xf32, #tpu.memory_space<hbm>>
      %dma_wait3A_1199 = arith.constant 0 : i32
      %dma_wait3A_1200 = arith.constant 0 : i32
      %dma_wait3A_1201 = tpu.memref_slice %arg9[%dma_wait3A_1192, %dma_wait3A_1199, %dma_wait3A_1200] : memref<16x16x128xf32, #tpu.memory_space<vmem>> -> memref<1x16x128xf32, #tpu.memory_space<vmem>>
      %dma_wait3A_1202 = tpu.memref_squeeze %dma_wait3A_1201 : memref<1x16x128xf32, #tpu.memory_space<vmem>> -> memref<16x128xf32, #tpu.memory_space<vmem>>
      %dma_wait3A_1203 = arith.constant 0 : i32
      %dma_wait3A_1204 = tpu.memref_slice %arg2[%dma_wait3A_1203, %multiple_of3A_651] : memref<16x1000000xf32, #tpu.memory_space<hbm>> -> memref<16x128xf32, #tpu.memory_space<hbm>>
      tpu.wait_dma2 semaphore(%arg12 : memref<!tpu.dma_semaphore, #tpu.memory_space<semaphore_mem>>) src(%dma_wait3A_1204 : memref<16x128xf32, #tpu.memory_space<hbm>>) dst(%dma_wait3A_1202 : memref<16x128xf32, #tpu.memory_space<vmem>>)
      %dma_wait3A_1205 = arith.constant 11 : i32
      %dma_wait3A_1206 = arith.constant 0 : i32
      %dma_wait3A_1207 = arith.constant 0 : i32
      %dma_wait3A_1208 = tpu.memref_slice %arg10[%dma_wait3A_1205, %dma_wait3A_1206, %dma_wait3A_1207] : memref<16x16x128xf32, #tpu.memory_space<vmem>> -> memref<1x16x128xf32, #tpu.memory_space<vmem>>
      %dma_wait3A_1209 = tpu.memref_squeeze %dma_wait3A_1208 : memref<1x16x128xf32, #tpu.memory_space<vmem>> -> memref<16x128xf32, #tpu.memory_space<vmem>>
      %dma_wait3A_1210 = arith.constant 0 : i32
      %dma_wait3A_1211 = tpu.memref_slice %arg3[%dma_wait3A_1210, %multiple_of3A_656] : memref<16x1000000xf32, #tpu.memory_space<hbm>> -> memref<16x128xf32, #tpu.memory_space<hbm>>
      %dma_wait3A_1212 = arith.constant 0 : i32
      %dma_wait3A_1213 = arith.constant 0 : i32
      %dma_wait3A_1214 = tpu.memref_slice %arg10[%dma_wait3A_1205, %dma_wait3A_1212, %dma_wait3A_1213] : memref<16x16x128xf32, #tpu.memory_space<vmem>> -> memref<1x16x128xf32, #tpu.memory_space<vmem>>
      %dma_wait3A_1215 = tpu.memref_squeeze %dma_wait3A_1214 : memref<1x16x128xf32, #tpu.memory_space<vmem>> -> memref<16x128xf32, #tpu.memory_space<vmem>>
      %dma_wait3A_1216 = arith.constant 0 : i32
      %dma_wait3A_1217 = tpu.memref_slice %arg3[%dma_wait3A_1216, %multiple_of3A_656] : memref<16x1000000xf32, #tpu.memory_space<hbm>> -> memref<16x128xf32, #tpu.memory_space<hbm>>
      tpu.wait_dma2 semaphore(%arg12 : memref<!tpu.dma_semaphore, #tpu.memory_space<semaphore_mem>>) src(%dma_wait3A_1217 : memref<16x128xf32, #tpu.memory_space<hbm>>) dst(%dma_wait3A_1215 : memref<16x128xf32, #tpu.memory_space<vmem>>)
      %dma_wait3A_1218 = arith.constant 12 : i32
      %dma_wait3A_1219 = arith.constant 0 : i32
      %dma_wait3A_1220 = arith.constant 0 : i32
      %dma_wait3A_1221 = tpu.memref_slice %arg9[%dma_wait3A_1218, %dma_wait3A_1219, %dma_wait3A_1220] : memref<16x16x128xf32, #tpu.memory_space<vmem>> -> memref<1x16x128xf32, #tpu.memory_space<vmem>>
      %dma_wait3A_1222 = tpu.memref_squeeze %dma_wait3A_1221 : memref<1x16x128xf32, #tpu.memory_space<vmem>> -> memref<16x128xf32, #tpu.memory_space<vmem>>
      %dma_wait3A_1223 = arith.constant 0 : i32
      %dma_wait3A_1224 = tpu.memref_slice %arg2[%dma_wait3A_1223, %multiple_of3A_707] : memref<16x1000000xf32, #tpu.memory_space<hbm>> -> memref<16x128xf32, #tpu.memory_space<hbm>>
      %dma_wait3A_1225 = arith.constant 0 : i32
      %dma_wait3A_1226 = arith.constant 0 : i32
      %dma_wait3A_1227 = tpu.memref_slice %arg9[%dma_wait3A_1218, %dma_wait3A_1225, %dma_wait3A_1226] : memref<16x16x128xf32, #tpu.memory_space<vmem>> -> memref<1x16x128xf32, #tpu.memory_space<vmem>>
      %dma_wait3A_1228 = tpu.memref_squeeze %dma_wait3A_1227 : memref<1x16x128xf32, #tpu.memory_space<vmem>> -> memref<16x128xf32, #tpu.memory_space<vmem>>
      %dma_wait3A_1229 = arith.constant 0 : i32
      %dma_wait3A_1230 = tpu.memref_slice %arg2[%dma_wait3A_1229, %multiple_of3A_707] : memref<16x1000000xf32, #tpu.memory_space<hbm>> -> memref<16x128xf32, #tpu.memory_space<hbm>>
      tpu.wait_dma2 semaphore(%arg12 : memref<!tpu.dma_semaphore, #tpu.memory_space<semaphore_mem>>) src(%dma_wait3A_1230 : memref<16x128xf32, #tpu.memory_space<hbm>>) dst(%dma_wait3A_1228 : memref<16x128xf32, #tpu.memory_space<vmem>>)
      %dma_wait3A_1231 = arith.constant 12 : i32
      %dma_wait3A_1232 = arith.constant 0 : i32
      %dma_wait3A_1233 = arith.constant 0 : i32
      %dma_wait3A_1234 = tpu.memref_slice %arg10[%dma_wait3A_1231, %dma_wait3A_1232, %dma_wait3A_1233] : memref<16x16x128xf32, #tpu.memory_space<vmem>> -> memref<1x16x128xf32, #tpu.memory_space<vmem>>
      %dma_wait3A_1235 = tpu.memref_squeeze %dma_wait3A_1234 : memref<1x16x128xf32, #tpu.memory_space<vmem>> -> memref<16x128xf32, #tpu.memory_space<vmem>>
      %dma_wait3A_1236 = arith.constant 0 : i32
      %dma_wait3A_1237 = tpu.memref_slice %arg3[%dma_wait3A_1236, %multiple_of3A_712] : memref<16x1000000xf32, #tpu.memory_space<hbm>> -> memref<16x128xf32, #tpu.memory_space<hbm>>
      %dma_wait3A_1238 = arith.constant 0 : i32
      %dma_wait3A_1239 = arith.constant 0 : i32
      %dma_wait3A_1240 = tpu.memref_slice %arg10[%dma_wait3A_1231, %dma_wait3A_1238, %dma_wait3A_1239] : memref<16x16x128xf32, #tpu.memory_space<vmem>> -> memref<1x16x128xf32, #tpu.memory_space<vmem>>
      %dma_wait3A_1241 = tpu.memref_squeeze %dma_wait3A_1240 : memref<1x16x128xf32, #tpu.memory_space<vmem>> -> memref<16x128xf32, #tpu.memory_space<vmem>>
      %dma_wait3A_1242 = arith.constant 0 : i32
      %dma_wait3A_1243 = tpu.memref_slice %arg3[%dma_wait3A_1242, %multiple_of3A_712] : memref<16x1000000xf32, #tpu.memory_space<hbm>> -> memref<16x128xf32, #tpu.memory_space<hbm>>
      tpu.wait_dma2 semaphore(%arg12 : memref<!tpu.dma_semaphore, #tpu.memory_space<semaphore_mem>>) src(%dma_wait3A_1243 : memref<16x128xf32, #tpu.memory_space<hbm>>) dst(%dma_wait3A_1241 : memref<16x128xf32, #tpu.memory_space<vmem>>)
      %dma_wait3A_1244 = arith.constant 13 : i32
      %dma_wait3A_1245 = arith.constant 0 : i32
      %dma_wait3A_1246 = arith.constant 0 : i32
      %dma_wait3A_1247 = tpu.memref_slice %arg9[%dma_wait3A_1244, %dma_wait3A_1245, %dma_wait3A_1246] : memref<16x16x128xf32, #tpu.memory_space<vmem>> -> memref<1x16x128xf32, #tpu.memory_space<vmem>>
      %dma_wait3A_1248 = tpu.memref_squeeze %dma_wait3A_1247 : memref<1x16x128xf32, #tpu.memory_space<vmem>> -> memref<16x128xf32, #tpu.memory_space<vmem>>
      %dma_wait3A_1249 = arith.constant 0 : i32
      %dma_wait3A_1250 = tpu.memref_slice %arg2[%dma_wait3A_1249, %multiple_of3A_763] : memref<16x1000000xf32, #tpu.memory_space<hbm>> -> memref<16x128xf32, #tpu.memory_space<hbm>>
      %dma_wait3A_1251 = arith.constant 0 : i32
      %dma_wait3A_1252 = arith.constant 0 : i32
      %dma_wait3A_1253 = tpu.memref_slice %arg9[%dma_wait3A_1244, %dma_wait3A_1251, %dma_wait3A_1252] : memref<16x16x128xf32, #tpu.memory_space<vmem>> -> memref<1x16x128xf32, #tpu.memory_space<vmem>>
      %dma_wait3A_1254 = tpu.memref_squeeze %dma_wait3A_1253 : memref<1x16x128xf32, #tpu.memory_space<vmem>> -> memref<16x128xf32, #tpu.memory_space<vmem>>
      %dma_wait3A_1255 = arith.constant 0 : i32
      %dma_wait3A_1256 = tpu.memref_slice %arg2[%dma_wait3A_1255, %multiple_of3A_763] : memref<16x1000000xf32, #tpu.memory_space<hbm>> -> memref<16x128xf32, #tpu.memory_space<hbm>>
      tpu.wait_dma2 semaphore(%arg12 : memref<!tpu.dma_semaphore, #tpu.memory_space<semaphore_mem>>) src(%dma_wait3A_1256 : memref<16x128xf32, #tpu.memory_space<hbm>>) dst(%dma_wait3A_1254 : memref<16x128xf32, #tpu.memory_space<vmem>>)
      %dma_wait3A_1257 = arith.constant 13 : i32
      %dma_wait3A_1258 = arith.constant 0 : i32
      %dma_wait3A_1259 = arith.constant 0 : i32
      %dma_wait3A_1260 = tpu.memref_slice %arg10[%dma_wait3A_1257, %dma_wait3A_1258, %dma_wait3A_1259] : memref<16x16x128xf32, #tpu.memory_space<vmem>> -> memref<1x16x128xf32, #tpu.memory_space<vmem>>
      %dma_wait3A_1261 = tpu.memref_squeeze %dma_wait3A_1260 : memref<1x16x128xf32, #tpu.memory_space<vmem>> -> memref<16x128xf32, #tpu.memory_space<vmem>>
      %dma_wait3A_1262 = arith.constant 0 : i32
      %dma_wait3A_1263 = tpu.memref_slice %arg3[%dma_wait3A_1262, %multiple_of3A_768] : memref<16x1000000xf32, #tpu.memory_space<hbm>> -> memref<16x128xf32, #tpu.memory_space<hbm>>
      %dma_wait3A_1264 = arith.constant 0 : i32
      %dma_wait3A_1265 = arith.constant 0 : i32
      %dma_wait3A_1266 = tpu.memref_slice %arg10[%dma_wait3A_1257, %dma_wait3A_1264, %dma_wait3A_1265] : memref<16x16x128xf32, #tpu.memory_space<vmem>> -> memref<1x16x128xf32, #tpu.memory_space<vmem>>
      %dma_wait3A_1267 = tpu.memref_squeeze %dma_wait3A_1266 : memref<1x16x128xf32, #tpu.memory_space<vmem>> -> memref<16x128xf32, #tpu.memory_space<vmem>>
      %dma_wait3A_1268 = arith.constant 0 : i32
      %dma_wait3A_1269 = tpu.memref_slice %arg3[%dma_wait3A_1268, %multiple_of3A_768] : memref<16x1000000xf32, #tpu.memory_space<hbm>> -> memref<16x128xf32, #tpu.memory_space<hbm>>
      tpu.wait_dma2 semaphore(%arg12 : memref<!tpu.dma_semaphore, #tpu.memory_space<semaphore_mem>>) src(%dma_wait3A_1269 : memref<16x128xf32, #tpu.memory_space<hbm>>) dst(%dma_wait3A_1267 : memref<16x128xf32, #tpu.memory_space<vmem>>)
      %dma_wait3A_1270 = arith.constant 14 : i32
      %dma_wait3A_1271 = arith.constant 0 : i32
      %dma_wait3A_1272 = arith.constant 0 : i32
      %dma_wait3A_1273 = tpu.memref_slice %arg9[%dma_wait3A_1270, %dma_wait3A_1271, %dma_wait3A_1272] : memref<16x16x128xf32, #tpu.memory_space<vmem>> -> memref<1x16x128xf32, #tpu.memory_space<vmem>>
      %dma_wait3A_1274 = tpu.memref_squeeze %dma_wait3A_1273 : memref<1x16x128xf32, #tpu.memory_space<vmem>> -> memref<16x128xf32, #tpu.memory_space<vmem>>
      %dma_wait3A_1275 = arith.constant 0 : i32
      %dma_wait3A_1276 = tpu.memref_slice %arg2[%dma_wait3A_1275, %multiple_of3A_819] : memref<16x1000000xf32, #tpu.memory_space<hbm>> -> memref<16x128xf32, #tpu.memory_space<hbm>>
      %dma_wait3A_1277 = arith.constant 0 : i32
      %dma_wait3A_1278 = arith.constant 0 : i32
      %dma_wait3A_1279 = tpu.memref_slice %arg9[%dma_wait3A_1270, %dma_wait3A_1277, %dma_wait3A_1278] : memref<16x16x128xf32, #tpu.memory_space<vmem>> -> memref<1x16x128xf32, #tpu.memory_space<vmem>>
      %dma_wait3A_1280 = tpu.memref_squeeze %dma_wait3A_1279 : memref<1x16x128xf32, #tpu.memory_space<vmem>> -> memref<16x128xf32, #tpu.memory_space<vmem>>
      %dma_wait3A_1281 = arith.constant 0 : i32
      %dma_wait3A_1282 = tpu.memref_slice %arg2[%dma_wait3A_1281, %multiple_of3A_819] : memref<16x1000000xf32, #tpu.memory_space<hbm>> -> memref<16x128xf32, #tpu.memory_space<hbm>>
      tpu.wait_dma2 semaphore(%arg12 : memref<!tpu.dma_semaphore, #tpu.memory_space<semaphore_mem>>) src(%dma_wait3A_1282 : memref<16x128xf32, #tpu.memory_space<hbm>>) dst(%dma_wait3A_1280 : memref<16x128xf32, #tpu.memory_space<vmem>>)
      %dma_wait3A_1283 = arith.constant 14 : i32
      %dma_wait3A_1284 = arith.constant 0 : i32
      %dma_wait3A_1285 = arith.constant 0 : i32
      %dma_wait3A_1286 = tpu.memref_slice %arg10[%dma_wait3A_1283, %dma_wait3A_1284, %dma_wait3A_1285] : memref<16x16x128xf32, #tpu.memory_space<vmem>> -> memref<1x16x128xf32, #tpu.memory_space<vmem>>
      %dma_wait3A_1287 = tpu.memref_squeeze %dma_wait3A_1286 : memref<1x16x128xf32, #tpu.memory_space<vmem>> -> memref<16x128xf32, #tpu.memory_space<vmem>>
      %dma_wait3A_1288 = arith.constant 0 : i32
      %dma_wait3A_1289 = tpu.memref_slice %arg3[%dma_wait3A_1288, %multiple_of3A_824] : memref<16x1000000xf32, #tpu.memory_space<hbm>> -> memref<16x128xf32, #tpu.memory_space<hbm>>
      %dma_wait3A_1290 = arith.constant 0 : i32
      %dma_wait3A_1291 = arith.constant 0 : i32
      %dma_wait3A_1292 = tpu.memref_slice %arg10[%dma_wait3A_1283, %dma_wait3A_1290, %dma_wait3A_1291] : memref<16x16x128xf32, #tpu.memory_space<vmem>> -> memref<1x16x128xf32, #tpu.memory_space<vmem>>
      %dma_wait3A_1293 = tpu.memref_squeeze %dma_wait3A_1292 : memref<1x16x128xf32, #tpu.memory_space<vmem>> -> memref<16x128xf32, #tpu.memory_space<vmem>>
      %dma_wait3A_1294 = arith.constant 0 : i32
      %dma_wait3A_1295 = tpu.memref_slice %arg3[%dma_wait3A_1294, %multiple_of3A_824] : memref<16x1000000xf32, #tpu.memory_space<hbm>> -> memref<16x128xf32, #tpu.memory_space<hbm>>
      tpu.wait_dma2 semaphore(%arg12 : memref<!tpu.dma_semaphore, #tpu.memory_space<semaphore_mem>>) src(%dma_wait3A_1295 : memref<16x128xf32, #tpu.memory_space<hbm>>) dst(%dma_wait3A_1293 : memref<16x128xf32, #tpu.memory_space<vmem>>)
      %dma_wait3A_1296 = arith.constant 15 : i32
      %dma_wait3A_1297 = arith.constant 0 : i32
      %dma_wait3A_1298 = arith.constant 0 : i32
      %dma_wait3A_1299 = tpu.memref_slice %arg9[%dma_wait3A_1296, %dma_wait3A_1297, %dma_wait3A_1298] : memref<16x16x128xf32, #tpu.memory_space<vmem>> -> memref<1x16x128xf32, #tpu.memory_space<vmem>>
      %dma_wait3A_1300 = tpu.memref_squeeze %dma_wait3A_1299 : memref<1x16x128xf32, #tpu.memory_space<vmem>> -> memref<16x128xf32, #tpu.memory_space<vmem>>
      %dma_wait3A_1301 = arith.constant 0 : i32
      %dma_wait3A_1302 = tpu.memref_slice %arg2[%dma_wait3A_1301, %multiple_of3A_875] : memref<16x1000000xf32, #tpu.memory_space<hbm>> -> memref<16x128xf32, #tpu.memory_space<hbm>>
      %dma_wait3A_1303 = arith.constant 0 : i32
      %dma_wait3A_1304 = arith.constant 0 : i32
      %dma_wait3A_1305 = tpu.memref_slice %arg9[%dma_wait3A_1296, %dma_wait3A_1303, %dma_wait3A_1304] : memref<16x16x128xf32, #tpu.memory_space<vmem>> -> memref<1x16x128xf32, #tpu.memory_space<vmem>>
      %dma_wait3A_1306 = tpu.memref_squeeze %dma_wait3A_1305 : memref<1x16x128xf32, #tpu.memory_space<vmem>> -> memref<16x128xf32, #tpu.memory_space<vmem>>
      %dma_wait3A_1307 = arith.constant 0 : i32
      %dma_wait3A_1308 = tpu.memref_slice %arg2[%dma_wait3A_1307, %multiple_of3A_875] : memref<16x1000000xf32, #tpu.memory_space<hbm>> -> memref<16x128xf32, #tpu.memory_space<hbm>>
      tpu.wait_dma2 semaphore(%arg12 : memref<!tpu.dma_semaphore, #tpu.memory_space<semaphore_mem>>) src(%dma_wait3A_1308 : memref<16x128xf32, #tpu.memory_space<hbm>>) dst(%dma_wait3A_1306 : memref<16x128xf32, #tpu.memory_space<vmem>>)
      %dma_wait3A_1309 = arith.constant 15 : i32
      %dma_wait3A_1310 = arith.constant 0 : i32
      %dma_wait3A_1311 = arith.constant 0 : i32
      %dma_wait3A_1312 = tpu.memref_slice %arg10[%dma_wait3A_1309, %dma_wait3A_1310, %dma_wait3A_1311] : memref<16x16x128xf32, #tpu.memory_space<vmem>> -> memref<1x16x128xf32, #tpu.memory_space<vmem>>
      %dma_wait3A_1313 = tpu.memref_squeeze %dma_wait3A_1312 : memref<1x16x128xf32, #tpu.memory_space<vmem>> -> memref<16x128xf32, #tpu.memory_space<vmem>>
      %dma_wait3A_1314 = arith.constant 0 : i32
      %dma_wait3A_1315 = tpu.memref_slice %arg3[%dma_wait3A_1314, %multiple_of3A_880] : memref<16x1000000xf32, #tpu.memory_space<hbm>> -> memref<16x128xf32, #tpu.memory_space<hbm>>
      %dma_wait3A_1316 = arith.constant 0 : i32
      %dma_wait3A_1317 = arith.constant 0 : i32
      %dma_wait3A_1318 = tpu.memref_slice %arg10[%dma_wait3A_1309, %dma_wait3A_1316, %dma_wait3A_1317] : memref<16x16x128xf32, #tpu.memory_space<vmem>> -> memref<1x16x128xf32, #tpu.memory_space<vmem>>
      %dma_wait3A_1319 = tpu.memref_squeeze %dma_wait3A_1318 : memref<1x16x128xf32, #tpu.memory_space<vmem>> -> memref<16x128xf32, #tpu.memory_space<vmem>>
      %dma_wait3A_1320 = arith.constant 0 : i32
      %dma_wait3A_1321 = tpu.memref_slice %arg3[%dma_wait3A_1320, %multiple_of3A_880] : memref<16x1000000xf32, #tpu.memory_space<hbm>> -> memref<16x128xf32, #tpu.memory_space<hbm>>
      tpu.wait_dma2 semaphore(%arg12 : memref<!tpu.dma_semaphore, #tpu.memory_space<semaphore_mem>>) src(%dma_wait3A_1321 : memref<16x128xf32, #tpu.memory_space<hbm>>) dst(%dma_wait3A_1319 : memref<16x128xf32, #tpu.memory_space<vmem>>)
      %and3A_1322 = arith.constant 127 : i32
      %and3A_1323 = vector.broadcast %and3A_1322 : i32 to vector<16xi32>
      %and3A_1324 = arith.andi %get3A_14, %and3A_1323 : vector<16xi32>
      %and3A_1325 = arith.constant 127 : i32
      %and3A_1326 = vector.broadcast %and3A_1325 : i32 to vector<16xi32>
      %and3A_1327 = arith.andi %get3A_17, %and3A_1326 : vector<16xi32>
      %broadcast_in_dim3A_1328 = arith.constant 0.000000e+00 : f32
      %broadcast_in_dim3A_1329 = vector.broadcast %broadcast_in_dim3A_1328 : f32 to vector<16xf32>
      %broadcast_in_dim3A_1330 = arith.constant 0 : i32
      %broadcast_in_dim3A_1331 = vector.broadcast %broadcast_in_dim3A_1330 : i32 to vector<16xi32>
      %gather3A = tpu.vector_load_idx %arg9[%iota3A, %broadcast_in_dim3A_1331, %and3A_1324] : memref<16x16x128xf32, #tpu.memory_space<vmem>>[vector<16xi32>, vector<16xi32>, vector<16xi32>], vector<16xf32>,
      %gather3A_1332 = tpu.vector_load_idx %arg10[%iota3A, %broadcast_in_dim3A_1331, %and3A_1327] : memref<16x16x128xf32, #tpu.memory_space<vmem>>[vector<16xi32>, vector<16xi32>, vector<16xi32>], vector<16xf32>,
      %mul3A_1333 = arith.mulf %gather3A, %gather3A_1332 : vector<16xf32>
      %add3A_1334 = arith.addf %broadcast_in_dim3A_1329, %mul3A_1333 : vector<16xf32>
      %broadcast_in_dim3A_1335 = arith.constant 1 : i32
      %broadcast_in_dim3A_1336 = vector.broadcast %broadcast_in_dim3A_1335 : i32 to vector<16xi32>
      %gather3A_1337 = tpu.vector_load_idx %arg9[%iota3A, %broadcast_in_dim3A_1336, %and3A_1324] : memref<16x16x128xf32, #tpu.memory_space<vmem>>[vector<16xi32>, vector<16xi32>, vector<16xi32>], vector<16xf32>,
      %gather3A_1338 = tpu.vector_load_idx %arg10[%iota3A, %broadcast_in_dim3A_1336, %and3A_1327] : memref<16x16x128xf32, #tpu.memory_space<vmem>>[vector<16xi32>, vector<16xi32>, vector<16xi32>], vector<16xf32>,
      %mul3A_1339 = arith.mulf %gather3A_1337, %gather3A_1338 : vector<16xf32>
      %add3A_1340 = arith.addf %add3A_1334, %mul3A_1339 : vector<16xf32>
      %broadcast_in_dim3A_1341 = arith.constant 2 : i32
      %broadcast_in_dim3A_1342 = vector.broadcast %broadcast_in_dim3A_1341 : i32 to vector<16xi32>
      %gather3A_1343 = tpu.vector_load_idx %arg9[%iota3A, %broadcast_in_dim3A_1342, %and3A_1324] : memref<16x16x128xf32, #tpu.memory_space<vmem>>[vector<16xi32>, vector<16xi32>, vector<16xi32>], vector<16xf32>,
      %gather3A_1344 = tpu.vector_load_idx %arg10[%iota3A, %broadcast_in_dim3A_1342, %and3A_1327] : memref<16x16x128xf32, #tpu.memory_space<vmem>>[vector<16xi32>, vector<16xi32>, vector<16xi32>], vector<16xf32>,
      %mul3A_1345 = arith.mulf %gather3A_1343, %gather3A_1344 : vector<16xf32>
      %add3A_1346 = arith.addf %add3A_1340, %mul3A_1345 : vector<16xf32>
      %broadcast_in_dim3A_1347 = arith.constant 3 : i32
      %broadcast_in_dim3A_1348 = vector.broadcast %broadcast_in_dim3A_1347 : i32 to vector<16xi32>
      %gather3A_1349 = tpu.vector_load_idx %arg9[%iota3A, %broadcast_in_dim3A_1348, %and3A_1324] : memref<16x16x128xf32, #tpu.memory_space<vmem>>[vector<16xi32>, vector<16xi32>, vector<16xi32>], vector<16xf32>,
      %gather3A_1350 = tpu.vector_load_idx %arg10[%iota3A, %broadcast_in_dim3A_1348, %and3A_1327] : memref<16x16x128xf32, #tpu.memory_space<vmem>>[vector<16xi32>, vector<16xi32>, vector<16xi32>], vector<16xf32>,
      %mul3A_1351 = arith.mulf %gather3A_1349, %gather3A_1350 : vector<16xf32>
      %add3A_1352 = arith.addf %add3A_1346, %mul3A_1351 : vector<16xf32>
      %broadcast_in_dim3A_1353 = arith.constant 4 : i32
      %broadcast_in_dim3A_1354 = vector.broadcast %broadcast_in_dim3A_1353 : i32 to vector<16xi32>
      %gather3A_1355 = tpu.vector_load_idx %arg9[%iota3A, %broadcast_in_dim3A_1354, %and3A_1324] : memref<16x16x128xf32, #tpu.memory_space<vmem>>[vector<16xi32>, vector<16xi32>, vector<16xi32>], vector<16xf32>,
      %gather3A_1356 = tpu.vector_load_idx %arg10[%iota3A, %broadcast_in_dim3A_1354, %and3A_1327] : memref<16x16x128xf32, #tpu.memory_space<vmem>>[vector<16xi32>, vector<16xi32>, vector<16xi32>], vector<16xf32>,
      %mul3A_1357 = arith.mulf %gather3A_1355, %gather3A_1356 : vector<16xf32>
      %add3A_1358 = arith.addf %add3A_1352, %mul3A_1357 : vector<16xf32>
      %broadcast_in_dim3A_1359 = arith.constant 5 : i32
      %broadcast_in_dim3A_1360 = vector.broadcast %broadcast_in_dim3A_1359 : i32 to vector<16xi32>
      %gather3A_1361 = tpu.vector_load_idx %arg9[%iota3A, %broadcast_in_dim3A_1360, %and3A_1324] : memref<16x16x128xf32, #tpu.memory_space<vmem>>[vector<16xi32>, vector<16xi32>, vector<16xi32>], vector<16xf32>,
      %gather3A_1362 = tpu.vector_load_idx %arg10[%iota3A, %broadcast_in_dim3A_1360, %and3A_1327] : memref<16x16x128xf32, #tpu.memory_space<vmem>>[vector<16xi32>, vector<16xi32>, vector<16xi32>], vector<16xf32>,
      %mul3A_1363 = arith.mulf %gather3A_1361, %gather3A_1362 : vector<16xf32>
      %add3A_1364 = arith.addf %add3A_1358, %mul3A_1363 : vector<16xf32>
      %broadcast_in_dim3A_1365 = arith.constant 6 : i32
      %broadcast_in_dim3A_1366 = vector.broadcast %broadcast_in_dim3A_1365 : i32 to vector<16xi32>
      %gather3A_1367 = tpu.vector_load_idx %arg9[%iota3A, %broadcast_in_dim3A_1366, %and3A_1324] : memref<16x16x128xf32, #tpu.memory_space<vmem>>[vector<16xi32>, vector<16xi32>, vector<16xi32>], vector<16xf32>,
      %gather3A_1368 = tpu.vector_load_idx %arg10[%iota3A, %broadcast_in_dim3A_1366, %and3A_1327] : memref<16x16x128xf32, #tpu.memory_space<vmem>>[vector<16xi32>, vector<16xi32>, vector<16xi32>], vector<16xf32>,
      %mul3A_1369 = arith.mulf %gather3A_1367, %gather3A_1368 : vector<16xf32>
      %add3A_1370 = arith.addf %add3A_1364, %mul3A_1369 : vector<16xf32>
      %broadcast_in_dim3A_1371 = arith.constant 7 : i32
      %broadcast_in_dim3A_1372 = vector.broadcast %broadcast_in_dim3A_1371 : i32 to vector<16xi32>
      %gather3A_1373 = tpu.vector_load_idx %arg9[%iota3A, %broadcast_in_dim3A_1372, %and3A_1324] : memref<16x16x128xf32, #tpu.memory_space<vmem>>[vector<16xi32>, vector<16xi32>, vector<16xi32>], vector<16xf32>,
      %gather3A_1374 = tpu.vector_load_idx %arg10[%iota3A, %broadcast_in_dim3A_1372, %and3A_1327] : memref<16x16x128xf32, #tpu.memory_space<vmem>>[vector<16xi32>, vector<16xi32>, vector<16xi32>], vector<16xf32>,
      %mul3A_1375 = arith.mulf %gather3A_1373, %gather3A_1374 : vector<16xf32>
      %add3A_1376 = arith.addf %add3A_1370, %mul3A_1375 : vector<16xf32>
      %broadcast_in_dim3A_1377 = arith.constant 8 : i32
      %broadcast_in_dim3A_1378 = vector.broadcast %broadcast_in_dim3A_1377 : i32 to vector<16xi32>
      %gather3A_1379 = tpu.vector_load_idx %arg9[%iota3A, %broadcast_in_dim3A_1378, %and3A_1324] : memref<16x16x128xf32, #tpu.memory_space<vmem>>[vector<16xi32>, vector<16xi32>, vector<16xi32>], vector<16xf32>,
      %gather3A_1380 = tpu.vector_load_idx %arg10[%iota3A, %broadcast_in_dim3A_1378, %and3A_1327] : memref<16x16x128xf32, #tpu.memory_space<vmem>>[vector<16xi32>, vector<16xi32>, vector<16xi32>], vector<16xf32>,
      %mul3A_1381 = arith.mulf %gather3A_1379, %gather3A_1380 : vector<16xf32>
      %add3A_1382 = arith.addf %add3A_1376, %mul3A_1381 : vector<16xf32>
      %broadcast_in_dim3A_1383 = arith.constant 9 : i32
      %broadcast_in_dim3A_1384 = vector.broadcast %broadcast_in_dim3A_1383 : i32 to vector<16xi32>
      %gather3A_1385 = tpu.vector_load_idx %arg9[%iota3A, %broadcast_in_dim3A_1384, %and3A_1324] : memref<16x16x128xf32, #tpu.memory_space<vmem>>[vector<16xi32>, vector<16xi32>, vector<16xi32>], vector<16xf32>,
      %gather3A_1386 = tpu.vector_load_idx %arg10[%iota3A, %broadcast_in_dim3A_1384, %and3A_1327] : memref<16x16x128xf32, #tpu.memory_space<vmem>>[vector<16xi32>, vector<16xi32>, vector<16xi32>], vector<16xf32>,
      %mul3A_1387 = arith.mulf %gather3A_1385, %gather3A_1386 : vector<16xf32>
      %add3A_1388 = arith.addf %add3A_1382, %mul3A_1387 : vector<16xf32>
      %broadcast_in_dim3A_1389 = arith.constant 10 : i32
      %broadcast_in_dim3A_1390 = vector.broadcast %broadcast_in_dim3A_1389 : i32 to vector<16xi32>
      %gather3A_1391 = tpu.vector_load_idx %arg9[%iota3A, %broadcast_in_dim3A_1390, %and3A_1324] : memref<16x16x128xf32, #tpu.memory_space<vmem>>[vector<16xi32>, vector<16xi32>, vector<16xi32>], vector<16xf32>,
      %gather3A_1392 = tpu.vector_load_idx %arg10[%iota3A, %broadcast_in_dim3A_1390, %and3A_1327] : memref<16x16x128xf32, #tpu.memory_space<vmem>>[vector<16xi32>, vector<16xi32>, vector<16xi32>], vector<16xf32>,
      %mul3A_1393 = arith.mulf %gather3A_1391, %gather3A_1392 : vector<16xf32>
      %add3A_1394 = arith.addf %add3A_1388, %mul3A_1393 : vector<16xf32>
      %broadcast_in_dim3A_1395 = arith.constant 11 : i32
      %broadcast_in_dim3A_1396 = vector.broadcast %broadcast_in_dim3A_1395 : i32 to vector<16xi32>
      %gather3A_1397 = tpu.vector_load_idx %arg9[%iota3A, %broadcast_in_dim3A_1396, %and3A_1324] : memref<16x16x128xf32, #tpu.memory_space<vmem>>[vector<16xi32>, vector<16xi32>, vector<16xi32>], vector<16xf32>,
      %gather3A_1398 = tpu.vector_load_idx %arg10[%iota3A, %broadcast_in_dim3A_1396, %and3A_1327] : memref<16x16x128xf32, #tpu.memory_space<vmem>>[vector<16xi32>, vector<16xi32>, vector<16xi32>], vector<16xf32>,
      %mul3A_1399 = arith.mulf %gather3A_1397, %gather3A_1398 : vector<16xf32>
      %add3A_1400 = arith.addf %add3A_1394, %mul3A_1399 : vector<16xf32>
      %broadcast_in_dim3A_1401 = arith.constant 12 : i32
      %broadcast_in_dim3A_1402 = vector.broadcast %broadcast_in_dim3A_1401 : i32 to vector<16xi32>
      %gather3A_1403 = tpu.vector_load_idx %arg9[%iota3A, %broadcast_in_dim3A_1402, %and3A_1324] : memref<16x16x128xf32, #tpu.memory_space<vmem>>[vector<16xi32>, vector<16xi32>, vector<16xi32>], vector<16xf32>,
      %gather3A_1404 = tpu.vector_load_idx %arg10[%iota3A, %broadcast_in_dim3A_1402, %and3A_1327] : memref<16x16x128xf32, #tpu.memory_space<vmem>>[vector<16xi32>, vector<16xi32>, vector<16xi32>], vector<16xf32>,
      %mul3A_1405 = arith.mulf %gather3A_1403, %gather3A_1404 : vector<16xf32>
      %add3A_1406 = arith.addf %add3A_1400, %mul3A_1405 : vector<16xf32>
      %broadcast_in_dim3A_1407 = arith.constant 13 : i32
      %broadcast_in_dim3A_1408 = vector.broadcast %broadcast_in_dim3A_1407 : i32 to vector<16xi32>
      %gather3A_1409 = tpu.vector_load_idx %arg9[%iota3A, %broadcast_in_dim3A_1408, %and3A_1324] : memref<16x16x128xf32, #tpu.memory_space<vmem>>[vector<16xi32>, vector<16xi32>, vector<16xi32>], vector<16xf32>,
      %gather3A_1410 = tpu.vector_load_idx %arg10[%iota3A, %broadcast_in_dim3A_1408, %and3A_1327] : memref<16x16x128xf32, #tpu.memory_space<vmem>>[vector<16xi32>, vector<16xi32>, vector<16xi32>], vector<16xf32>,
      %mul3A_1411 = arith.mulf %gather3A_1409, %gather3A_1410 : vector<16xf32>
      %add3A_1412 = arith.addf %add3A_1406, %mul3A_1411 : vector<16xf32>
      %broadcast_in_dim3A_1413 = arith.constant 14 : i32
      %broadcast_in_dim3A_1414 = vector.broadcast %broadcast_in_dim3A_1413 : i32 to vector<16xi32>
      %gather3A_1415 = tpu.vector_load_idx %arg9[%iota3A, %broadcast_in_dim3A_1414, %and3A_1324] : memref<16x16x128xf32, #tpu.memory_space<vmem>>[vector<16xi32>, vector<16xi32>, vector<16xi32>], vector<16xf32>,
      %gather3A_1416 = tpu.vector_load_idx %arg10[%iota3A, %broadcast_in_dim3A_1414, %and3A_1327] : memref<16x16x128xf32, #tpu.memory_space<vmem>>[vector<16xi32>, vector<16xi32>, vector<16xi32>], vector<16xf32>,
      %mul3A_1417 = arith.mulf %gather3A_1415, %gather3A_1416 : vector<16xf32>
      %add3A_1418 = arith.addf %add3A_1412, %mul3A_1417 : vector<16xf32>
      %broadcast_in_dim3A_1419 = arith.constant 15 : i32
      %broadcast_in_dim3A_1420 = vector.broadcast %broadcast_in_dim3A_1419 : i32 to vector<16xi32>
      %gather3A_1421 = tpu.vector_load_idx %arg9[%iota3A, %broadcast_in_dim3A_1420, %and3A_1324] : memref<16x16x128xf32, #tpu.memory_space<vmem>>[vector<16xi32>, vector<16xi32>, vector<16xi32>], vector<16xf32>,
      %gather3A_1422 = tpu.vector_load_idx %arg10[%iota3A, %broadcast_in_dim3A_1420, %and3A_1327] : memref<16x16x128xf32, #tpu.memory_space<vmem>>[vector<16xi32>, vector<16xi32>, vector<16xi32>], vector<16xf32>,
      %mul3A_1423 = arith.mulf %gather3A_1421, %gather3A_1422 : vector<16xf32>
      %add3A_1424 = arith.addf %add3A_1418, %mul3A_1423 : vector<16xf32>
      %neg3A = arith.constant 0.000000e+00 : f32
      %neg3A_1425 = vector.broadcast %neg3A : f32 to vector<16xf32>
      %neg3A_1426 = arith.subf %neg3A_1425, %add3A_1424 : vector<16xf32>
      %exp3A = math.exp %neg3A_1426 : vector<16xf32>
      %add3A_1427 = arith.constant 1.000000e+00 : f32
      %add3A_1428 = vector.broadcast %add3A_1427 : f32 to vector<16xf32>
      %add3A_1429 = arith.addf %add3A_1428, %exp3A : vector<16xf32>
      %div3A = arith.constant 1.000000e+00 : f32
      %div3A_1430 = vector.broadcast %div3A : f32 to vector<16xf32>
      %div3A_1431 = arith.divf %div3A_1430, %add3A_1429 : vector<16xf32>
      %mul3A_1432 = arith.constant 16 : i32
      %mul3A_1433 = arith.muli %scan3A_8, %mul3A_1432 : i32
      %swap3A = arith.index_cast %mul3A_1433 : i32 to index
      %swap3A_1434 = tpu.vector_load %arg11[%swap3A] {strides = array<i32>} : memref<512xf32, #tpu.memory_space<vmem>>, vector<16xf32>,
      tpu.vector_store %arg11[%swap3A], %div3A_1431 {strides = array<i32>} : memref<512xf32, #tpu.memory_space<vmem>>, vector<16xf32>,
    }
    %scan3A_5 = arith.constant 32 : i32
    %mul3A_6 = arith.constant 512 : i32
    %mul3A_7 = arith.muli %add3A, %mul3A_6 : i32
    "tpu.region"() ({
      %run_scoped3A = tpu.sem_alloc : memref<!tpu.dma_semaphore, #tpu.memory_space<semaphore_mem>>
      %dma_start3A = tpu.memref_slice %arg6[%mul3A_7] : memref<16384xf32, #tpu.memory_space<hbm>> -> memref<512xf32, #tpu.memory_space<hbm>>
      %dma_start3A_8 = tpu.memref_slice %arg6[%mul3A_7] : memref<16384xf32, #tpu.memory_space<hbm>> -> memref<512xf32, #tpu.memory_space<hbm>>
      tpu.enqueue_dma source(%arg11 : memref<512xf32, #tpu.memory_space<vmem>>) target(%dma_start3A_8 : memref<512xf32, #tpu.memory_space<hbm>>) target_semaphore(%run_scoped3A : memref<!tpu.dma_semaphore, #tpu.memory_space<semaphore_mem>>)
      %dma_wait3A = tpu.memref_slice %arg6[%mul3A_7] : memref<16384xf32, #tpu.memory_space<hbm>> -> memref<512xf32, #tpu.memory_space<hbm>>
      %dma_wait3A_9 = tpu.memref_slice %arg6[%mul3A_7] : memref<16384xf32, #tpu.memory_space<hbm>> -> memref<512xf32, #tpu.memory_space<hbm>>
      tpu.wait_dma2 semaphore(%run_scoped3A : memref<!tpu.dma_semaphore, #tpu.memory_space<semaphore_mem>>) src(%arg11 : memref<512xf32, #tpu.memory_space<vmem>>) dst(%dma_wait3A_9 : memref<512xf32, #tpu.memory_space<hbm>>)
      tpu.yield
    }) : () -> ()
    return
  }
}

</mosaic_0001>

<sc_bundles>
// kernel: kernel.3.cloned.1.call-start
scs
__scs_entry_jumppad:
0x0: {  	(pc) =	sbr.rel $0x88, $3  }
0x1: {  	(tag) =	ssettag $0x0;
	lr =	simm.s32 $0x1  }
0x2: {  	[smem:$0x3F9E] =	sst lr;
	_ =	strace $0xD0000000  }
0x3: {  	_ = 	snop  }
0x4: {  	_ = 	snop  }
0x5: {  	_ = 	snop  }
0x6: {  	_ = 	snop  }
0x7: {  	_ = 	snop  }
__scs_overlays_trampoline_lowered:
0x8: {  	[smem:$0x3FAD] =	sst s0  }
0x9: {  	[smem:$0x3FAE] =	sst s1  }
0xa: {  	[smem:$0x3FAF] =	sst s2  }
0xb: {  	[smem:$0x3FB0] =	sst s3  }
0xc: {  	[smem:$0x3FB1] =	sst s4  }
0xd: {  	[smem:$0x3FB2] =	sst s5  }
0xe: {  	[smem:$0x3FB3] =	sst s6  }
0xf: {  	[smem:$0x3FB4] =	sst s7  }
0x10: {  	[smem:$0x3FB5] =	sst s8  }
0x11: {  	[smem:$0x3FB6] =	sst s9;
	s0 =	simm.s32 @!p0 $0x0  }
0x12: {  	s1 =	sld [smem:$0x3F9C];
	s0 =	simm.s32 @p0 $0x1  }
0x13: {  	[smem:$0x3FB7] =	sst s0;
	s0 =	simm.s32 @!p1 $0x0  }
0x14: {  	s2 =	sld [smem:$0x3F9B];
	s0 =	simm.s32 @p1 $0x1  }
0x15: {  	[smem:$0x3FB8] =	sst s0;
	s0 =	simm.s32 @!p2 $0x0  }
0x16: {  	s3 =	sld [smem:$0x3FDB];
	s0 =	simm.s32 @p2 $0x1  }
0x17: {  	s4 =	simm.s32 $0x1BF5;
	[smem:$0x3FBA] =	sst s0  }
0x18: {  	s0 =	sld [smem:$0x3F9D];
	_ =	swait.ge [sflag:s4], $0x0  }
0x19: {  	s7 =	sld [smem:$0x3F9E]  }
0x1a: {  	s8 =	sadd.s32 $0xFFFFE003, lr  }
0x1b: {  	s9 =	sadd.s32 $0xFFFFFEF7, lr;
	s5 =	simm.s32 $0xFFFFFFFF;
	p2 =	slt.u32 s8, $0xFFFFF086  }
0x1c: {  	p1 =	slt.u32 s9, $0xF7A;
	s5 =	simm.s32 @!p2 $0x0  }
0x1d: {  	s5 =	simm.s32 @p1 $0x1;
	p0 =	seq.s32 s7, s2  }
0x1e: {  	s7 =	smul.u32 @!p0 $0xF7A, s2;
	p2 =	seq.s32 @!p0 s5, $0x0  }
0x1f: {  	s9 =	smul.u32 $0xF7A, s1;
	s8 =	simm.s32 @!p0 $0x1BF5;
	p2 =	por !p2, p0  }
0x20: {  	[sflag:s8] =	ssyncset.s32 @!p0 $0xFFFFF086;
	s6 =	sadd.s32 @!p0 s3, s7;
	s7 =	simm.s32 @!p0 $0x108  }
0x21: {  	s3 =	sadd.s32 s3, s9;
	s6 =	sadd.s32 @!p0 $0x88, s6;
	s7 =	simm.s32 @p2 $0x1082  }
0x22: {  	[simem:s7], [sflag:s8] =	dma.local @!p0 [hbm:s6], $0xF7A  }
0x23: {  	s9 =	sor.u32 $0xD0000000, s2;
	s6 =	simm.s32 $0x108;
	_ =	swait.ge @!p0 [sflag:s8], $0x0  }
0x24: {  	s3 =	sadd.s32 $0x88, s3;
	s6 =	simm.s32 @!p1 $0x1082;
	[sflag:s4] =	ssyncset.s32 $0xFFFFF086  }
0x25: {  	[simem:s6], [sflag:s4] =	dma.local [hbm:s3], $0xF7A  }
0x26: {  	[smem:$0x3F9E] =	sst s1;
	(tag) =	ssettag s2;
	_ =	strace s9  }
0x27: {  	s1 =	sld [smem:$0x3FAE]  }
0x28: {  	s2 =	sld [smem:$0x3FAF]  }
0x29: {  	s4 =	sld [smem:$0x3FB1]  }
0x2a: {  	p0 =	seq.s32 s5, $0x0;
	s5 =	sld [smem:$0x3FB2]  }
0x2b: {  	s6 =	sld [smem:$0x3FB3]  }
0x2c: {  	s7 =	sld [smem:$0x3FB4]  }
0x2d: {  	s3 =	simm.s32 $0x108;
	s8 =	sld [smem:$0x3FB5]  }
0x2e: {  	s3 =	simm.s32 @!p0 $0x1082;
	s9 =	sld [smem:$0x3FB6]  }
0x2f: {  	lr =	sadd.s32 s0, s3;
	s0 =	sld [smem:$0x3FAD]  }
0x30: {  	s3 =	sld [smem:$0x3FB0]  }
0x31: {  	[smem:$0x3FB9] =	sst s10  }
0x32: {  	s10 =	sld [smem:$0x3FB7];
	_ =	sdelay $0x3  }
0x33: {  	p0 =	seq.s32 s10, $0x1;
	s10 =	sld [smem:$0x3FB9];
	_ =	sdelay $0x3  }
0x34: {  	[smem:$0x3FB9] =	sst s10  }
0x35: {  	s10 =	sld [smem:$0x3FB8];
	_ =	sdelay $0x3  }
0x36: {  	p1 =	seq.s32 s10, $0x1;
	s10 =	sld [smem:$0x3FB9];
	_ =	sdelay $0x3  }
0x37: {  	[smem:$0x3FB9] =	sst s10  }
0x38: {  	s10 =	sld [smem:$0x3FBA]  }
0x39: {  	_ = 	snop;
	(pc) =	sbr.ind lr, $3  }
0x3a: {  	_ = 	snop  }
0x3b: {  	_ = 	snop  }
0x3c: {  	p2 =	seq.s32 s10, $0x1;
	s10 =	sld [smem:$0x3FB9]  }
0x3d: {  	_ =	shalt  }
0x3e: {  	_ =	shalt  }
0x3f: {  	_ =	shalt  }
0x40: {  	_ =	shalt  }
0x41: {  	_ =	shalt  }
0x42: {  	_ =	shalt  }
0x43: {  	_ =	shalt  }
0x44: {  	_ =	shalt  }
0x45: {  	_ =	shalt  }
0x46: {  	_ =	shalt  }
0x47: {  	_ =	shalt  }
0x48: {  	_ =	shalt  }
0x49: {  	_ =	shalt  }
0x4a: {  	_ =	shalt  }
0x4b: {  	_ =	shalt  }
0x4c: {  	_ =	shalt  }
0x4d: {  	_ =	shalt  }
0x4e: {  	_ =	shalt  }
0x4f: {  	_ =	shalt  }
0x50: {  	_ =	shalt  }
0x51: {  	_ =	shalt  }
0x52: {  	_ =	shalt  }
0x53: {  	_ =	shalt  }
0x54: {  	_ =	shalt  }
0x55: {  	_ =	shalt  }
0x56: {  	_ =	shalt  }
0x57: {  	_ =	shalt  }
0x58: {  	_ =	shalt  }
0x59: {  	_ =	shalt  }
0x5a: {  	_ =	shalt  }
0x5b: {  	_ =	shalt  }
0x5c: {  	_ =	shalt  }
0x5d: {  	_ =	shalt  }
0x5e: {  	_ =	shalt  }
0x5f: {  	_ =	shalt  }
0x60: {  	_ =	shalt  }
0x61: {  	_ =	shalt  }
0x62: {  	_ =	shalt  }
0x63: {  	_ =	shalt  }
0x64: {  	_ =	shalt  }
0x65: {  	_ =	shalt  }
0x66: {  	_ =	shalt  }
0x67: {  	_ =	shalt  }
0x68: {  	_ =	shalt  }
0x69: {  	_ =	shalt  }
0x6a: {  	_ =	shalt  }
0x6b: {  	_ =	shalt  }
0x6c: {  	_ =	shalt  }
0x6d: {  	_ =	shalt  }
0x6e: {  	_ =	shalt  }
0x6f: {  	_ =	shalt  }
0x70: {  	_ =	shalt  }
0x71: {  	_ =	shalt  }
0x72: {  	_ =	shalt  }
0x73: {  	_ =	shalt  }
0x74: {  	_ =	shalt  }
0x75: {  	_ =	shalt  }
0x76: {  	_ =	shalt  }
0x77: {  	_ =	shalt  }
0x78: {  	_ =	shalt  }
0x79: {  	_ =	shalt  }
0x7a: {  	_ =	shalt  }
0x7b: {  	_ =	shalt  }
0x7c: {  	_ =	shalt  }
0x7d: {  	_ =	shalt  }
0x7e: {  	_ =	shalt  }
0x7f: {  	_ =	shalt  }
0x80: {  	_ =	shalt  }
0x81: {  	_ =	shalt  }
0x82: {  	_ =	shalt  }
0x83: {  	_ =	shalt  }
0x84: {  	_ =	shalt  }
0x85: {  	_ =	shalt  }
0x86: {  	_ =	shalt  }
0x87: {  	_ =	shalt  }
.Lfunc_end0:
.L_simem_size_0:
called_computation_lowered:
.L_overlay_start_0:
0x88: {  	s2 =	sld [smem:$0x3FD9]  }
0x89: {  	s3 =	sld [smem:$0x3FFE];
	_ =	sdelay $0x1  }
0x8a: {  	s1 =	srdreg.scid  }
0x8b: {  	s0 =	sand.u32 $0x1, s1  }
0x8c: {  	s17 =	sshll.u32 s0, $0xA;
	s2 =	sadd.s32 s3, s2  }
0x8d: {  	s2 =	sadd.s32 s2, s17  }
0x8e: {  	[smem:$0x3FC5] =	sst s2  }
0x8f: {  	_ = 	snop  }
0x90: {  	s2 =	sld [smem:$0x3FC8]  }
0x91: {  	s18 =	sld [smem:$0x3FC7]  }
0x92: {  	s4 =	sld [smem:$0x3FD0];
	(tm) =	ssettm $0x1  }
0x93: {  	s5 =	sld [smem:$0x3FFB];
	_ =	sdelay $0x3  }
0x94: {  	_ =	strace s5  }
0x95: {  	s5 =	sld [smem:$0x3FFC];
	_ =	sdelay $0x3  }
0x96: {  	_ =	strace s5  }
0x97: {  	s5 =	sld [smem:$0x3FFD];
	_ =	sdelay $0x3  }
0x98: {  	_ =	strace s5  }
0x99: {  	_ =	strace $0x8FFFFFFF  }
0x9a: {  	s19 =	sld [smem:$0x3FDB];
	_ =	sdelay $0x1  }
0x9b: {  	s6 =	simm.s32 $_scs_section_size  }
0x9c: {  	s7 =	simm.s32 $_size__tile_overlayer_lowered;
	s8 =	simm.s32 $_tile_overlayer_lowered  }
0x9d: {  	s22 =	simm.s32 $0x1BFF;
	s21 =	sshll.u32 s8, $0x1;
	s5 =	sadd.s32 s6, s19  }
0x9e: {  	s9 =	simm.s32 $0x0;
	s20 =	sshll.u32 s7, $0x1;
	s7 =	sadd.s32 s21, s5  }
0x9f: {  	[timem:s9], [sflag:s22] =	dma.local [hbm:s7], s20  }
0xa0: {  	_ =	swait.ge [sflag:s22], s20  }
0xa1: {  	s6 =	ssub.s32 $0x0, s20;
	[sflag:s22] =	ssyncset.done $0x0  }
0xa2: {  	[sflag:s22] =	ssyncadd.s32 s6;
	_ =	sdelay $0x1  }
0xa3: {  	s23 =	simm.s32 $0x1B8B  }
0xa4: {  	_ =	swait.ge [sflag:s23], $0x1  }
0xa5: {  	[sflag:s23] =	ssyncset.done $0x0  }
0xa6: {  	s25 =	simm.s32 $0x1B8E;
	s24 =	sld [smem:$0x3FFE];
	[sflag:s23] =	ssyncadd.s32 $0xFFFFFFFF  }
0xa7: {  	s26 =	simm.s32 $execute0_lowered;
	[smem:$0x3FD2] =	sst s25  }
0xa8: {  	s7 =	sshll.u32 s26, $0x1;
	_ =	strace $0x80000046;
	[dreg:$0x1] =	wrdreg $0xFFFFFFFF  }
0xa9: {  	s28 =	simm.s32 $_size_execute0_lowered;
	s5 =	sadd.s32 s5, s7;
	[dreg:$0x0] =	wrdreg $0x0  }
0xaa: {  	s7 =	sshll.u32 s28, $0x1;
	[dreg:$0x2] =	wrdreg s5  }
0xab: {  	[dreg:$0x3] =	wrdreg s7  }
0xac: {  	[dreg:$0x4] =	wrdreg $0xC0  }
0xad: {  	_ =	task [dreg:s9], $0x5FFFF  }
0xae: {  	[dreg:$0x1] =	wrdreg $0xFFFFFFFF  }
0xaf: {  	[dreg:$0x0] =	wrdreg $0x60  }
0xb0: {  	[dreg:$0x2] =	wrdreg s2  }
0xb1: {  	[dreg:$0x3] =	wrdreg s18  }
0xb2: {  	[dreg:$0x4] =	wrdreg s24  }
0xb3: {  	[dreg:$0x5] =	wrdreg s4  }
0xb4: {  	[dreg:$0x6] =	wrdreg $0x9  }
0xb5: {  	_ =	task.clear_ibuf [dreg:s9], $0x7FFFF;
	_ =	strace $0x90000046  }
0xb6: {  	s29 =	simm.s32 $0x9;
	_ =	strace $0x80000048  }
0xb7: {  	_ =	swait.ge [sflag:s29], $0x1  }
0xb8: {  	[sflag:s29] =	ssyncadd.s32 $0xFFFFFFFF  }
0xb9: {  	_ =	strace $0x90000048  }
0xba: {  	_ =	sfence  }
0xbb: {  	s30 =	sld [smem:$0x0];
	_ =	sdelay $0x2  }
0xbc: {  	s31 =	sshll.u32 s1, $0xD;
	s1 =	sshrl.u32 s1, $0x2  }
0xbd: {  	s3 =	sand.u32 $0x4000, s31;
	s1 =	sadd.s32 s1, s30  }
0xbe: {  	s0 =	sor.u32 s3, s0;
	s1 =	sshll.u32 s1, $0x11  }
0xbf: {  	s0 =	sor.u32 s1, s0  }
0xc0: {  	s0 =	sadd.s32 $0x8F2B, s0  }
0xc1: {  	[sflag:s0] =	ssyncadd.remote.s32 $0x1  }
0xc2: {  	_ =	sfence.sel $0xFFFF  }
0xc3: {  	[dreg:$0x0] =	wrdreg $0xFFFFFFFF;
	(pc) =	sbr.abs _section_cstart, $3  }
0xc4: {  	[dreg:$0x1] =	wrdreg $0xFFFFFFFF  }
0xc5: {  	_ =	task.clear_ibuf [dreg:s9], $0x2FFFF;
	_ =	strace $0x9FFFFFFF  }
0xc6: {  	(tm) =	ssettm $0x7FFFFFFF  }
0xc7: {  	_ =	shalt  }
tec
execute0_lowered:
.L_overlay_start_1:
0x0: {  	(tag) =	ssettag $0x1  }
0x1: {  	s3 =	rddreg [dreg:$0x2]  }
0x2: {  	s0 =	rddreg [dreg:$0x3];
	s1 =	simm.s32 $0x0  }
0x3: {  	s4 =	simm.s32 $0xC00;
	[smem:$0x7FF] =	sst s1  }
0x4: {  	s23 =	simm.s32 $0x8C00;
	_ =	strace $0x80000047;
	[dreg:$0x5] =	wrdreg s4  }
0x5: {  	s24 =	simm.s32 $0x1400;
	[dreg:$0x6] =	wrdreg s23  }
0x6: {  	s25 =	simm.s32 $0x9400;
	[dreg:$0x7] =	wrdreg s24  }
0x7: {  	s26 =	simm.s32 $0x1C00;
	[dreg:$0x8] =	wrdreg s25  }
0x8: {  	s28 =	simm.s32 $0x9C00;
	[dreg:$0x9] =	wrdreg s26  }
0x9: {  	s29 =	simm.s32 $0x2400;
	[dreg:$0xa] =	wrdreg s28  }
0xa: {  	s30 =	simm.s32 $0xA400;
	[dreg:$0xb] =	wrdreg s29  }
0xb: {  	s2 =	simm.s32 $0x2C00;
	[dreg:$0xc] =	wrdreg s30  }
0xc: {  	s5 =	simm.s32 $0xAC00;
	[dreg:$0xd] =	wrdreg s2  }
0xd: {  	s6 =	simm.s32 $0x3400;
	[dreg:$0xe] =	wrdreg s5  }
0xe: {  	s7 =	simm.s32 $0xB400;
	[dreg:$0xf] =	wrdreg s6  }
0xf: {  	s8 =	simm.s32 $0x3C00;
	[dreg:$0x10] =	wrdreg s7  }
0x10: {  	s9 =	simm.s32 $0xBC00;
	[dreg:$0x11] =	wrdreg s8  }
0x11: {  	s10 =	simm.s32 $0x4400;
	[dreg:$0x12] =	wrdreg s9  }
0x12: {  	s11 =	simm.s32 $0xC400;
	[dreg:$0x13] =	wrdreg s10  }
0x13: {  	s12 =	simm.s32 $0x4C00;
	[dreg:$0x14] =	wrdreg s11  }
0x14: {  	s13 =	simm.s32 $0xCC00;
	[dreg:$0x15] =	wrdreg s12  }
0x15: {  	s14 =	simm.s32 $0x5400;
	[dreg:$0x16] =	wrdreg s13  }
0x16: {  	s15 =	simm.s32 $0xD400;
	[dreg:$0x17] =	wrdreg s14  }
0x17: {  	s16 =	simm.s32 $0x5C00;
	[dreg:$0x18] =	wrdreg s15  }
0x18: {  	s18 =	simm.s32 $0xDC00;
	[dreg:$0x19] =	wrdreg s16  }
0x19: {  	s19 =	simm.s32 $0x6400;
	[dreg:$0x1a] =	wrdreg s18  }
0x1a: {  	s21 =	simm.s32 $0xE400;
	[dreg:$0x1b] =	wrdreg s19  }
0x1b: {  	s31 =	simm.s32 $0x7A1400;
	[dreg:$0x1c] =	wrdreg s21;
	s23 =	simm.s32 $0x6C00  }
0x1c: {  	vm0 =	vmmov $0x1;
	vm1 =	vcmask $0x308;
	vm2 =	vcmask $0x70C;
	s5 =	srdreg.scid;
	s24 =	simm.s32 $0xEC00;
	[dreg:$0x1d] =	wrdreg s23  }
0x1d: {  	vm3 =	vcmask $0xB10;
	vm4 =	vcmask $0xF14;
	vm5 =	vcmask $0x1318;
	s2 =	stileid.u32;
	s26 =	simm.s32 $0x7400;
	[dreg:$0x1e] =	wrdreg s24  }
0x1e: {  	vm6 =	vcmask $0x171C;
	vm7 =	vcmask $0x1B20;
	vm8 =	vcmask $0x1F24;
	s28 =	simm.s32 $0xF400;
	s29 =	simm.s32 $0x7C00;
	[dreg:$0x1f] =	wrdreg s26  }
0x1f: {  	vm9 =	vcmask $0x2328;
	vm10 =	vcmask $0x272C;
	v0 =	vlaneseq.u32;
	s30 =	simm.s32 $0xFC00;
	s5 =	sand.u32 $0x1, s5;
	[smem:$0x7FB] =	sst s28  }
0x20: {  	vm11 =	vcmask $0x2B30;
	vm12 =	vcmask $0x2F34;
	v0 =	vmul.u32 $0x800, v0;
	s6 =	sshll.u32 s2, $0x7;
	[smem:$0x7FC] =	sst s29;
	s7 =	sshll.u32 s5, $0x6  }
0x21: {  	vm13 =	vcmask $0x3338;
	vm14 =	vcmask $0x373C;
	vm15 =	vmmov $0x7fff;
	s12 =	simm.s32 $0x400;
	[smem:$0x7FD] =	sst s30;
	s6 =	sor.u32 s7, s6  }
0x22: {  	v1 =	vor.u32 $0x80, v0;
	v2 =	vor.u32 $0x100, v0;
	v3 =	vor.u32 $0x180, v0;
	s5 =	ssub.s32 $0x2, s5;
	s3 =	sadd.s32 s6, s3;
	s0 =	sadd.s32 s0, s6  }
0x23: {  	v4 =	vor.u32 $0x200, v0;
	v5 =	vor.u32 $0x280, v0;
	v6 =	vor.u32 $0x300, v0;
	s17 =	sshrl.u32 s5, $0x1;
	s20 =	sadd.s32 $0xE00, s3;
	[smem:$0x7F9] =	sst s0  }
0x24: {  	v7 =	vor.u32 $0x380, v0;
	v8 =	vor.u32 $0x400, v0;
	v9 =	vor.u32 $0x480, v0;
	s5 =	ssub.s32 s5, s17;
	s22 =	sadd.s32 $0x600, s3;
	[smem:$0x7F7] =	sst s20  }
0x25: {  	s14 =	simm.s32 $0x1;
	v10 =	vor.u32 $0x500, v0;
	v11 =	vor.u32 $0x580, v0;
	v12 =	vor.u32 $0x600, v0;
	s25 =	smax.u32 s5, $0x1;
	[smem:$0x7F8] =	sst s22  }
0x26: {  	s2 =	simm.s32 $0x2;
	v13 =	vor.u32 $0x680, v0;
	v14 =	vor.u32 $0x700, v0;
	v15 =	vor.u32 $0x780, v0;
	s3 =	simm.s32 $0x0;
	[smem:$0x7FA] =	sst s25  }
.LBB2_1:
0x27: {  	s0 =	sld [smem:$0x7F7];
	_ =	sdelay $0x1  }
0x28: {  	[smem:$0x7F6] =	sst s3  }
0x29: {  	[tilespmem:s1], [sflag:$0x2] =	stream.linear.gather [hbm4b:s0+s1], $0x200, $0x38;
	[tilespmem:$0x10600] =	vst v63  }
0x2a: {  	_ =	swait.ge [sflag:s2], $0x200  }
0x2b: {  	s24 =	sld [smem:$0x7F8]  }
0x2c: {  	[sflag:s2] =	ssyncset.done $0x0  }
0x2d: {  	s25 =	simm.s32 $0x200;
	[sflag:s2] =	ssyncadd.s32 $0xFFFFFE00  }
0x2e: {  	[tilespmem:s25], [sflag:$0x2] =	stream.linear.gather [hbm4b:s24+s1], $0x200, $0x38;
	[tilespmem:$0x10600] =	vst v63  }
0x2f: {  	_ =	swait.ge [sflag:s2], $0x200  }
0x30: {  	[sflag:s2] =	ssyncset.done $0x0  }
0x31: {  	s19 =	simm.s32 $0x0;
	[sflag:s2] =	ssyncadd.s32 $0xFFFFFE00  }
0x32: {  	v17 =	vld [tilespmem:s19+$0x0];
	_ =	sdelay $0x1  }
0x33: {  	v16 =	vld [tilespmem:s19+$0x200];
	_ =	sdelay $0x2  }
0x34: {  	v18 =	vnsel vm0, $0x0, v17  }
0x35: {  	v19 =	vsel vm1, $0x0, v17;
	(xrf0) =	vadd.scan.msk.s32 $0xffff, v18  }
0x36: {  	v18 =	vnsel vm0, $0x0, v16;
	(xrf0) =	vadd.scan.msk.s32 $0xffff, v19  }
0x37: {  	(xrf0) =	vadd.scan.msk.s32 $0xffff, v18  }
0x38: {  	v19 =	vsel vm1, $0x0, v16  }
0x39: {  	(xrf0) =	vadd.scan.msk.s32 $0xffff, v19;
	_ =	sdelay $0x1  }
0x3a: {  	v18, _, _ =	vpop (xrf0)  }
0x3b: {  	(v2sf) =	vpush v18, $0xF;
	v18, _, _ =	vpop (xrf0)  }
0x3c: {  	v19 =	vsel vm2, $0x0, v17;
	v20, _, _ =	vpop (xrf0);
	(v2sf) =	vpush v18, $0xF  }
0x3d: {  	(xrf0) =	vadd.scan.msk.s32 $0xffff, v19;
	(v2sf) =	vpush v20, $0xF  }
0x3e: {  	s0 =	rddreg [dreg:$0x1f];
	v19 =	vsel vm2, $0x0, v16;
	v18, _, _ =	vpop (xrf0)  }
0x3f: {  	s4 =	rddreg [dreg:$0x1e];
	(xrf0) =	vadd.scan.msk.s32 $0xffff, v19;
	(v2sf) =	vpush v18, $0xF;
	v18 =	vsel vm3, $0x0, v17  }
0x40: {  	s5 =	rddreg [dreg:$0x1d];
	(xrf0) =	vadd.scan.msk.s32 $0xffff, v18  }
0x41: {  	s6 =	rddreg [dreg:$0x1b];
	v18 =	vsel vm3, $0x0, v16  }
0x42: {  	s10 =	rddreg [dreg:$0x1a];
	(xrf0) =	vadd.scan.msk.s32 $0xffff, v18;
	v18 =	vsel vm4, $0x0, v17  }
0x43: {  	s7 =	rddreg [dreg:$0x19];
	v19, _, _ =	vpop (xrf0);
	(xrf0) =	vadd.scan.msk.s32 $0xffff, v18;
	v18 =	vsel vm4, $0x0, v16  }
0x44: {  	s15 =	rddreg [dreg:$0x18];
	(v2sf) =	vpush v19, $0xF  }
0x45: {  	s18 =	rddreg [dreg:$0x17];
	v19, _, _ =	vpop (xrf0)  }
0x46: {  	s8 =	rddreg [dreg:$0x16];
	(xrf0) =	vadd.scan.msk.s32 $0xffff, v18;
	(v2sf) =	vpush v19, $0xF;
	v18, _, _ =	vpop (xrf0)  }
0x47: {  	s16 =	rddreg [dreg:$0x15];
	(v2sf) =	vpush v18, $0xF  }
0x48: {  	s20 =	rddreg [dreg:$0x14];
	v20 =	vsel vm5, $0x0, v17  }
0x49: {  	s22 =	rddreg [dreg:$0xf];
	(xrf0) =	vadd.scan.msk.s32 $0xffff, v20;
	v18 =	vsel vm5, $0x0, v16  }
0x4a: {  	s11 =	simm.s32 $0x7A1400;
	s9 =	rddreg [dreg:$0xc];
	v20 =	vsel vm6, $0x0, v17;
	v19, _, _ =	vpop (xrf0);
	(xrf0) =	vadd.scan.msk.s32 $0xffff, v18;
	s17 =	spop (v2sf)  }
0x4b: {  	s13 =	simm.s32 $0x8400;
	s24 =	rddreg [dreg:$0x9];
	(v2sf) =	vpush v19, $0xF;
	v18 =	vsel vm6, $0x0, v16;
	(xrf0) =	vadd.scan.msk.s32 $0xffff, v20;
	s23 =	spop (v2sf)  }
0x4c: {  	s1 =	rddreg [dreg:$0x0];
	v19, _, _ =	vpop (xrf0);
	v20 =	vsel vm7, $0x0, v17;
	(xrf0) =	vadd.scan.msk.s32 $0xffff, v18;
	v18 =	vsel vm7, $0x0, v16;
	s17 =	sand.u32 $0xFFFFF80, s17;
	s25 =	spop (v2sf)  }
0x4d: {  	s2 =	rddreg [dreg:$0x1];
	(v2sf) =	vpush v19, $0xF;
	(xrf0) =	vadd.scan.msk.s32 $0xffff, v20;
	v19, _, _ =	vpop (xrf0);
	s17 =	sadd.s32 s1, s17;
	s25 =	sand.u32 $0xFFFFF80, s25  }
0x4e: {  	(v2sf) =	vpush v19, $0xF;
	[tilespmem:s12], [sflag:$0x1] =	stream.strided.gather [hbm4b:s17+s12], $0x800, s11, s12, $0x38;
	[tilespmem:$0x10600] =	vst v63  }
0x4f: {  	(xrf0) =	vadd.scan.msk.s32 $0xffff, v18;
	v18, _, _ =	vpop (xrf0);
	s23 =	sand.u32 $0xFFFFF80, s23;
	s26 =	spop (v2sf);
	s25 =	sadd.s32 s2, s25  }
0x50: {  	v19 =	vsel vm8, $0x0, v17;
	(v2sf) =	vpush v18, $0xF;
	[tilespmem:s13], [sflag:$0x1] =	stream.strided.gather [hbm4b:s25+s12], $0x800, s11, s12, $0x38;
	[tilespmem:$0x10600] =	vst v63  }
0x51: {  	(xrf0) =	vadd.scan.msk.s32 $0xffff, v19;
	v19 =	vsel vm8, $0x0, v16;
	v18, _, _ =	vpop (xrf0);
	s17 =	rddreg [dreg:$0x5];
	s23 =	sadd.s32 s1, s23;
	s26 =	sand.u32 $0xFFFFF80, s26  }
0x52: {  	(v2sf) =	vpush v18, $0xF;
	[tilespmem:s17], [sflag:$0x1] =	stream.strided.gather [hbm4b:s23+s12], $0x800, s11, s12, $0x38;
	[tilespmem:$0x10600] =	vst v63  }
0x53: {  	(xrf0) =	vadd.scan.msk.s32 $0xffff, v19;
	v18, _, _ =	vpop (xrf0);
	s25 =	rddreg [dreg:$0x6];
	s17 =	spop (v2sf);
	s23 =	sadd.s32 s2, s26  }
0x54: {  	v19, _, _ =	vpop (xrf0);
	(v2sf) =	vpush v18, $0xF;
	[tilespmem:s25], [sflag:$0x1] =	stream.strided.gather [hbm4b:s23+s12], $0x800, s11, s12, $0x38;
	[tilespmem:$0x10600] =	vst v63  }
0x55: {  	v18, _, _ =	vpop (xrf0);
	s26 =	rddreg [dreg:$0x7];
	(v2sf) =	vpush v19, $0xF;
	v19 =	vsel vm9, $0x0, v17;
	s17 =	sand.u32 $0xFFFFF80, s17;
	s25 =	spop (v2sf)  }
0x56: {  	v20, _, _ =	vpop (xrf0);
	s17 =	sadd.s32 s1, s17;
	s25 =	sand.u32 $0xFFFFF80, s25;
	s28 =	spop (v2sf)  }
0x57: {  	(v2sf) =	vpush v20, $0xF;
	[tilespmem:s26], [sflag:$0x1] =	stream.strided.gather [hbm4b:s17+s12], $0x800, s11, s12, $0x38;
	[tilespmem:$0x10600] =	vst v63  }
0x58: {  	(xrf0) =	vadd.scan.msk.s32 $0xffff, v19;
	s23 =	rddreg [dreg:$0x8];
	v19, _, _ =	vpop (xrf0);
	s25 =	sadd.s32 s2, s25;
	s17 =	sand.u32 $0xFFFFF80, s28  }
0x59: {  	v20 =	vsel vm9, $0x0, v16;
	(v2sf) =	vpush v19, $0xF;
	[tilespmem:s23], [sflag:$0x1] =	stream.strided.gather [hbm4b:s25+s12], $0x800, s11, s12, $0x38;
	[tilespmem:$0x10600] =	vst v63  }
0x5a: {  	(xrf0) =	vadd.scan.msk.s32 $0xffff, v20;
	v19, _, _ =	vpop (xrf0);
	s26 =	spop (v2sf);
	s23 =	rddreg [dreg:$0xa];
	s17 =	sadd.s32 s1, s17  }
0x5b: {  	v20 =	vsel vm10, $0x0, v17;
	(v2sf) =	vpush v19, $0xF;
	[tilespmem:s24], [sflag:$0x1] =	stream.strided.gather [hbm4b:s17+s12], $0x800, s11, s12, $0x38;
	[tilespmem:$0x10600] =	vst v63  }
0x5c: {  	(xrf0) =	vadd.scan.msk.s32 $0xffff, v20;
	s25 =	spop (v2sf);
	(v2sf) =	vpush v18, $0xF;
	v18 =	vsel vm10, $0x0, v16;
	s17 =	rddreg [dreg:$0xb];
	s24 =	sand.u32 $0xFFFFF80, s26  }
0x5d: {  	s26 =	spop (v2sf);
	(xrf0) =	vadd.scan.msk.s32 $0xffff, v18;
	s25 =	sand.u32 $0xFFFFF80, s25;
	s24 =	sadd.s32 s2, s24  }
0x5e: {  	v19 =	vsel vm11, $0x0, v17;
	[tilespmem:s23], [sflag:$0x1] =	stream.strided.gather [hbm4b:s24+s12], $0x800, s11, s12, $0x38;
	[tilespmem:$0x10600] =	vst v63  }
0x5f: {  	(xrf0) =	vadd.scan.msk.s32 $0xffff, v19;
	s26 =	sand.u32 $0xFFFFF80, s26;
	s25 =	sadd.s32 s1, s25;
	s28 =	spop (v2sf)  }
0x60: {  	v19 =	vsel vm11, $0x0, v16;
	v18, _, _ =	vpop (xrf0);
	[tilespmem:s17], [sflag:$0x1] =	stream.strided.gather [hbm4b:s25+s12], $0x800, s11, s12, $0x38;
	[tilespmem:$0x10600] =	vst v63  }
0x61: {  	(xrf0) =	vadd.scan.msk.s32 $0xffff, v19;
	s23 =	sadd.s32 s2, s26;
	(v2sf) =	vpush v18, $0xF;
	v18, _, _ =	vpop (xrf0);
	s24 =	spop (v2sf);
	s17 =	rddreg [dreg:$0xd]  }
0x62: {  	v19 =	vsel vm12, $0x0, v17;
	(v2sf) =	vpush v18, $0xF;
	[tilespmem:s9], [sflag:$0x1] =	stream.strided.gather [hbm4b:s23+s12], $0x800, s11, s12, $0x38;
	[tilespmem:$0x10600] =	vst v63  }
0x63: {  	v18, _, _ =	vpop (xrf0);
	s25 =	spop (v2sf);
	s24 =	sand.u32 $0xFFFFF80, s24;
	s23 =	sand.u32 $0xFFFFF80, s28  }
0x64: {  	(xrf0) =	vadd.scan.msk.s32 $0xffff, v19;
	(v2sf) =	vpush v18, $0xF;
	s9 =	rddreg [dreg:$0xe];
	s26 =	spop (v2sf);
	s23 =	sadd.s32 s1, s23  }
0x65: {  	v18 =	vsel vm12, $0x0, v16;
	v19, _, _ =	vpop (xrf0);
	[tilespmem:s17], [sflag:$0x1] =	stream.strided.gather [hbm4b:s23+s12], $0x800, s11, s12, $0x38;
	[tilespmem:$0x10600] =	vst v63  }
0x66: {  	(xrf0) =	vadd.scan.msk.s32 $0xffff, v18;
	(v2sf) =	vpush v19, $0xF;
	s17 =	sand.u32 $0xFFFFF80, s25;
	s25 =	sadd.s32 s2, s24;
	s28 =	spop (v2sf)  }
0x67: {  	v18 =	vsel vm13, $0x0, v17;
	v19, _, _ =	vpop (xrf0);
	[tilespmem:s9], [sflag:$0x1] =	stream.strided.gather [hbm4b:s25+s12], $0x800, s11, s12, $0x38;
	[tilespmem:$0x10600] =	vst v63  }
0x68: {  	(xrf0) =	vadd.scan.msk.s32 $0xffff, v18;
	(v2sf) =	vpush v19, $0xF;
	s17 =	sadd.s32 s1, s17;
	s25 =	sand.u32 $0xFFFFF80, s26;
	s24 =	spop (v2sf)  }
0x69: {  	v18 =	vsel vm13, $0x0, v16;
	v19, _, _ =	vpop (xrf0);
	[tilespmem:s22], [sflag:$0x1] =	stream.strided.gather [hbm4b:s17+s12], $0x800, s11, s12, $0x38;
	[tilespmem:$0x10600] =	vst v63  }
0x6a: {  	s21 =	rddreg [dreg:$0x10];
	(xrf0) =	vadd.scan.msk.s32 $0xffff, v18;
	v18 =	vsel vm14, $0x0, v17;
	(v2sf) =	vpush v19, $0xF;
	s9 =	sadd.s32 s2, s25;
	s23 =	spop (v2sf)  }
0x6b: {  	v19, _, _ =	vpop (xrf0);
	[tilespmem:s21], [sflag:$0x1] =	stream.strided.gather [hbm4b:s9+s12], $0x800, s11, s12, $0x38;
	[tilespmem:$0x10600] =	vst v63  }
0x6c: {  	s3 =	rddreg [dreg:$0x13];
	(v2sf) =	vpush v19, $0xF;
	s26 =	spop (v2sf)  }
0x6d: {  	(xrf0) =	vadd.scan.msk.s32 $0xffff, v18;
	s25 =	rddreg [dreg:$0x12];
	v18, _, _ =	vpop (xrf0);
	s22 =	sand.u32 $0xFFFFF80, s26  }
0x6e: {  	s17 =	rddreg [dreg:$0x11];
	(v2sf) =	vpush v18, $0xF;
	s22 =	sadd.s32 s1, s22  }
0x6f: {  	[tilespmem:s17], [sflag:$0x1] =	stream.strided.gather [hbm4b:s22+s12], $0x800, s11, s12, $0x38;
	[tilespmem:$0x10600] =	vst v63  }
0x70: {  	v19 =	vsel vm14, $0x0, v16;
	s9 =	sand.u32 $0xFFFFF80, s28;
	s21 =	sand.u32 $0xFFFFF80, s24;
	s26 =	spop (v2sf)  }
0x71: {  	(xrf0) =	vadd.scan.msk.s32 $0xffff, v19;
	v18, _, _ =	vpop (xrf0);
	s9 =	sadd.s32 s2, s9;
	s17 =	sand.u32 $0xFFFFF80, s23;
	s23 =	spop (v2sf)  }
0x72: {  	(v2sf) =	vpush v18, $0xF;
	[tilespmem:s25], [sflag:$0x1] =	stream.strided.gather [hbm4b:s9+s12], $0x800, s11, s12, $0x38;
	[tilespmem:$0x10600] =	vst v63  }
0x73: {  	s21 =	sadd.s32 s1, s21;
	v18, _, _ =	vpop (xrf0);
	s17 =	sadd.s32 s2, s17;
	s24 =	spop (v2sf)  }
0x74: {  	v19 =	vsel vm15, $0x0, v17;
	(v2sf) =	vpush v18, $0xF;
	[tilespmem:s3], [sflag:$0x1] =	stream.strided.gather [hbm4b:s21+s12], $0x800, s11, s12, $0x38;
	[tilespmem:$0x10600] =	vst v63  }
0x75: {  	(xrf0) =	vadd.scan.msk.s32 $0xffff, v19;
	v18, _, _ =	vpop (xrf0);
	s9 =	sand.u32 $0xFFFFF80, s26;
	s25 =	sand.u32 $0xFFFFF80, s23;
	s26 =	spop (v2sf)  }
0x76: {  	v19 =	vsel vm15, $0x0, v16;
	(v2sf) =	vpush v18, $0xF;
	[tilespmem:s20], [sflag:$0x1] =	stream.strided.gather [hbm4b:s17+s12], $0x800, s11, s12, $0x38;
	[tilespmem:$0x10600] =	vst v63  }
0x77: {  	(xrf0) =	vadd.scan.msk.s32 $0xffff, v19;
	v18, _, _ =	vpop (xrf0);
	s9 =	sadd.s32 s1, s9;
	s3 =	sadd.s32 s2, s25;
	s22 =	spop (v2sf)  }
0x78: {  	(v2sf) =	vpush v18, $0xF;
	[tilespmem:s16], [sflag:$0x1] =	stream.strided.gather [hbm4b:s9+s12], $0x800, s11, s12, $0x38;
	[tilespmem:$0x10600] =	vst v63  }
0x79: {  	s17 =	sand.u32 $0xFFFFF80, s24;
	s23 =	sand.u32 $0xFFFFF80, s26;
	s24 =	spop (v2sf)  }
0x7a: {  	[tilespmem:s8], [sflag:$0x1] =	stream.strided.gather [hbm4b:s3+s12], $0x800, s11, s12, $0x38;
	[tilespmem:$0x10600] =	vst v63  }
0x7b: {  	v18, _, _ =	vpop (xrf0);
	s25 =	sand.u32 $0xFFFFF80, s22;
	s17 =	sadd.s32 s1, s17;
	s26 =	spop (v2sf)  }
0x7c: {  	(v2sf) =	vpush v18, $0xF;
	[tilespmem:s18], [sflag:$0x1] =	stream.strided.gather [hbm4b:s17+s12], $0x800, s11, s12, $0x38;
	[tilespmem:$0x10600] =	vst v63  }
0x7d: {  	v18, _, _ =	vpop (xrf0);
	s9 =	sadd.s32 s2, s23;
	s16 =	sand.u32 $0xFFFFF80, s24;
	s18 =	spop (v2sf)  }
0x7e: {  	(v2sf) =	vpush v18, $0xF;
	[tilespmem:s15], [sflag:$0x1] =	stream.strided.gather [hbm4b:s9+s12], $0x800, s11, s12, $0x38;
	[tilespmem:$0x10600] =	vst v63  }
0x7f: {  	s8 =	sand.u32 $0xFFFFF80, s26;
	s3 =	sadd.s32 s1, s25;
	s23 =	sadd.s32 s2, s16  }
0x80: {  	[tilespmem:s7], [sflag:$0x1] =	stream.strided.gather [hbm4b:s3+s12], $0x800, s11, s12, $0x38;
	[tilespmem:$0x10600] =	vst v63  }
0x81: {  	s25 =	rddreg [dreg:$0x1c];
	s21 =	sand.u32 $0xFFFFF80, s18;
	s20 =	spop (v2sf)  }
0x82: {  	[tilespmem:s10], [sflag:$0x1] =	stream.strided.gather [hbm4b:s23+s12], $0x800, s11, s12, $0x38;
	[tilespmem:$0x10600] =	vst v63  }
0x83: {  	s8 =	sadd.s32 s1, s8;
	s3 =	sadd.s32 s2, s21;
	s22 =	spop (v2sf)  }
0x84: {  	[tilespmem:s6], [sflag:$0x1] =	stream.strided.gather [hbm4b:s8+s12], $0x800, s11, s12, $0x38;
	[tilespmem:$0x10600] =	vst v63  }
0x85: {  	s26 =	sand.u32 $0xFFFFF80, s20;
	s24 =	spop (v2sf);
	s15 =	sand.u32 $0xFFFFF80, s22  }
0x86: {  	[tilespmem:s25], [sflag:$0x1] =	stream.strided.gather [hbm4b:s3+s12], $0x800, s11, s12, $0x38;
	[tilespmem:$0x10600] =	vst v63  }
0x87: {  	s22 =	sld [smem:$0x7FB];
	s9 =	spop (v2sf);
	s6 =	sadd.s32 s1, s26  }
0x88: {  	[tilespmem:s5], [sflag:$0x1] =	stream.strided.gather [hbm4b:s6+s12], $0x800, s11, s12, $0x38;
	[tilespmem:$0x10600] =	vst v63  }
0x89: {  	s18 =	sand.u32 $0xFFFFF80, s24;
	s16 =	sand.u32 $0xFFFFF80, s9;
	s3 =	sadd.s32 s2, s15  }
0x8a: {  	[tilespmem:s4], [sflag:$0x1] =	stream.strided.gather [hbm4b:s3+s12], $0x800, s11, s12, $0x38;
	[tilespmem:$0x10600] =	vst v63  }
0x8b: {  	s21 =	sadd.s32 s1, s18;
	s24 =	sadd.s32 s2, s16;
	s17 =	spop (v2sf)  }
0x8c: {  	[tilespmem:s0], [sflag:$0x1] =	stream.strided.gather [hbm4b:s21+s12], $0x800, s11, s12, $0x38;
	[tilespmem:$0x10600] =	vst v63  }
0x8d: {  	s25 =	sld [smem:$0x7FC];
	s20 =	sand.u32 $0xFFFFF80, s17;
	s23 =	spop (v2sf)  }
0x8e: {  	[tilespmem:s22], [sflag:$0x1] =	stream.strided.gather [hbm4b:s24+s12], $0x800, s11, s12, $0x38;
	[tilespmem:$0x10600] =	vst v63  }
0x8f: {  	s26 =	sld [smem:$0x7FD];
	s3 =	sadd.s32 s1, s20;
	s0 =	sand.u32 $0xFFFFF80, s23  }
0x90: {  	[tilespmem:s25], [sflag:$0x1] =	stream.strided.gather [hbm4b:s3+s12], $0x800, s11, s12, $0x38;
	[tilespmem:$0x10600] =	vst v63  }
0x91: {  	s0 =	sadd.s32 s2, s0  }
0x92: {  	[tilespmem:s26], [sflag:$0x1] =	stream.strided.gather [hbm4b:s0+s12], $0x800, s11, s12, $0x38;
	[tilespmem:$0x10600] =	vst v63  }
0x93: {  	_ =	swait.ge [sflag:s14], $0x800  }
0x94: {  	[sflag:s14] =	ssyncset.done $0x0  }
0x95: {  	[sflag:s14] =	ssyncadd.s32 $0xFFFFF800  }
0x96: {  	_ =	swait.ge [sflag:s14], $0x800  }
0x97: {  	[sflag:s14] =	ssyncset.done $0x0  }
0x98: {  	[sflag:s14] =	ssyncadd.s32 $0xFFFFF800  }
0x99: {  	_ =	swait.ge [sflag:s14], $0x800  }
0x9a: {  	[sflag:s14] =	ssyncset.done $0x0  }
0x9b: {  	[sflag:s14] =	ssyncadd.s32 $0xFFFFF800  }
0x9c: {  	_ =	swait.ge [sflag:s14], $0x800  }
0x9d: {  	[sflag:s14] =	ssyncset.done $0x0  }
0x9e: {  	[sflag:s14] =	ssyncadd.s32 $0xFFFFF800  }
0x9f: {  	_ =	swait.ge [sflag:s14], $0x800  }
0xa0: {  	[sflag:s14] =	ssyncset.done $0x0  }
0xa1: {  	[sflag:s14] =	ssyncadd.s32 $0xFFFFF800  }
0xa2: {  	_ =	swait.ge [sflag:s14], $0x800  }
0xa3: {  	[sflag:s14] =	ssyncset.done $0x0  }
0xa4: {  	[sflag:s14] =	ssyncadd.s32 $0xFFFFF800  }
0xa5: {  	_ =	swait.ge [sflag:s14], $0x800  }
0xa6: {  	[sflag:s14] =	ssyncset.done $0x0  }
0xa7: {  	[sflag:s14] =	ssyncadd.s32 $0xFFFFF800  }
0xa8: {  	_ =	swait.ge [sflag:s14], $0x800  }
0xa9: {  	[sflag:s14] =	ssyncset.done $0x0  }
0xaa: {  	[sflag:s14] =	ssyncadd.s32 $0xFFFFF800  }
0xab: {  	_ =	swait.ge [sflag:s14], $0x800  }
0xac: {  	[sflag:s14] =	ssyncset.done $0x0  }
0xad: {  	[sflag:s14] =	ssyncadd.s32 $0xFFFFF800  }
0xae: {  	_ =	swait.ge [sflag:s14], $0x800  }
0xaf: {  	[sflag:s14] =	ssyncset.done $0x0  }
0xb0: {  	[sflag:s14] =	ssyncadd.s32 $0xFFFFF800  }
0xb1: {  	_ =	swait.ge [sflag:s14], $0x800  }
0xb2: {  	[sflag:s14] =	ssyncset.done $0x0  }
0xb3: {  	[sflag:s14] =	ssyncadd.s32 $0xFFFFF800  }
0xb4: {  	_ =	swait.ge [sflag:s14], $0x800  }
0xb5: {  	[sflag:s14] =	ssyncset.done $0x0  }
0xb6: {  	[sflag:s14] =	ssyncadd.s32 $0xFFFFF800  }
0xb7: {  	_ =	swait.ge [sflag:s14], $0x800  }
0xb8: {  	[sflag:s14] =	ssyncset.done $0x0  }
0xb9: {  	[sflag:s14] =	ssyncadd.s32 $0xFFFFF800  }
0xba: {  	_ =	swait.ge [sflag:s14], $0x800  }
0xbb: {  	[sflag:s14] =	ssyncset.done $0x0  }
0xbc: {  	[sflag:s14] =	ssyncadd.s32 $0xFFFFF800  }
0xbd: {  	_ =	swait.ge [sflag:s14], $0x800  }
0xbe: {  	[sflag:s14] =	ssyncset.done $0x0  }
0xbf: {  	[sflag:s14] =	ssyncadd.s32 $0xFFFFF800  }
0xc0: {  	_ =	swait.ge [sflag:s14], $0x800  }
0xc1: {  	[sflag:s14] =	ssyncset.done $0x0  }
0xc2: {  	[sflag:s14] =	ssyncadd.s32 $0xFFFFF800  }
0xc3: {  	_ =	swait.ge [sflag:s14], $0x800  }
0xc4: {  	[sflag:s14] =	ssyncset.done $0x0  }
0xc5: {  	[sflag:s14] =	ssyncadd.s32 $0xFFFFF800  }
0xc6: {  	_ =	swait.ge [sflag:s14], $0x800  }
0xc7: {  	[sflag:s14] =	ssyncset.done $0x0  }
0xc8: {  	[sflag:s14] =	ssyncadd.s32 $0xFFFFF800  }
0xc9: {  	_ =	swait.ge [sflag:s14], $0x800  }
0xca: {  	[sflag:s14] =	ssyncset.done $0x0  }
0xcb: {  	[sflag:s14] =	ssyncadd.s32 $0xFFFFF800  }
0xcc: {  	_ =	swait.ge [sflag:s14], $0x800  }
0xcd: {  	[sflag:s14] =	ssyncset.done $0x0  }
0xce: {  	[sflag:s14] =	ssyncadd.s32 $0xFFFFF800  }
0xcf: {  	_ =	swait.ge [sflag:s14], $0x800  }
0xd0: {  	[sflag:s14] =	ssyncset.done $0x0  }
0xd1: {  	[sflag:s14] =	ssyncadd.s32 $0xFFFFF800  }
0xd2: {  	_ =	swait.ge [sflag:s14], $0x800  }
0xd3: {  	[sflag:s14] =	ssyncset.done $0x0  }
0xd4: {  	[sflag:s14] =	ssyncadd.s32 $0xFFFFF800  }
0xd5: {  	_ =	swait.ge [sflag:s14], $0x800  }
0xd6: {  	[sflag:s14] =	ssyncset.done $0x0  }
0xd7: {  	[sflag:s14] =	ssyncadd.s32 $0xFFFFF800  }
0xd8: {  	_ =	swait.ge [sflag:s14], $0x800  }
0xd9: {  	[sflag:s14] =	ssyncset.done $0x0  }
0xda: {  	[sflag:s14] =	ssyncadd.s32 $0xFFFFF800  }
0xdb: {  	_ =	swait.ge [sflag:s14], $0x800  }
0xdc: {  	[sflag:s14] =	ssyncset.done $0x0  }
0xdd: {  	[sflag:s14] =	ssyncadd.s32 $0xFFFFF800  }
0xde: {  	_ =	swait.ge [sflag:s14], $0x800  }
0xdf: {  	[sflag:s14] =	ssyncset.done $0x0  }
0xe0: {  	[sflag:s14] =	ssyncadd.s32 $0xFFFFF800  }
0xe1: {  	_ =	swait.ge [sflag:s14], $0x800  }
0xe2: {  	[sflag:s14] =	ssyncset.done $0x0  }
0xe3: {  	[sflag:s14] =	ssyncadd.s32 $0xFFFFF800  }
0xe4: {  	_ =	swait.ge [sflag:s14], $0x800  }
0xe5: {  	[sflag:s14] =	ssyncset.done $0x0  }
0xe6: {  	[sflag:s14] =	ssyncadd.s32 $0xFFFFF800  }
0xe7: {  	_ =	swait.ge [sflag:s14], $0x800  }
0xe8: {  	[sflag:s14] =	ssyncset.done $0x0  }
0xe9: {  	[sflag:s14] =	ssyncadd.s32 $0xFFFFF800  }
0xea: {  	_ =	swait.ge [sflag:s14], $0x800  }
0xeb: {  	[sflag:s14] =	ssyncset.done $0x0  }
0xec: {  	[sflag:s14] =	ssyncadd.s32 $0xFFFFF800  }
0xed: {  	v17 =	vand.u32 $0x7F, v17;
	_ =	swait.ge [sflag:s14], $0x800  }
0xee: {  	v16 =	vand.u32 $0x7F, v16;
	v18 =	vor.u32 v0, v17;
	[sflag:s14] =	ssyncset.done $0x0  }
0xef: {  	v19 =	vor.u32 v0, v16;
	[sflag:s14] =	ssyncadd.s32 $0xFFFFF800  }
0xf0: {  	v20 =	vor.u32 v1, v17;
	_ =	swait.ge [sflag:s14], $0x800  }
0xf1: {  	v21 =	vor.u32 v1, v16;
	[sflag:s14] =	ssyncset.done $0x0  }
0xf2: {  	v22 =	vor.u32 v2, v17;
	[sflag:s14] =	ssyncadd.s32 $0xFFFFF800  }
0xf3: {  	v23 =	vor.u32 v2, v16;
	v18 =	vld.idx.msk [tilespmem:v18+s12+$0x0], $0xffff  }
0xf4: {  	v24 =	vor.u32 v3, v17;
	v19 =	vld.idx.msk [tilespmem:v19+s13+$0x0], $0xffff  }
0xf5: {  	v25 =	vor.u32 v3, v16;
	v20 =	vld.idx.msk [tilespmem:v20+s12+$0x0], $0xffff  }
0xf6: {  	v26 =	vor.u32 v4, v17;
	v21 =	vld.idx.msk [tilespmem:v21+s13+$0x0], $0xffff  }
0xf7: {  	v27 =	vor.u32 v4, v16;
	v22 =	vld.idx.msk [tilespmem:v22+s12+$0x0], $0xffff  }
0xf8: {  	v28 =	vor.u32 v5, v17;
	v23 =	vld.idx.msk [tilespmem:v23+s13+$0x0], $0xffff  }
0xf9: {  	v29 =	vor.u32 v5, v16;
	v24 =	vld.idx.msk [tilespmem:v24+s12+$0x0], $0xffff;
	v18 =	vmul.f32 v19, v18  }
0xfa: {  	v19 =	vld.idx.msk [tilespmem:v25+s13+$0x0], $0xffff;
	v25 =	vor.u32 v6, v17  }
0xfb: {  	v30 =	vor.u32 v6, v16;
	v26 =	vld.idx.msk [tilespmem:v26+s12+$0x0], $0xffff;
	v20 =	vmul.f32 v21, v20;
	v18 =	vadd.f32 $0.0e+00, v18  }
0xfc: {  	v21 =	vld.idx.msk [tilespmem:v27+s13+$0x0], $0xffff;
	v27 =	vor.u32 v7, v17  }
0xfd: {  	v31 =	vor.u32 v7, v16;
	v28 =	vld.idx.msk [tilespmem:v28+s12+$0x0], $0xffff;
	v18 =	vadd.f32 v20, v18;
	v20 =	vmul.f32 v23, v22  }
0xfe: {  	v22 =	vld.idx.msk [tilespmem:v29+s13+$0x0], $0xffff;
	v23 =	vor.u32 v8, v17  }
0xff: {  	v29 =	vor.u32 v8, v16;
	v25 =	vld.idx.msk [tilespmem:v25+s12+$0x0], $0xffff;
	v19 =	vmul.f32 v19, v24;
	v18 =	vadd.f32 v20, v18  }
0x100: {  	v24 =	vor.u32 v9, v17;
	v20 =	vld.idx.msk [tilespmem:v30+s13+$0x0], $0xffff  }
0x101: {  	v27 =	vld.idx.msk [tilespmem:v27+s12+$0x0], $0xffff;
	v30 =	vor.u32 v9, v16;
	v18 =	vadd.f32 v19, v18;
	v19 =	vmul.f32 v21, v26  }
0x102: {  	v21 =	vld.idx.msk [tilespmem:v31+s13+$0x0], $0xffff;
	v26 =	vor.u32 v10, v17  }
0x103: {  	v31 =	vor.u32 v10, v16;
	v23 =	vld.idx.msk [tilespmem:v23+s12+$0x0], $0xffff;
	v18 =	vadd.f32 v19, v18;
	v19 =	vmul.f32 v22, v28  }
0x104: {  	v22 =	vld.idx.msk [tilespmem:v29+s13+$0x0], $0xffff;
	v28 =	vor.u32 v11, v17  }
0x105: {  	v24 =	vld.idx.msk [tilespmem:v24+s12+$0x0], $0xffff;
	v29 =	vor.u32 v11, v16;
	v18 =	vadd.f32 v19, v18;
	v19 =	vmul.f32 v20, v25  }
0x106: {  	v20 =	vld.idx.msk [tilespmem:v30+s13+$0x0], $0xffff;
	v25 =	vor.u32 v12, v17  }
0x107: {  	v30 =	vor.u32 v12, v16;
	v26 =	vld.idx.msk [tilespmem:v26+s12+$0x0], $0xffff;
	v18 =	vadd.f32 v19, v18;
	v19 =	vmul.f32 v21, v27  }
0x108: {  	v21 =	vld.idx.msk [tilespmem:v31+s13+$0x0], $0xffff;
	v27 =	vor.u32 v13, v17  }
0x109: {  	v31 =	vor.u32 v13, v16;
	v28 =	vld.idx.msk [tilespmem:v28+s12+$0x0], $0xffff;
	v18 =	vadd.f32 v19, v18;
	v19 =	vmul.f32 v22, v23  }
0x10a: {  	v22 =	vld.idx.msk [tilespmem:v29+s13+$0x0], $0xffff;
	v23 =	vor.u32 v14, v17  }
0x10b: {  	v29 =	vor.u32 v14, v16;
	v25 =	vld.idx.msk [tilespmem:v25+s12+$0x0], $0xffff;
	v18 =	vadd.f32 v19, v18;
	v19 =	vmul.f32 v20, v24  }
0x10c: {  	v17 =	vor.u32 v15, v17;
	v20 =	vld.idx.msk [tilespmem:v30+s13+$0x0], $0xffff  }
0x10d: {  	v16 =	vor.u32 v15, v16;
	v24 =	vld.idx.msk [tilespmem:v27+s12+$0x0], $0xffff;
	v18 =	vadd.f32 v19, v18;
	v19 =	vmul.f32 v21, v26  }
0x10e: {  	v21 =	vld.idx.msk [tilespmem:v31+s13+$0x0], $0xffff  }
0x10f: {  	v23 =	vld.idx.msk [tilespmem:v23+s12+$0x0], $0xffff;
	v18 =	vadd.f32 v19, v18;
	v19 =	vmul.f32 v22, v28  }
0x110: {  	v22 =	vld.idx.msk [tilespmem:v29+s13+$0x0], $0xffff  }
0x111: {  	v17 =	vld.idx.msk [tilespmem:v17+s12+$0x0], $0xffff;
	v18 =	vadd.f32 v19, v18;
	v19 =	vmul.f32 v20, v25  }
0x112: {  	s17 =	simm.s32 $0x10;
	v16 =	vld.idx.msk [tilespmem:v16+s13+$0x0], $0xffff  }
0x113: {  	v30 =	vld [tilespmem:s17+$0x0];
	v18 =	vadd.f32 v19, v18;
	v19 =	vmul.f32 v21, v24;
	_ =	sdelay $0x1  }
0x114: {  	v36 =	vld [tilespmem:s17+$0x200];
	v18 =	vadd.f32 v19, v18;
	v19 =	vmul.f32 v22, v23;
	_ =	sdelay $0x1  }
0x115: {  	v16 =	vmul.f32 v16, v17;
	v18 =	vadd.f32 v19, v18  }
0x116: {  	v17 =	vnsel vm0, $0x0, v30  }
0x117: {  	(xrf0) =	vadd.scan.msk.s32 $0xffff, v17;
	v16 =	vadd.f32 v16, v18;
	v18 =	vsel vm1, $0x0, v30  }
0x118: {  	v17 =	vnsel vm0, $0x0, v36;
	(xrf0) =	vadd.scan.msk.s32 $0xffff, v18  }
0x119: {  	v18 =	vsel vm1, $0x0, v36;
	v16 =	vsub.f32 $0.0e+00, v16;
	(xrf0) =	vadd.scan.msk.s32 $0xffff, v17  }
0x11a: {  	s18 =	rddreg [dreg:$0x1f];
	v17 =	vsel vm2, $0x0, v30;
	(xrf0) =	vadd.scan.msk.s32 $0xffff, v18;
	v18 =	vsel vm2, $0x0, v36  }
0x11b: {  	s20 =	rddreg [dreg:$0x1e];
	v16 =	vmul.f32 $1.442695020e+00, v16;
	(xrf0) =	vadd.scan.msk.s32 $0xffff, v17;
	v17 =	vsel vm3, $0x0, v30  }
0x11c: {  	s21 =	rddreg [dreg:$0x1d];
	(xrf0) =	vadd.scan.msk.s32 $0xffff, v18  }
0x11d: {  	s22 =	rddreg [dreg:$0x1b];
	(erf) = vpow2.f32 v16;
	v16 =	vsel vm3, $0x0, v36;
	v18, _, _ =	vpop (xrf0);
	(xrf0) =	vadd.scan.msk.s32 $0xffff, v17  }
0x11e: {  	s24 =	rddreg [dreg:$0x1a];
	v17, _, _ =	vpop (xrf0);
	(xrf0) =	vadd.scan.msk.s32 $0xffff, v16;
	v16 =	vsel vm4, $0x0, v30  }
0x11f: {  	s25 =	rddreg [dreg:$0x19];
	v19, _, _ =	vpop (xrf0);
	(xrf0) =	vadd.scan.msk.s32 $0xffff, v16  }
0x120: {  	s28 =	rddreg [dreg:$0x18];
	v20 =	vsel vm4, $0x0, v36;
	v21, _, _ =	vpop (xrf0)  }
0x121: {  	s29 =	rddreg [dreg:$0x17];
	v37 =	vsel vm8, $0x0, v36;
	v16 =	vsel vm5, $0x0, v30;
	(xrf0) =	vadd.scan.msk.s32 $0xffff, v20;
	v31, _, _ =	vpop (xrf0)  }
0x122: {  	s26 =	rddreg [dreg:$0x16];
	v40 =	vsel vm9, $0x0, v36;
	v26 =	vsel vm11, $0x0, v36;
	v22 =	vsel vm5, $0x0, v36;
	(xrf0) =	vadd.scan.msk.s32 $0xffff, v16;
	v32, _, _ =	vpop (xrf0)  }
0x123: {  	s30 =	rddreg [dreg:$0x15];
	v28 =	vsel vm10, $0x0, v36;
	(v2sf) =	vpush v18, $0xF;
	v20 =	vsel vm6, $0x0, v30;
	(xrf0) =	vadd.scan.msk.s32 $0xffff, v22;
	v38, _, _ =	vpop (xrf0)  }
0x124: {  	s0 =	rddreg [dreg:$0x14];
	v33 =	vsel vm8, $0x0, v30;
	v23 =	vsel vm6, $0x0, v36;
	(v2sf) =	vpush v17, $0xF;
	v41, _, _ =	vpop (xrf0);
	(xrf0) =	vadd.scan.msk.s32 $0xffff, v20  }
0x125: {  	s4 =	rddreg [dreg:$0x13];
	v39 =	vsel vm9, $0x0, v30;
	v24 =	vsel vm7, $0x0, v30;
	(v2sf) =	vpush v19, $0xF;
	(xrf0) =	vadd.scan.msk.s32 $0xffff, v23;
	v42, _, _ =	vpop (xrf0)  }
0x126: {  	s10 =	rddreg [dreg:$0x11];
	v29 =	vsel vm10, $0x0, v30;
	v27 =	vsel vm11, $0x0, v30;
	(v2sf) =	vpush v21, $0xF;
	v17 =	vpop (erf);
	(xrf0) =	vadd.scan.msk.s32 $0xffff, v24  }
0x127: {  	s15 =	rddreg [dreg:$0x10];
	v25 =	vsel vm12, $0x0, v30;
	v16 =	vsel vm7, $0x0, v36;
	(v2sf) =	vpush v31, $0xF;
	v35, _, _ =	vpop (xrf0)  }
0x128: {  	s5 =	rddreg [dreg:$0xf];
	v18 =	vsel vm15, $0x0, v36;
	v19 =	vsel vm15, $0x0, v30;
	(v2sf) =	vpush v32, $0xF;
	(xrf0) =	vadd.scan.msk.s32 $0xffff, v16;
	v34, _, _ =	vpop (xrf0)  }
0x129: {  	s6 =	rddreg [dreg:$0xe];
	v21 =	vsel vm14, $0x0, v30;
	v22 =	vsel vm13, $0x0, v36;
	(v2sf) =	vpush v38, $0xF;
	(xrf0) =	vadd.scan.msk.s32 $0xffff, v33;
	v33, _, _ =	vpop (xrf0)  }
0x12a: {  	s7 =	rddreg [dreg:$0xd];
	v20 =	vsel vm14, $0x0, v36;
	(v2sf) =	vpush v41, $0xF;
	v43 =	vadd.f32 $1.000000000e+00, v17;
	(xrf0) =	vadd.scan.msk.s32 $0xffff, v37;
	v32, _, _ =	vpop (xrf0)  }
0x12b: {  	s8 =	rddreg [dreg:$0xc];
	v23 =	vsel vm13, $0x0, v30;
	v24 =	vsel vm12, $0x0, v36;
	(v2sf) =	vpush v42, $0xF;
	(xrf0) =	vadd.scan.msk.s32 $0xffff, v39;
	v31, _, _ =	vpop (xrf0)  }
0x12c: {  	s23 =	simm.s32 $0x80;
	s3 =	rddreg [dreg:$0xb];
	v16 =	vand.u32 $0x7F, v30;
	v17 =	vand.u32 $0x7F, v36;
	(erf) = vrcp.f32 v43;
	(xrf0) =	vadd.scan.msk.s32 $0xffff, v40;
	v30, _, _ =	vpop (xrf0)  }
.LBB2_2:
0x12d: {  	[smem:$0x7EF] =	sst s22  }
0x12e: {  	[smem:$0x7F0] =	sst s21  }
0x12f: {  	[smem:$0x7EE] =	sst s24  }
0x130: {  	[smem:$0x7F1] =	sst s20  }
0x131: {  	[smem:$0x7F3] =	sst s18  }
0x132: {  	[smem:$0x7F2] =	sst s17  }
0x133: {  	s9 =	rddreg [dreg:$0xa]  }
0x134: {  	s18 =	rddreg [dreg:$0x0]  }
0x135: {  	s16 =	spop (v2sf);
	s17 =	rddreg [dreg:$0x8]  }
0x136: {  	s13 =	rddreg [dreg:$0x6];
	s24 =	sand.u32 $0xFFFFF80, s16;
	s1 =	smov.u32 s23  }
0x137: {  	s22 =	sadd.s32 $0x40, s23;
	p0 =	sne.s32 s23, $0x7C0;
	s23 =	rddreg [dreg:$0x5]  }
0x138: {  	(v2sf) =	vpush v35, $0xF;
	v58, _, _ =	vpop (xrf0);
	(xrf0) =	vadd.scan.msk.s32 $0xffff, v29;
	s21 =	sadd.s32 s18, s24;
	s24 =	rddreg [dreg:$0x1]  }
0x139: {  	s20 =	spop (v2sf);
	v29, _, _ =	vpop (xrf0);
	(xrf0) =	vadd.scan.msk.s32 $0xffff, v28;
	[smem:$0x7F4] =	sst s1  }
0x13a: {  	s2 =	spop (v2sf);
	(v2sf) =	vpush v34, $0xF;
	[smem:$0x7F5] =	sst s22;
	v28, _, _ =	vpop (xrf0);
	(xrf0) =	vadd.scan.msk.s32 $0xffff, v27  }
0x13b: {  	s1 =	smov.u32 s19;
	s2 =	sand.u32 $0xFFFFF80, s2;
	s22 =	spop (v2sf);
	v27, _, _ =	vpop (xrf0);
	(xrf0) =	vadd.scan.msk.s32 $0xffff, v26  }
0x13c: {  	s19 =	sand.u32 $0xFFFFF80, s20;
	s11 =	spop (v2sf);
	(v2sf) =	vpush v33, $0xF;
	s20 =	sand.u32 $0xFFFFF80, s22;
	(xrf0) =	vadd.scan.msk.s32 $0xffff, v25;
	v25 =	vpop (erf)  }
0x13d: {  	s22 =	spop (v2sf);
	[tilespmem:s1+$0x10400] =	vst v25;
	s1 =	sadd.s32 s24, s2;
	s2 =	sadd.s32 s18, s19  }
0x13e: {  	(v2sf) =	vpush v32, $0xF;
	[tilespmem:s12], [sflag:$0x1] =	stream.strided.gather [hbm4b:s21+s12], $0x800, s31, s12, $0x38;
	[tilespmem:$0x10600] =	vst v63  }
0x13f: {  	s19 =	sand.u32 $0xFFFFF80, s11;
	s11 =	smov.u32 s25;
	s25 =	simm.s32 $0x8400  }
0x140: {  	(v2sf) =	vpush v31, $0xF;
	[tilespmem:s25], [sflag:$0x1] =	stream.strided.gather [hbm4b:s1+s12], $0x800, s31, s12, $0x38;
	[tilespmem:$0x10600] =	vst v63  }
0x141: {  	s1 =	sadd.s32 s24, s20;
	s20 =	sand.u32 $0xFFFFF80, s22;
	s22 =	spop (v2sf)  }
0x142: {  	(v2sf) =	vpush v58, $0xF;
	[tilespmem:s23], [sflag:$0x1] =	stream.strided.gather [hbm4b:s2+s12], $0x800, s31, s12, $0x38;
	[tilespmem:$0x10600] =	vst v63  }
0x143: {  	s16 =	rddreg [dreg:$0x9];
	s19 =	sadd.s32 s18, s19;
	s23 =	spop (v2sf);
	(v2sf) =	vpush v29, $0xF  }
0x144: {  	[tilespmem:s13], [sflag:$0x1] =	stream.strided.gather [hbm4b:s1+s12], $0x800, s31, s12, $0x38;
	[tilespmem:$0x10600] =	vst v63  }
0x145: {  	s2 =	rddreg [dreg:$0x7];
	s13 =	sand.u32 $0xFFFFF80, s23;
	s23 =	spop (v2sf);
	(v2sf) =	vpush v28, $0xF  }
0x146: {  	[tilespmem:s2], [sflag:$0x1] =	stream.strided.gather [hbm4b:s19+s12], $0x800, s31, s12, $0x38;
	[tilespmem:$0x10600] =	vst v63  }
0x147: {  	s20 =	sadd.s32 s24, s20;
	s21 =	sand.u32 $0xFFFFF80, s22;
	s22 =	spop (v2sf);
	(v2sf) =	vpush v30, $0xF  }
0x148: {  	[tilespmem:s17], [sflag:$0x1] =	stream.strided.gather [hbm4b:s20+s12], $0x800, s31, s12, $0x38;
	[tilespmem:$0x10600] =	vst v63  }
0x149: {  	s2 =	sand.u32 $0xFFFFF80, s23;
	s23 =	sadd.s32 s18, s21;
	s20 =	spop (v2sf)  }
0x14a: {  	(v2sf) =	vpush v27, $0xF;
	[tilespmem:s16], [sflag:$0x1] =	stream.strided.gather [hbm4b:s23+s12], $0x800, s31, s12, $0x38;
	[tilespmem:$0x10600] =	vst v63  }
0x14b: {  	v26, _, _ =	vpop (xrf0);
	s21 =	sadd.s32 s24, s13;
	s17 =	sand.u32 $0xFFFFF80, s22;
	s23 =	spop (v2sf)  }
0x14c: {  	(v2sf) =	vpush v26, $0xF;
	[tilespmem:s9], [sflag:$0x1] =	stream.strided.gather [hbm4b:s21+s12], $0x800, s31, s12, $0x38;
	[tilespmem:$0x10600] =	vst v63  }
0x14d: {  	(xrf0) =	vadd.scan.msk.s32 $0xffff, v24;
	v24, _, _ =	vpop (xrf0);
	s22 =	sand.u32 $0xFFFFF80, s20;
	s16 =	spop (v2sf);
	s9 =	sadd.s32 s18, s2  }
0x14e: {  	(v2sf) =	vpush v24, $0xF;
	[tilespmem:s3], [sflag:$0x1] =	stream.strided.gather [hbm4b:s9+s12], $0x800, s31, s12, $0x38;
	[tilespmem:$0x10600] =	vst v63  }
0x14f: {  	(xrf0) =	vadd.scan.msk.s32 $0xffff, v23;
	v23, _, _ =	vpop (xrf0);
	s17 =	sadd.s32 s24, s17;
	s2 =	sand.u32 $0xFFFFF80, s23;
	s20 =	spop (v2sf)  }
0x150: {  	(v2sf) =	vpush v23, $0xF;
	[tilespmem:s8], [sflag:$0x1] =	stream.strided.gather [hbm4b:s17+s12], $0x800, s31, s12, $0x38;
	[tilespmem:$0x10600] =	vst v63  }
0x151: {  	(xrf0) =	vadd.scan.msk.s32 $0xffff, v22;
	v22, _, _ =	vpop (xrf0);
	s19 =	sand.u32 $0xFFFFF80, s16;
	s21 =	sadd.s32 s18, s22;
	s23 =	spop (v2sf)  }
0x152: {  	(xrf0) =	vadd.scan.msk.s32 $0xffff, v21;
	s22 =	sand.u32 $0xFFFFF80, s20;
	s13 =	sadd.s32 s24, s2;
	(v2sf) =	vpush v22, $0xF;
	s16 =	spop (v2sf)  }
0x153: {  	v21, _, _ =	vpop (xrf0);
	[tilespmem:s7], [sflag:$0x1] =	stream.strided.gather [hbm4b:s21+s12], $0x800, s31, s12, $0x38;
	[tilespmem:$0x10600] =	vst v63  }
0x154: {  	(xrf0) =	vadd.scan.msk.s32 $0xffff, v20;
	s20 =	sadd.s32 s24, s22;
	s17 =	sadd.s32 s18, s19;
	(v2sf) =	vpush v21, $0xF;
	s19 =	spop (v2sf)  }
0x155: {  	v20, _, _ =	vpop (xrf0);
	[tilespmem:s6], [sflag:$0x1] =	stream.strided.gather [hbm4b:s13+s12], $0x800, s31, s12, $0x38;
	[tilespmem:$0x10600] =	vst v63  }
0x156: {  	(xrf0) =	vadd.scan.msk.s32 $0xffff, v19;
	s2 =	sand.u32 $0xFFFFF80, s23;
	s23 =	rddreg [dreg:$0x12];
	(v2sf) =	vpush v20, $0xF;
	s21 =	spop (v2sf)  }
0x157: {  	v19, _, _ =	vpop (xrf0);
	[tilespmem:s5], [sflag:$0x1] =	stream.strided.gather [hbm4b:s17+s12], $0x800, s31, s12, $0x38;
	[tilespmem:$0x10600] =	vst v63  }
0x158: {  	s3 =	sand.u32 $0xFFFFF80, s16;
	(v2sf) =	vpush v19, $0xF;
	s22 =	sand.u32 $0xFFFFF80, s21;
	s5 =	sand.u32 $0xFFFFF80, s19  }
0x159: {  	s1 =	sadd.s32 s18, s22;
	s19 =	sadd.s32 s18, s3;
	s9 =	spop (v2sf)  }
0x15a: {  	[tilespmem:s15], [sflag:$0x1] =	stream.strided.gather [hbm4b:s20+s12], $0x800, s31, s12, $0x38;
	[tilespmem:$0x10600] =	vst v63  }
0x15b: {  	(xrf0) =	vadd.scan.msk.s32 $0xffff, v18;
	v18, _, _ =	vpop (xrf0);
	s22 =	sadd.s32 s24, s5;
	s7 =	sand.u32 $0xFFFFF80, s9;
	s13 =	spop (v2sf)  }
0x15c: {  	(v2sf) =	vpush v18, $0xF;
	[tilespmem:s10], [sflag:$0x1] =	stream.strided.gather [hbm4b:s1+s12], $0x800, s31, s12, $0x38;
	[tilespmem:$0x10600] =	vst v63  }
0x15d: {  	v25, _, _ =	vpop (xrf0);
	s15 =	sadd.s32 s24, s2;
	s7 =	sadd.s32 s18, s7;
	s17 =	spop (v2sf)  }
0x15e: {  	(v2sf) =	vpush v25, $0xF;
	[tilespmem:s23], [sflag:$0x1] =	stream.strided.gather [hbm4b:s15+s12], $0x800, s31, s12, $0x38;
	[tilespmem:$0x10600] =	vst v63  }
0x15f: {  	v28, _, _ =	vpop (xrf0);
	s16 =	sand.u32 $0xFFFFF80, s13;
	s20 =	sand.u32 $0xFFFFF80, s17;
	s21 =	spop (v2sf)  }
0x160: {  	(v2sf) =	vpush v28, $0xF;
	[tilespmem:s4], [sflag:$0x1] =	stream.strided.gather [hbm4b:s19+s12], $0x800, s31, s12, $0x38;
	[tilespmem:$0x10600] =	vst v63  }
0x161: {  	v29, _, _ =	vpop (xrf0);
	s10 =	sadd.s32 s24, s16;
	s23 =	sand.u32 $0xFFFFF80, s21;
	s6 =	spop (v2sf)  }
0x162: {  	(v2sf) =	vpush v29, $0xF;
	[tilespmem:s0], [sflag:$0x1] =	stream.strided.gather [hbm4b:s22+s12], $0x800, s31, s12, $0x38;
	[tilespmem:$0x10600] =	vst v63  }
0x163: {  	s16 =	sadd.s32 s18, s20;
	s20 =	sadd.s32 s24, s23;
	s9 =	spop (v2sf)  }
0x164: {  	[tilespmem:s30], [sflag:$0x1] =	stream.strided.gather [hbm4b:s7+s12], $0x800, s31, s12, $0x38;
	[tilespmem:$0x10600] =	vst v63  }
0x165: {  	v30, _, _ =	vpop (xrf0);
	s8 =	sand.u32 $0xFFFFF80, s6;
	s13 =	sand.u32 $0xFFFFF80, s9;
	s15 =	spop (v2sf)  }
0x166: {  	(v2sf) =	vpush v30, $0xF;
	[tilespmem:s26], [sflag:$0x1] =	stream.strided.gather [hbm4b:s10+s12], $0x800, s31, s12, $0x38;
	[tilespmem:$0x10600] =	vst v63  }
0x167: {  	s23 =	sadd.s32 s18, s8;
	s9 =	sadd.s32 s24, s13;
	s19 =	spop (v2sf)  }
0x168: {  	[tilespmem:s29], [sflag:$0x1] =	stream.strided.gather [hbm4b:s16+s12], $0x800, s31, s12, $0x38;
	[tilespmem:$0x10600] =	vst v63  }
0x169: {  	v31, _, _ =	vpop (xrf0);
	s13 =	sld [smem:$0x7EE];
	s17 =	sand.u32 $0xFFFFF80, s15;
	s21 =	sand.u32 $0xFFFFF80, s19  }
0x16a: {  	(v2sf) =	vpush v31, $0xF;
	[tilespmem:s28], [sflag:$0x1] =	stream.strided.gather [hbm4b:s20+s12], $0x800, s31, s12, $0x38;
	[tilespmem:$0x10600] =	vst v63  }
0x16b: {  	s15 =	sadd.s32 s18, s17;
	s19 =	sld [smem:$0x7EF];
	s22 =	spop (v2sf)  }
0x16c: {  	[tilespmem:s11], [sflag:$0x1] =	stream.strided.gather [hbm4b:s23+s12], $0x800, s31, s12, $0x38;
	[tilespmem:$0x10600] =	vst v63  }
0x16d: {  	s16 =	rddreg [dreg:$0x1c];
	s26 =	sand.u32 $0xFFFFF80, s22;
	s8 =	spop (v2sf)  }
0x16e: {  	[tilespmem:s13], [sflag:$0x1] =	stream.strided.gather [hbm4b:s9+s12], $0x800, s31, s12, $0x38;
	[tilespmem:$0x10600] =	vst v63  }
0x16f: {  	s20 =	sadd.s32 s24, s21;
	s10 =	sand.u32 $0xFFFFF80, s8;
	s11 =	spop (v2sf)  }
0x170: {  	[tilespmem:s19], [sflag:$0x1] =	stream.strided.gather [hbm4b:s15+s12], $0x800, s31, s12, $0x38;
	[tilespmem:$0x10600] =	vst v63  }
0x171: {  	s8 =	sld [smem:$0x7F0];
	s23 =	sadd.s32 s18, s26;
	s17 =	spop (v2sf)  }
0x172: {  	[tilespmem:s16], [sflag:$0x1] =	stream.strided.gather [hbm4b:s20+s12], $0x800, s31, s12, $0x38;
	[tilespmem:$0x10600] =	vst v63  }
0x173: {  	s9 =	sadd.s32 s24, s10;
	s10 =	sand.u32 $0xFFFFF80, s11;
	s11 =	sld [smem:$0x7F1]  }
0x174: {  	[tilespmem:s8], [sflag:$0x1] =	stream.strided.gather [hbm4b:s23+s12], $0x800, s31, s12, $0x38;
	[tilespmem:$0x10600] =	vst v63  }
0x175: {  	s21 =	sand.u32 $0xFFFFF80, s17;
	s17 =	sld [smem:$0x7F3];
	s22 =	spop (v2sf)  }
0x176: {  	[tilespmem:s11], [sflag:$0x1] =	stream.strided.gather [hbm4b:s9+s12], $0x800, s31, s12, $0x38;
	[tilespmem:$0x10600] =	vst v63  }
0x177: {  	s13 =	sadd.s32 s18, s10;
	s15 =	sld [smem:$0x7FB];
	s26 =	sand.u32 $0xFFFFF80, s22  }
0x178: {  	[tilespmem:s17], [sflag:$0x1] =	stream.strided.gather [hbm4b:s13+s12], $0x800, s31, s12, $0x38;
	[tilespmem:$0x10600] =	vst v63  }
0x179: {  	s7 =	spop (v2sf);
	s20 =	sadd.s32 s24, s21;
	s21 =	sld [smem:$0x7FC]  }
0x17a: {  	[tilespmem:s15], [sflag:$0x1] =	stream.strided.gather [hbm4b:s20+s12], $0x800, s31, s12, $0x38;
	[tilespmem:$0x10600] =	vst v63  }
0x17b: {  	s3 =	sand.u32 $0xFFFFF80, s7;
	s22 =	sadd.s32 s18, s26;
	s23 =	sld [smem:$0x7FD]  }
0x17c: {  	[tilespmem:s21], [sflag:$0x1] =	stream.strided.gather [hbm4b:s22+s12], $0x800, s31, s12, $0x38;
	[tilespmem:$0x10600] =	vst v63  }
0x17d: {  	s24 =	sadd.s32 s24, s3  }
0x17e: {  	[tilespmem:s23], [sflag:$0x1] =	stream.strided.gather [hbm4b:s24+s12], $0x800, s31, s12, $0x38;
	[tilespmem:$0x10600] =	vst v63  }
0x17f: {  	s16 =	sld [smem:$0x7F2];
	_ =	swait.ge [sflag:s14], $0x800  }
0x180: {  	[sflag:s14] =	ssyncset.done $0x0  }
0x181: {  	[sflag:s14] =	ssyncadd.s32 $0xFFFFF800  }
0x182: {  	_ =	swait.ge [sflag:s14], $0x800  }
0x183: {  	[sflag:s14] =	ssyncset.done $0x0  }
0x184: {  	[sflag:s14] =	ssyncadd.s32 $0xFFFFF800  }
0x185: {  	_ =	swait.ge [sflag:s14], $0x800  }
0x186: {  	[sflag:s14] =	ssyncset.done $0x0  }
0x187: {  	[sflag:s14] =	ssyncadd.s32 $0xFFFFF800  }
0x188: {  	_ =	swait.ge [sflag:s14], $0x800  }
0x189: {  	[sflag:s14] =	ssyncset.done $0x0  }
0x18a: {  	[sflag:s14] =	ssyncadd.s32 $0xFFFFF800  }
0x18b: {  	_ =	swait.ge [sflag:s14], $0x800  }
0x18c: {  	[sflag:s14] =	ssyncset.done $0x0  }
0x18d: {  	[sflag:s14] =	ssyncadd.s32 $0xFFFFF800  }
0x18e: {  	_ =	swait.ge [sflag:s14], $0x800  }
0x18f: {  	[sflag:s14] =	ssyncset.done $0x0  }
0x190: {  	[sflag:s14] =	ssyncadd.s32 $0xFFFFF800  }
0x191: {  	_ =	swait.ge [sflag:s14], $0x800  }
0x192: {  	[sflag:s14] =	ssyncset.done $0x0  }
0x193: {  	[sflag:s14] =	ssyncadd.s32 $0xFFFFF800  }
0x194: {  	_ =	swait.ge [sflag:s14], $0x800  }
0x195: {  	[sflag:s14] =	ssyncset.done $0x0  }
0x196: {  	[sflag:s14] =	ssyncadd.s32 $0xFFFFF800  }
0x197: {  	_ =	swait.ge [sflag:s14], $0x800  }
0x198: {  	[sflag:s14] =	ssyncset.done $0x0  }
0x199: {  	[sflag:s14] =	ssyncadd.s32 $0xFFFFF800  }
0x19a: {  	_ =	swait.ge [sflag:s14], $0x800  }
0x19b: {  	[sflag:s14] =	ssyncset.done $0x0  }
0x19c: {  	[sflag:s14] =	ssyncadd.s32 $0xFFFFF800  }
0x19d: {  	_ =	swait.ge [sflag:s14], $0x800  }
0x19e: {  	[sflag:s14] =	ssyncset.done $0x0  }
0x19f: {  	[sflag:s14] =	ssyncadd.s32 $0xFFFFF800  }
0x1a0: {  	_ =	swait.ge [sflag:s14], $0x800  }
0x1a1: {  	[sflag:s14] =	ssyncset.done $0x0  }
0x1a2: {  	[sflag:s14] =	ssyncadd.s32 $0xFFFFF800  }
0x1a3: {  	_ =	swait.ge [sflag:s14], $0x800  }
0x1a4: {  	[sflag:s14] =	ssyncset.done $0x0  }
0x1a5: {  	[sflag:s14] =	ssyncadd.s32 $0xFFFFF800  }
0x1a6: {  	_ =	swait.ge [sflag:s14], $0x800  }
0x1a7: {  	[sflag:s14] =	ssyncset.done $0x0  }
0x1a8: {  	[sflag:s14] =	ssyncadd.s32 $0xFFFFF800  }
0x1a9: {  	_ =	swait.ge [sflag:s14], $0x800  }
0x1aa: {  	[sflag:s14] =	ssyncset.done $0x0  }
0x1ab: {  	[sflag:s14] =	ssyncadd.s32 $0xFFFFF800  }
0x1ac: {  	_ =	swait.ge [sflag:s14], $0x800  }
0x1ad: {  	[sflag:s14] =	ssyncset.done $0x0  }
0x1ae: {  	[sflag:s14] =	ssyncadd.s32 $0xFFFFF800  }
0x1af: {  	_ =	swait.ge [sflag:s14], $0x800  }
0x1b0: {  	[sflag:s14] =	ssyncset.done $0x0  }
0x1b1: {  	[sflag:s14] =	ssyncadd.s32 $0xFFFFF800  }
0x1b2: {  	_ =	swait.ge [sflag:s14], $0x800  }
0x1b3: {  	[sflag:s14] =	ssyncset.done $0x0  }
0x1b4: {  	[sflag:s14] =	ssyncadd.s32 $0xFFFFF800  }
0x1b5: {  	_ =	swait.ge [sflag:s14], $0x800  }
0x1b6: {  	[sflag:s14] =	ssyncset.done $0x0  }
0x1b7: {  	[sflag:s14] =	ssyncadd.s32 $0xFFFFF800  }
0x1b8: {  	_ =	swait.ge [sflag:s14], $0x800  }
0x1b9: {  	[sflag:s14] =	ssyncset.done $0x0  }
0x1ba: {  	[sflag:s14] =	ssyncadd.s32 $0xFFFFF800  }
0x1bb: {  	_ =	swait.ge [sflag:s14], $0x800  }
0x1bc: {  	[sflag:s14] =	ssyncset.done $0x0  }
0x1bd: {  	[sflag:s14] =	ssyncadd.s32 $0xFFFFF800  }
0x1be: {  	_ =	swait.ge [sflag:s14], $0x800  }
0x1bf: {  	[sflag:s14] =	ssyncset.done $0x0  }
0x1c0: {  	[sflag:s14] =	ssyncadd.s32 $0xFFFFF800  }
0x1c1: {  	_ =	swait.ge [sflag:s14], $0x800  }
0x1c2: {  	[sflag:s14] =	ssyncset.done $0x0  }
0x1c3: {  	[sflag:s14] =	ssyncadd.s32 $0xFFFFF800  }
0x1c4: {  	_ =	swait.ge [sflag:s14], $0x800  }
0x1c5: {  	[sflag:s14] =	ssyncset.done $0x0  }
0x1c6: {  	[sflag:s14] =	ssyncadd.s32 $0xFFFFF800  }
0x1c7: {  	_ =	swait.ge [sflag:s14], $0x800  }
0x1c8: {  	[sflag:s14] =	ssyncset.done $0x0  }
0x1c9: {  	[sflag:s14] =	ssyncadd.s32 $0xFFFFF800  }
0x1ca: {  	_ =	swait.ge [sflag:s14], $0x800  }
0x1cb: {  	[sflag:s14] =	ssyncset.done $0x0  }
0x1cc: {  	[sflag:s14] =	ssyncadd.s32 $0xFFFFF800  }
0x1cd: {  	_ =	swait.ge [sflag:s14], $0x800  }
0x1ce: {  	[sflag:s14] =	ssyncset.done $0x0  }
0x1cf: {  	[sflag:s14] =	ssyncadd.s32 $0xFFFFF800  }
0x1d0: {  	_ =	swait.ge [sflag:s14], $0x800  }
0x1d1: {  	[sflag:s14] =	ssyncset.done $0x0  }
0x1d2: {  	[sflag:s14] =	ssyncadd.s32 $0xFFFFF800  }
0x1d3: {  	_ =	swait.ge [sflag:s14], $0x800  }
0x1d4: {  	[sflag:s14] =	ssyncset.done $0x0  }
0x1d5: {  	[sflag:s14] =	ssyncadd.s32 $0xFFFFF800  }
0x1d6: {  	_ =	swait.ge [sflag:s14], $0x800  }
0x1d7: {  	[sflag:s14] =	ssyncset.done $0x0  }
0x1d8: {  	[sflag:s14] =	ssyncadd.s32 $0xFFFFF800  }
0x1d9: {  	_ =	swait.ge [sflag:s14], $0x800  }
0x1da: {  	v18 =	vor.u32 v0, v16;
	[sflag:s14] =	ssyncset.done $0x0  }
0x1db: {  	v19 =	vor.u32 v0, v17;
	[sflag:s14] =	ssyncadd.s32 $0xFFFFF800  }
0x1dc: {  	v20 =	vor.u32 v1, v16;
	_ =	swait.ge [sflag:s14], $0x800  }
0x1dd: {  	v21 =	vor.u32 v1, v17;
	[sflag:s14] =	ssyncset.done $0x0  }
0x1de: {  	v22 =	vor.u32 v2, v16;
	[sflag:s14] =	ssyncadd.s32 $0xFFFFF800  }
0x1df: {  	v23 =	vor.u32 v2, v17;
	v18 =	vld.idx.msk [tilespmem:v18+s12+$0x0], $0xffff  }
0x1e0: {  	v24 =	vor.u32 v3, v16;
	v19 =	vld.idx.msk [tilespmem:v19+s25+$0x0], $0xffff  }
0x1e1: {  	v25 =	vor.u32 v3, v17;
	v20 =	vld.idx.msk [tilespmem:v20+s12+$0x0], $0xffff  }
0x1e2: {  	v26 =	vor.u32 v4, v16;
	v21 =	vld.idx.msk [tilespmem:v21+s25+$0x0], $0xffff  }
0x1e3: {  	v27 =	vor.u32 v4, v17;
	v22 =	vld.idx.msk [tilespmem:v22+s12+$0x0], $0xffff  }
0x1e4: {  	v28 =	vor.u32 v5, v16;
	v23 =	vld.idx.msk [tilespmem:v23+s25+$0x0], $0xffff  }
0x1e5: {  	v29 =	vor.u32 v5, v17;
	v24 =	vld.idx.msk [tilespmem:v24+s12+$0x0], $0xffff;
	v18 =	vmul.f32 v19, v18  }
0x1e6: {  	v19 =	vld.idx.msk [tilespmem:v25+s25+$0x0], $0xffff;
	v25 =	vor.u32 v6, v16  }
0x1e7: {  	v30 =	vor.u32 v6, v17;
	v26 =	vld.idx.msk [tilespmem:v26+s12+$0x0], $0xffff;
	v20 =	vmul.f32 v21, v20;
	v18 =	vadd.f32 $0.0e+00, v18  }
0x1e8: {  	v21 =	vld.idx.msk [tilespmem:v27+s25+$0x0], $0xffff;
	v27 =	vor.u32 v7, v16  }
0x1e9: {  	v31 =	vor.u32 v7, v17;
	v28 =	vld.idx.msk [tilespmem:v28+s12+$0x0], $0xffff;
	v18 =	vadd.f32 v20, v18;
	v20 =	vmul.f32 v23, v22  }
0x1ea: {  	v22 =	vld.idx.msk [tilespmem:v29+s25+$0x0], $0xffff;
	v23 =	vor.u32 v8, v16  }
0x1eb: {  	v29 =	vor.u32 v8, v17;
	v25 =	vld.idx.msk [tilespmem:v25+s12+$0x0], $0xffff;
	v19 =	vmul.f32 v19, v24;
	v18 =	vadd.f32 v20, v18  }
0x1ec: {  	v24 =	vor.u32 v9, v16;
	v20 =	vld.idx.msk [tilespmem:v30+s25+$0x0], $0xffff  }
0x1ed: {  	v27 =	vld.idx.msk [tilespmem:v27+s12+$0x0], $0xffff;
	v30 =	vor.u32 v9, v17;
	v18 =	vadd.f32 v19, v18;
	v19 =	vmul.f32 v21, v26  }
0x1ee: {  	v21 =	vld.idx.msk [tilespmem:v31+s25+$0x0], $0xffff;
	v26 =	vor.u32 v10, v16  }
0x1ef: {  	v31 =	vor.u32 v10, v17;
	v23 =	vld.idx.msk [tilespmem:v23+s12+$0x0], $0xffff;
	v18 =	vadd.f32 v19, v18;
	v19 =	vmul.f32 v22, v28  }
0x1f0: {  	v22 =	vld.idx.msk [tilespmem:v29+s25+$0x0], $0xffff;
	v28 =	vor.u32 v11, v16  }
0x1f1: {  	v24 =	vld.idx.msk [tilespmem:v24+s12+$0x0], $0xffff;
	v29 =	vor.u32 v11, v17;
	v18 =	vadd.f32 v19, v18;
	v19 =	vmul.f32 v20, v25  }
0x1f2: {  	v20 =	vld.idx.msk [tilespmem:v30+s25+$0x0], $0xffff;
	v25 =	vor.u32 v12, v16  }
0x1f3: {  	v30 =	vor.u32 v12, v17;
	v26 =	vld.idx.msk [tilespmem:v26+s12+$0x0], $0xffff;
	v18 =	vadd.f32 v19, v18;
	v19 =	vmul.f32 v21, v27  }
0x1f4: {  	v21 =	vld.idx.msk [tilespmem:v31+s25+$0x0], $0xffff;
	v27 =	vor.u32 v13, v16  }
0x1f5: {  	v31 =	vor.u32 v13, v17;
	v28 =	vld.idx.msk [tilespmem:v28+s12+$0x0], $0xffff;
	v18 =	vadd.f32 v19, v18;
	v19 =	vmul.f32 v22, v23  }
0x1f6: {  	v22 =	vld.idx.msk [tilespmem:v29+s25+$0x0], $0xffff;
	v23 =	vor.u32 v14, v16  }
0x1f7: {  	v29 =	vor.u32 v14, v17;
	v25 =	vld.idx.msk [tilespmem:v25+s12+$0x0], $0xffff;
	v18 =	vadd.f32 v19, v18;
	v19 =	vmul.f32 v20, v24  }
0x1f8: {  	v16 =	vor.u32 v15, v16;
	v20 =	vld.idx.msk [tilespmem:v30+s25+$0x0], $0xffff  }
0x1f9: {  	v17 =	vor.u32 v15, v17;
	v24 =	vld.idx.msk [tilespmem:v27+s12+$0x0], $0xffff;
	v18 =	vadd.f32 v19, v18;
	v19 =	vmul.f32 v21, v26  }
0x1fa: {  	v21 =	vld.idx.msk [tilespmem:v31+s25+$0x0], $0xffff  }
0x1fb: {  	v23 =	vld.idx.msk [tilespmem:v23+s12+$0x0], $0xffff;
	v18 =	vadd.f32 v19, v18;
	v19 =	vmul.f32 v22, v28  }
0x1fc: {  	s26 =	sld [smem:$0x7F4];
	v22 =	vld.idx.msk [tilespmem:v29+s25+$0x0], $0xffff  }
0x1fd: {  	v16 =	vld.idx.msk [tilespmem:v16+s12+$0x0], $0xffff;
	v18 =	vadd.f32 v19, v18;
	v19 =	vmul.f32 v20, v25  }
0x1fe: {  	v17 =	vld.idx.msk [tilespmem:v17+s25+$0x0], $0xffff  }
0x1ff: {  	s17 =	sshra.s32 s26, $0x2;
	v18 =	vadd.f32 v19, v18;
	v19 =	vmul.f32 v21, v24  }
0x200: {  	v30 =	vld [tilespmem:s17+$0x0]  }
0x201: {  	v18 =	vadd.f32 v19, v18;
	v19 =	vmul.f32 v22, v23  }
0x202: {  	v31 =	vld [tilespmem:s17+$0x200]  }
0x203: {  	v16 =	vmul.f32 v17, v16;
	v18 =	vadd.f32 v19, v18;
	_ =	sdelay $0x1  }
0x204: {  	v17 =	vnsel vm0, $0x0, v30;
	v16 =	vadd.f32 v16, v18  }
0x205: {  	(xrf0) =	vadd.scan.msk.s32 $0xffff, v17;
	v19 =	vsel vm1, $0x0, v30  }
0x206: {  	v17 =	vnsel vm0, $0x0, v31;
	(xrf0) =	vadd.scan.msk.s32 $0xffff, v19;
	v16 =	vsub.f32 $0.0e+00, v16  }
0x207: {  	s18 =	rddreg [dreg:$0x1f];
	v61 =	vsel vm6, $0x0, v30;
	v36 =	vsel vm7, $0x0, v30;
	v22 =	vsel vm1, $0x0, v31;
	(xrf0) =	vadd.scan.msk.s32 $0xffff, v17  }
0x208: {  	s20 =	rddreg [dreg:$0x1e];
	v38 =	vsel vm8, $0x0, v30;
	v18 =	vsel vm2, $0x0, v30;
	(xrf0) =	vadd.scan.msk.s32 $0xffff, v22;
	v22 =	vmul.f32 $1.442695020e+00, v16  }
0x209: {  	s21 =	rddreg [dreg:$0x1d];
	v40 =	vsel vm9, $0x0, v30;
	v29 =	vsel vm10, $0x0, v30;
	v19 =	vsel vm2, $0x0, v31;
	(xrf0) =	vadd.scan.msk.s32 $0xffff, v18  }
0x20a: {  	s22 =	rddreg [dreg:$0x1b];
	v27 =	vsel vm11, $0x0, v30;
	v20 =	vsel vm3, $0x0, v30;
	(xrf0) =	vadd.scan.msk.s32 $0xffff, v19;
	(erf) = vpow2.f32 v22  }
0x20b: {  	s24 =	rddreg [dreg:$0x1a];
	v25 =	vsel vm12, $0x0, v30;
	v59 =	vsel vm4, $0x0, v31;
	v23 =	vsel vm3, $0x0, v31;
	v16, _, _ =	vpop (xrf0);
	(xrf0) =	vadd.scan.msk.s32 $0xffff, v20  }
0x20c: {  	s28 =	rddreg [dreg:$0x18];
	v60 =	vsel vm5, $0x0, v31;
	v62 =	vsel vm6, $0x0, v31;
	(v2sf) =	vpush v16, $0xF;
	v16, _, _ =	vpop (xrf0);
	(xrf0) =	vadd.scan.msk.s32 $0xffff, v23  }
0x20d: {  	s29 =	rddreg [dreg:$0x17];
	v37 =	vsel vm7, $0x0, v31;
	v21 =	vsel vm4, $0x0, v30;
	v18, _, _ =	vpop (xrf0);
	(v2sf) =	vpush v16, $0xF  }
0x20e: {  	s30 =	rddreg [dreg:$0x15];
	v39 =	vsel vm8, $0x0, v31;
	v41 =	vsel vm9, $0x0, v31;
	(v2sf) =	vpush v18, $0xF;
	v16, _, _ =	vpop (xrf0);
	(xrf0) =	vadd.scan.msk.s32 $0xffff, v21  }
0x20f: {  	s0 =	rddreg [dreg:$0x14];
	v28 =	vsel vm10, $0x0, v31;
	v17 =	vsel vm5, $0x0, v30;
	(v2sf) =	vpush v16, $0xF;
	v16, _, _ =	vpop (xrf0);
	(xrf0) =	vadd.scan.msk.s32 $0xffff, v59  }
0x210: {  	s4 =	rddreg [dreg:$0x13];
	v26 =	vsel vm11, $0x0, v31;
	v24 =	vsel vm12, $0x0, v31;
	(v2sf) =	vpush v16, $0xF;
	v16, _, _ =	vpop (xrf0);
	(xrf0) =	vadd.scan.msk.s32 $0xffff, v17  }
0x211: {  	s10 =	rddreg [dreg:$0x11];
	v19 =	vsel vm15, $0x0, v30;
	v22 =	vsel vm13, $0x0, v31;
	v23 =	vsel vm13, $0x0, v30;
	v63, _, _ =	vpop (xrf0);
	(xrf0) =	vadd.scan.msk.s32 $0xffff, v60  }
0x212: {  	s15 =	rddreg [dreg:$0x10];
	v21 =	vsel vm14, $0x0, v30;
	(v2sf) =	vpush v16, $0xF;
	v16 =	vand.u32 $0x7F, v30;
	v30, _, _ =	vpop (xrf0);
	(xrf0) =	vadd.scan.msk.s32 $0xffff, v61  }
0x213: {  	s5 =	rddreg [dreg:$0xf];
	v20 =	vsel vm14, $0x0, v31;
	v18 =	vsel vm15, $0x0, v31;
	v17 =	vand.u32 $0x7F, v31;
	(xrf0) =	vadd.scan.msk.s32 $0xffff, v62;
	v31 =	vpop (erf)  }
0x214: {  	s6 =	rddreg [dreg:$0xe];
	v42, _, _ =	vpop (xrf0);
	(xrf0) =	vadd.scan.msk.s32 $0xffff, v36  }
0x215: {  	s7 =	rddreg [dreg:$0xd];
	v31 =	vadd.f32 $1.000000000e+00, v31;
	v35, _, _ =	vpop (xrf0)  }
.Ltmp0:
0x216: {  	s8 =	rddreg [dreg:$0xc];
	(xrf0) =	vadd.scan.msk.s32 $0xffff, v37;
	v34, _, _ =	vpop (xrf0);
	(pc) =	sbr.rel @p0 .LBB2_2-.Ltmp0, $4  }
0x217: {  	s3 =	rddreg [dreg:$0xb];
	(xrf0) =	vadd.scan.msk.s32 $0xffff, v38;
	v33, _, _ =	vpop (xrf0)  }
0x218: {  	s23 =	sld [smem:$0x7F5];
	(v2sf) =	vpush v63, $0xF;
	(xrf0) =	vadd.scan.msk.s32 $0xffff, v39;
	v32, _, _ =	vpop (xrf0)  }
0x219: {  	s26 =	rddreg [dreg:$0x16];
	(v2sf) =	vpush v30, $0xF;
	(erf) = vrcp.f32 v31;
	(xrf0) =	vadd.scan.msk.s32 $0xffff, v40;
	v31, _, _ =	vpop (xrf0)  }
0x21a: {  	s19 =	smov.u32 s16;
	s25 =	rddreg [dreg:$0x19];
	(v2sf) =	vpush v42, $0xF;
	v30, _, _ =	vpop (xrf0);
	(xrf0) =	vadd.scan.msk.s32 $0xffff, v41  }
0x21b: {  	_ =	sdelay $0x5  }
0x21c: {  	s1 =	spop (v2sf)  }
0x21d: {  	s9 =	rddreg [dreg:$0x0];
	s1 =	sand.u32 $0xFFFFF80, s1;
	s2 =	spop (v2sf);
	v36 =	vpop (erf)  }
0x21e: {  	s11 =	simm.s32 $0x7A1400;
	s1 =	sadd.s32 s9, s1;
	[tilespmem:s19+$0x10400] =	vst v36;
	s19 =	spop (v2sf)  }
0x21f: {  	[tilespmem:s12], [sflag:$0x1] =	stream.strided.gather [hbm4b:s1+s12], $0x800, s11, s12, $0x38;
	[tilespmem:$0x10600] =	vst v63  }
0x220: {  	s13 =	rddreg [dreg:$0x1];
	s1 =	sand.u32 $0xFFFFF80, s19  }
0x221: {  	s16 =	simm.s32 $0x8400;
	s2 =	sand.u32 $0xFFFFF80, s2;
	s1 =	sadd.s32 s13, s1  }
0x222: {  	[tilespmem:s16], [sflag:$0x1] =	stream.strided.gather [hbm4b:s1+s12], $0x800, s11, s12, $0x38;
	[tilespmem:$0x10600] =	vst v63  }
0x223: {  	s23 =	rddreg [dreg:$0x5];
	s2 =	sadd.s32 s9, s2  }
0x224: {  	[tilespmem:s23], [sflag:$0x1] =	stream.strided.gather [hbm4b:s2+s12], $0x800, s11, s12, $0x38;
	[tilespmem:$0x10600] =	vst v63  }
0x225: {  	s23 =	spop (v2sf)  }
0x226: {  	s2 =	sand.u32 $0xFFFFF80, s23  }
0x227: {  	s19 =	rddreg [dreg:$0x6];
	s2 =	sadd.s32 s13, s2  }
0x228: {  	[tilespmem:s19], [sflag:$0x1] =	stream.strided.gather [hbm4b:s2+s12], $0x800, s11, s12, $0x38;
	[tilespmem:$0x10600] =	vst v63  }
0x229: {  	s2 =	spop (v2sf)  }
0x22a: {  	s1 =	sand.u32 $0xFFFFF80, s2  }
0x22b: {  	s19 =	rddreg [dreg:$0x7];
	s1 =	sadd.s32 s9, s1  }
0x22c: {  	[tilespmem:s19], [sflag:$0x1] =	stream.strided.gather [hbm4b:s1+s12], $0x800, s11, s12, $0x38;
	[tilespmem:$0x10600] =	vst v63  }
0x22d: {  	(v2sf) =	vpush v35, $0xF;
	s19 =	spop (v2sf)  }
0x22e: {  	s2 =	sand.u32 $0xFFFFF80, s19;
	s19 =	spop (v2sf);
	(v2sf) =	vpush v34, $0xF;
	_ =	sdelay $0x1  }
0x22f: {  	s23 =	rddreg [dreg:$0x8];
	s2 =	sadd.s32 s13, s2  }
0x230: {  	[tilespmem:s23], [sflag:$0x1] =	stream.strided.gather [hbm4b:s2+s12], $0x800, s11, s12, $0x38;
	[tilespmem:$0x10600] =	vst v63  }
0x231: {  	s2 =	sand.u32 $0xFFFFF80, s19  }
0x232: {  	s23 =	rddreg [dreg:$0x9];
	s19 =	spop (v2sf);
	(v2sf) =	vpush v33, $0xF;
	s2 =	sadd.s32 s9, s2  }
0x233: {  	[tilespmem:s23], [sflag:$0x1] =	stream.strided.gather [hbm4b:s2+s12], $0x800, s11, s12, $0x38;
	[tilespmem:$0x10600] =	vst v63  }
0x234: {  	s2 =	sand.u32 $0xFFFFF80, s19  }
0x235: {  	s23 =	rddreg [dreg:$0xa];
	s2 =	sadd.s32 s13, s2  }
0x236: {  	[tilespmem:s23], [sflag:$0x1] =	stream.strided.gather [hbm4b:s2+s12], $0x800, s11, s12, $0x38;
	[tilespmem:$0x10600] =	vst v63  }
0x237: {  	s23 =	spop (v2sf);
	(v2sf) =	vpush v32, $0xF  }
0x238: {  	v57, _, _ =	vpop (xrf0);
	s1 =	sand.u32 $0xFFFFF80, s23;
	(v2sf) =	vpush v31, $0xF  }
0x239: {  	v58, _, _ =	vpop (xrf0);
	s1 =	sadd.s32 s9, s1;
	(v2sf) =	vpush v57, $0xF  }
0x23a: {  	v59, _, _ =	vpop (xrf0);
	[tilespmem:s3], [sflag:$0x1] =	stream.strided.gather [hbm4b:s1+s12], $0x800, s11, s12, $0x38;
	(v2sf) =	vpush v58, $0xF;
	[tilespmem:$0x10600] =	vst v63  }
0x23b: {  	s2 =	spop (v2sf);
	(v2sf) =	vpush v59, $0xF  }
0x23c: {  	s3 =	spop (v2sf);
	(v2sf) =	vpush v30, $0xF  }
0x23d: {  	s1 =	sand.u32 $0xFFFFF80, s2  }
0x23e: {  	s1 =	sadd.s32 s13, s1  }
0x23f: {  	[tilespmem:s8], [sflag:$0x1] =	stream.strided.gather [hbm4b:s1+s12], $0x800, s11, s12, $0x38;
	[tilespmem:$0x10600] =	vst v63  }
0x240: {  	s1 =	sand.u32 $0xFFFFF80, s3  }
0x241: {  	s1 =	sadd.s32 s9, s1;
	s8 =	spop (v2sf)  }
0x242: {  	[tilespmem:s7], [sflag:$0x1] =	stream.strided.gather [hbm4b:s1+s12], $0x800, s11, s12, $0x38;
	[tilespmem:$0x10600] =	vst v63  }
0x243: {  	s1 =	sand.u32 $0xFFFFF80, s8  }
0x244: {  	v60, _, _ =	vpop (xrf0);
	s1 =	sadd.s32 s13, s1  }
0x245: {  	(v2sf) =	vpush v60, $0xF;
	[tilespmem:s6], [sflag:$0x1] =	stream.strided.gather [hbm4b:s1+s12], $0x800, s11, s12, $0x38;
	[tilespmem:$0x10600] =	vst v63  }
0x246: {  	s19 =	spop (v2sf)  }
0x247: {  	(xrf0) =	vadd.scan.msk.s32 $0xffff, v29;
	s23 =	spop (v2sf)  }
0x248: {  	s3 =	spop (v2sf)  }
0x249: {  	s6 =	spop (v2sf)  }
0x24a: {  	v61, _, _ =	vpop (xrf0);
	s7 =	spop (v2sf)  }
0x24b: {  	(xrf0) =	vadd.scan.msk.s32 $0xffff, v28;
	s8 =	spop (v2sf);
	(v2sf) =	vpush v61, $0xF  }
0x24c: {  	s1 =	sand.u32 $0xFFFFF80, s19  }
0x24d: {  	v62, _, _ =	vpop (xrf0);
	(xrf0) =	vadd.scan.msk.s32 $0xffff, v27;
	s1 =	sadd.s32 s9, s1;
	s2 =	sand.u32 $0xFFFFF80, s23  }
0x24e: {  	[tilespmem:s5], [sflag:$0x1] =	stream.strided.gather [hbm4b:s1+s12], $0x800, s11, s12, $0x38;
	[tilespmem:$0x10600] =	vst v63  }
0x24f: {  	s1 =	sadd.s32 s13, s2;
	(v2sf) =	vpush v62, $0xF  }
0x250: {  	[tilespmem:s15], [sflag:$0x1] =	stream.strided.gather [hbm4b:s1+s12], $0x800, s11, s12, $0x38;
	[tilespmem:$0x10600] =	vst v63  }
0x251: {  	v63, _, _ =	vpop (xrf0);
	s2 =	sand.u32 $0xFFFFF80, s3;
	s5 =	sand.u32 $0xFFFFF80, s8  }
0x252: {  	(xrf0) =	vadd.scan.msk.s32 $0xffff, v26;
	s2 =	sadd.s32 s13, s2;
	s5 =	sadd.s32 s9, s5;
	(v2sf) =	vpush v63, $0xF  }
0x253: {  	[tilespmem:s10], [sflag:$0x1] =	stream.strided.gather [hbm4b:s5+s12], $0x800, s11, s12, $0x38;
	[tilespmem:$0x10600] =	vst v63  }
0x254: {  	v30, _, _ =	vpop (xrf0);
	s19 =	sand.u32 $0xFFFFF80, s6;
	s15 =	rddreg [dreg:$0x12];
	s23 =	spop (v2sf)  }
0x255: {  	(v2sf) =	vpush v30, $0xF;
	[tilespmem:s15], [sflag:$0x1] =	stream.strided.gather [hbm4b:s2+s12], $0x800, s11, s12, $0x38;
	[tilespmem:$0x10600] =	vst v63  }
0x256: {  	(xrf0) =	vadd.scan.msk.s32 $0xffff, v25;
	s1 =	sand.u32 $0xFFFFF80, s7;
	s2 =	sadd.s32 s9, s19  }
0x257: {  	[tilespmem:s4], [sflag:$0x1] =	stream.strided.gather [hbm4b:s2+s12], $0x800, s11, s12, $0x38;
	[tilespmem:$0x10600] =	vst v63  }
0x258: {  	s1 =	sadd.s32 s13, s1  }
0x259: {  	v31, _, _ =	vpop (xrf0);
	[tilespmem:s0], [sflag:$0x1] =	stream.strided.gather [hbm4b:s1+s12], $0x800, s11, s12, $0x38;
	[tilespmem:$0x10600] =	vst v63  }
0x25a: {  	(xrf0) =	vadd.scan.msk.s32 $0xffff, v24;
	s1 =	spop (v2sf);
	(v2sf) =	vpush v31, $0xF;
	_ =	sdelay $0x2  }
0x25b: {  	v32, _, _ =	vpop (xrf0);
	(xrf0) =	vadd.scan.msk.s32 $0xffff, v23  }
0x25c: {  	s2 =	spop (v2sf);
	(v2sf) =	vpush v32, $0xF;
	_ =	sdelay $0x1  }
0x25d: {  	v33, _, _ =	vpop (xrf0);
	s0 =	sand.u32 $0xFFFFF80, s23  }
0x25e: {  	(xrf0) =	vadd.scan.msk.s32 $0xffff, v22;
	s0 =	sadd.s32 s9, s0;
	s3 =	spop (v2sf);
	(v2sf) =	vpush v33, $0xF  }
0x25f: {  	[tilespmem:s30], [sflag:$0x1] =	stream.strided.gather [hbm4b:s0+s12], $0x800, s11, s12, $0x38;
	[tilespmem:$0x10600] =	vst v63  }
0x260: {  	v34, _, _ =	vpop (xrf0);
	s0 =	sand.u32 $0xFFFFF80, s1  }
0x261: {  	s0 =	sadd.s32 s13, s0;
	s4 =	spop (v2sf);
	(v2sf) =	vpush v34, $0xF  }
0x262: {  	[tilespmem:s26], [sflag:$0x1] =	stream.strided.gather [hbm4b:s0+s12], $0x800, s11, s12, $0x38;
	[tilespmem:$0x10600] =	vst v63  }
0x263: {  	(xrf0) =	vadd.scan.msk.s32 $0xffff, v21;
	s0 =	sand.u32 $0xFFFFF80, s2  }
0x264: {  	s0 =	sadd.s32 s9, s0  }
0x265: {  	v35, _, _ =	vpop (xrf0);
	[tilespmem:s29], [sflag:$0x1] =	stream.strided.gather [hbm4b:s0+s12], $0x800, s11, s12, $0x38;
	[tilespmem:$0x10600] =	vst v63  }
0x266: {  	(xrf0) =	vadd.scan.msk.s32 $0xffff, v20;
	s0 =	sand.u32 $0xFFFFF80, s3;
	s5 =	spop (v2sf);
	(v2sf) =	vpush v35, $0xF  }
0x267: {  	s0 =	sadd.s32 s13, s0  }
0x268: {  	[tilespmem:s28], [sflag:$0x1] =	stream.strided.gather [hbm4b:s0+s12], $0x800, s11, s12, $0x38;
	[tilespmem:$0x10600] =	vst v63  }
0x269: {  	v36, _, _ =	vpop (xrf0);
	(xrf0) =	vadd.scan.msk.s32 $0xffff, v19;
	s0 =	sand.u32 $0xFFFFF80, s4  }
0x26a: {  	s0 =	sadd.s32 s9, s0;
	s6 =	spop (v2sf);
	(v2sf) =	vpush v36, $0xF  }
0x26b: {  	[tilespmem:s25], [sflag:$0x1] =	stream.strided.gather [hbm4b:s0+s12], $0x800, s11, s12, $0x38;
	[tilespmem:$0x10600] =	vst v63  }
0x26c: {  	v37, _, _ =	vpop (xrf0);
	s0 =	sand.u32 $0xFFFFF80, s5  }
0x26d: {  	(xrf0) =	vadd.scan.msk.s32 $0xffff, v18;
	s0 =	sadd.s32 s13, s0;
	s7 =	spop (v2sf);
	(v2sf) =	vpush v37, $0xF  }
0x26e: {  	[tilespmem:s24], [sflag:$0x1] =	stream.strided.gather [hbm4b:s0+s12], $0x800, s11, s12, $0x38;
	[tilespmem:$0x10600] =	vst v63  }
0x26f: {  	v38, _, _ =	vpop (xrf0);
	s0 =	sand.u32 $0xFFFFF80, s6  }
0x270: {  	s10 =	spop (v2sf);
	(v2sf) =	vpush v38, $0xF;
	s0 =	sadd.s32 s9, s0  }
0x271: {  	[tilespmem:s22], [sflag:$0x1] =	stream.strided.gather [hbm4b:s0+s12], $0x800, s11, s12, $0x38;
	[tilespmem:$0x10600] =	vst v63  }
0x272: {  	s0 =	sand.u32 $0xFFFFF80, s7  }
0x273: {  	s8 =	rddreg [dreg:$0x1c];
	s0 =	sadd.s32 s13, s0  }
0x274: {  	v39, _, _ =	vpop (xrf0);
	[tilespmem:s8], [sflag:$0x1] =	stream.strided.gather [hbm4b:s0+s12], $0x800, s11, s12, $0x38;
	[tilespmem:$0x10600] =	vst v63  }
0x275: {  	s0 =	sand.u32 $0xFFFFF80, s10;
	s15 =	spop (v2sf);
	(v2sf) =	vpush v39, $0xF  }
0x276: {  	s0 =	sadd.s32 s9, s0  }
0x277: {  	[tilespmem:s21], [sflag:$0x1] =	stream.strided.gather [hbm4b:s0+s12], $0x800, s11, s12, $0x38;
	[tilespmem:$0x10600] =	vst v63  }
0x278: {  	s0 =	sand.u32 $0xFFFFF80, s15  }
0x279: {  	s19 =	spop (v2sf);
	s0 =	sadd.s32 s13, s0  }
0x27a: {  	[tilespmem:s20], [sflag:$0x1] =	stream.strided.gather [hbm4b:s0+s12], $0x800, s11, s12, $0x38;
	[tilespmem:$0x10600] =	vst v63  }
0x27b: {  	s0 =	sand.u32 $0xFFFFF80, s19  }
0x27c: {  	s21 =	sld [smem:$0x7FB];
	s20 =	spop (v2sf);
	s0 =	sadd.s32 s9, s0  }
0x27d: {  	[tilespmem:s18], [sflag:$0x1] =	stream.strided.gather [hbm4b:s0+s12], $0x800, s11, s12, $0x38;
	[tilespmem:$0x10600] =	vst v63  }
0x27e: {  	s0 =	sand.u32 $0xFFFFF80, s20  }
0x27f: {  	s23 =	sld [smem:$0x7FC];
	s22 =	spop (v2sf);
	s0 =	sadd.s32 s13, s0  }
0x280: {  	[tilespmem:s21], [sflag:$0x1] =	stream.strided.gather [hbm4b:s0+s12], $0x800, s11, s12, $0x38;
	[tilespmem:$0x10600] =	vst v63  }
0x281: {  	s0 =	sand.u32 $0xFFFFF80, s22  }
0x282: {  	s0 =	sadd.s32 s9, s0  }
0x283: {  	[tilespmem:s23], [sflag:$0x1] =	stream.strided.gather [hbm4b:s0+s12], $0x800, s11, s12, $0x38;
	[tilespmem:$0x10600] =	vst v63  }
0x284: {  	s25 =	sld [smem:$0x7FD];
	s24 =	spop (v2sf)  }
0x285: {  	s0 =	sand.u32 $0xFFFFF80, s24  }
0x286: {  	s0 =	sadd.s32 s13, s0  }
0x287: {  	[tilespmem:s25], [sflag:$0x1] =	stream.strided.gather [hbm4b:s0+s12], $0x800, s11, s12, $0x38;
	[tilespmem:$0x10600] =	vst v63  }
0x288: {  	_ =	swait.ge [sflag:s14], $0x800  }
0x289: {  	[sflag:s14] =	ssyncset.done $0x0  }
0x28a: {  	[sflag:s14] =	ssyncadd.s32 $0xFFFFF800  }
0x28b: {  	_ =	swait.ge [sflag:s14], $0x800  }
0x28c: {  	[sflag:s14] =	ssyncset.done $0x0  }
0x28d: {  	[sflag:s14] =	ssyncadd.s32 $0xFFFFF800  }
0x28e: {  	_ =	swait.ge [sflag:s14], $0x800  }
0x28f: {  	[sflag:s14] =	ssyncset.done $0x0  }
0x290: {  	[sflag:s14] =	ssyncadd.s32 $0xFFFFF800  }
0x291: {  	_ =	swait.ge [sflag:s14], $0x800  }
0x292: {  	[sflag:s14] =	ssyncset.done $0x0  }
0x293: {  	[sflag:s14] =	ssyncadd.s32 $0xFFFFF800  }
0x294: {  	_ =	swait.ge [sflag:s14], $0x800  }
0x295: {  	[sflag:s14] =	ssyncset.done $0x0  }
0x296: {  	[sflag:s14] =	ssyncadd.s32 $0xFFFFF800  }
0x297: {  	_ =	swait.ge [sflag:s14], $0x800  }
0x298: {  	[sflag:s14] =	ssyncset.done $0x0  }
0x299: {  	[sflag:s14] =	ssyncadd.s32 $0xFFFFF800  }
0x29a: {  	_ =	swait.ge [sflag:s14], $0x800  }
0x29b: {  	[sflag:s14] =	ssyncset.done $0x0  }
0x29c: {  	[sflag:s14] =	ssyncadd.s32 $0xFFFFF800  }
0x29d: {  	_ =	swait.ge [sflag:s14], $0x800  }
0x29e: {  	[sflag:s14] =	ssyncset.done $0x0  }
0x29f: {  	[sflag:s14] =	ssyncadd.s32 $0xFFFFF800  }
0x2a0: {  	_ =	swait.ge [sflag:s14], $0x800  }
0x2a1: {  	[sflag:s14] =	ssyncset.done $0x0  }
0x2a2: {  	[sflag:s14] =	ssyncadd.s32 $0xFFFFF800  }
0x2a3: {  	_ =	swait.ge [sflag:s14], $0x800  }
0x2a4: {  	[sflag:s14] =	ssyncset.done $0x0  }
0x2a5: {  	[sflag:s14] =	ssyncadd.s32 $0xFFFFF800  }
0x2a6: {  	_ =	swait.ge [sflag:s14], $0x800  }
0x2a7: {  	[sflag:s14] =	ssyncset.done $0x0  }
0x2a8: {  	[sflag:s14] =	ssyncadd.s32 $0xFFFFF800  }
0x2a9: {  	_ =	swait.ge [sflag:s14], $0x800  }
0x2aa: {  	[sflag:s14] =	ssyncset.done $0x0  }
0x2ab: {  	[sflag:s14] =	ssyncadd.s32 $0xFFFFF800  }
0x2ac: {  	_ =	swait.ge [sflag:s14], $0x800  }
0x2ad: {  	[sflag:s14] =	ssyncset.done $0x0  }
0x2ae: {  	[sflag:s14] =	ssyncadd.s32 $0xFFFFF800  }
0x2af: {  	_ =	swait.ge [sflag:s14], $0x800  }
0x2b0: {  	[sflag:s14] =	ssyncset.done $0x0  }
0x2b1: {  	[sflag:s14] =	ssyncadd.s32 $0xFFFFF800  }
0x2b2: {  	_ =	swait.ge [sflag:s14], $0x800  }
0x2b3: {  	[sflag:s14] =	ssyncset.done $0x0  }
0x2b4: {  	[sflag:s14] =	ssyncadd.s32 $0xFFFFF800  }
0x2b5: {  	_ =	swait.ge [sflag:s14], $0x800  }
0x2b6: {  	[sflag:s14] =	ssyncset.done $0x0  }
0x2b7: {  	[sflag:s14] =	ssyncadd.s32 $0xFFFFF800  }
0x2b8: {  	_ =	swait.ge [sflag:s14], $0x800  }
0x2b9: {  	[sflag:s14] =	ssyncset.done $0x0  }
0x2ba: {  	[sflag:s14] =	ssyncadd.s32 $0xFFFFF800  }
0x2bb: {  	_ =	swait.ge [sflag:s14], $0x800  }
0x2bc: {  	[sflag:s14] =	ssyncset.done $0x0  }
0x2bd: {  	[sflag:s14] =	ssyncadd.s32 $0xFFFFF800  }
0x2be: {  	_ =	swait.ge [sflag:s14], $0x800  }
0x2bf: {  	[sflag:s14] =	ssyncset.done $0x0  }
0x2c0: {  	[sflag:s14] =	ssyncadd.s32 $0xFFFFF800  }
0x2c1: {  	_ =	swait.ge [sflag:s14], $0x800  }
0x2c2: {  	[sflag:s14] =	ssyncset.done $0x0  }
0x2c3: {  	[sflag:s14] =	ssyncadd.s32 $0xFFFFF800  }
0x2c4: {  	_ =	swait.ge [sflag:s14], $0x800  }
0x2c5: {  	[sflag:s14] =	ssyncset.done $0x0  }
0x2c6: {  	[sflag:s14] =	ssyncadd.s32 $0xFFFFF800  }
0x2c7: {  	_ =	swait.ge [sflag:s14], $0x800  }
0x2c8: {  	[sflag:s14] =	ssyncset.done $0x0  }
0x2c9: {  	[sflag:s14] =	ssyncadd.s32 $0xFFFFF800  }
0x2ca: {  	_ =	swait.ge [sflag:s14], $0x800  }
0x2cb: {  	[sflag:s14] =	ssyncset.done $0x0  }
0x2cc: {  	[sflag:s14] =	ssyncadd.s32 $0xFFFFF800  }
0x2cd: {  	_ =	swait.ge [sflag:s14], $0x800  }
0x2ce: {  	[sflag:s14] =	ssyncset.done $0x0  }
0x2cf: {  	[sflag:s14] =	ssyncadd.s32 $0xFFFFF800  }
0x2d0: {  	_ =	swait.ge [sflag:s14], $0x800  }
0x2d1: {  	[sflag:s14] =	ssyncset.done $0x0  }
0x2d2: {  	[sflag:s14] =	ssyncadd.s32 $0xFFFFF800  }
0x2d3: {  	_ =	swait.ge [sflag:s14], $0x800  }
0x2d4: {  	[sflag:s14] =	ssyncset.done $0x0  }
0x2d5: {  	[sflag:s14] =	ssyncadd.s32 $0xFFFFF800  }
0x2d6: {  	_ =	swait.ge [sflag:s14], $0x800  }
0x2d7: {  	[sflag:s14] =	ssyncset.done $0x0  }
0x2d8: {  	[sflag:s14] =	ssyncadd.s32 $0xFFFFF800  }
0x2d9: {  	_ =	swait.ge [sflag:s14], $0x800  }
0x2da: {  	[sflag:s14] =	ssyncset.done $0x0  }
0x2db: {  	[sflag:s14] =	ssyncadd.s32 $0xFFFFF800  }
0x2dc: {  	_ =	swait.ge [sflag:s14], $0x800  }
0x2dd: {  	[sflag:s14] =	ssyncset.done $0x0  }
0x2de: {  	[sflag:s14] =	ssyncadd.s32 $0xFFFFF800  }
0x2df: {  	_ =	swait.ge [sflag:s14], $0x800  }
0x2e0: {  	[sflag:s14] =	ssyncset.done $0x0  }
0x2e1: {  	[sflag:s14] =	ssyncadd.s32 $0xFFFFF800  }
0x2e2: {  	_ =	swait.ge [sflag:s14], $0x800  }
0x2e3: {  	v40 =	vor.u32 v0, v16;
	[sflag:s14] =	ssyncset.done $0x0  }
0x2e4: {  	v41 =	vor.u32 v0, v17;
	[sflag:s14] =	ssyncadd.s32 $0xFFFFF800  }
0x2e5: {  	v42 =	vor.u32 v1, v16;
	_ =	swait.ge [sflag:s14], $0x800  }
0x2e6: {  	v43 =	vor.u32 v1, v17;
	[sflag:s14] =	ssyncset.done $0x0  }
0x2e7: {  	v44 =	vor.u32 v2, v16;
	[sflag:s14] =	ssyncadd.s32 $0xFFFFF800  }
0x2e8: {  	v45 =	vor.u32 v2, v17;
	v18 =	vld.idx.msk [tilespmem:v40+s12+$0x0], $0xffff  }
0x2e9: {  	v46 =	vor.u32 v3, v16;
	v19 =	vld.idx.msk [tilespmem:v41+s16+$0x0], $0xffff  }
0x2ea: {  	v47 =	vor.u32 v3, v17;
	v20 =	vld.idx.msk [tilespmem:v42+s12+$0x0], $0xffff  }
0x2eb: {  	v48 =	vor.u32 v4, v16;
	v21 =	vld.idx.msk [tilespmem:v43+s16+$0x0], $0xffff  }
0x2ec: {  	v49 =	vor.u32 v4, v17;
	v22 =	vld.idx.msk [tilespmem:v44+s12+$0x0], $0xffff  }
0x2ed: {  	v50 =	vor.u32 v5, v16;
	v23 =	vld.idx.msk [tilespmem:v45+s16+$0x0], $0xffff  }
0x2ee: {  	v51 =	vor.u32 v5, v17;
	v24 =	vld.idx.msk [tilespmem:v46+s12+$0x0], $0xffff;
	v18 =	vmul.f32 v19, v18  }
0x2ef: {  	v53 =	vor.u32 v6, v16;
	v52 =	vld.idx.msk [tilespmem:v47+s16+$0x0], $0xffff  }
0x2f0: {  	v54 =	vor.u32 v6, v17;
	v26 =	vld.idx.msk [tilespmem:v48+s12+$0x0], $0xffff;
	v20 =	vmul.f32 v21, v20;
	v18 =	vadd.f32 $0.0e+00, v18  }
0x2f1: {  	v56 =	vor.u32 v7, v16;
	v55 =	vld.idx.msk [tilespmem:v49+s16+$0x0], $0xffff  }
0x2f2: {  	v57 =	vor.u32 v7, v17;
	v28 =	vld.idx.msk [tilespmem:v50+s12+$0x0], $0xffff;
	v58 =	vmul.f32 v23, v22;
	v18 =	vadd.f32 v20, v18  }
0x2f3: {  	v61 =	vor.u32 v8, v17;
	v59 =	vld.idx.msk [tilespmem:v51+s16+$0x0], $0xffff  }
0x2f4: {  	v60 =	vor.u32 v8, v16;
	v25 =	vld.idx.msk [tilespmem:v53+s12+$0x0], $0xffff;
	v19 =	vmul.f32 v52, v24;
	v18 =	vadd.f32 v58, v18  }
0x2f5: {  	v33 =	vor.u32 v9, v17;
	v62 =	vld.idx.msk [tilespmem:v54+s16+$0x0], $0xffff  }
0x2f6: {  	v63 =	vor.u32 v9, v16;
	v27 =	vld.idx.msk [tilespmem:v56+s12+$0x0], $0xffff;
	v34 =	vmul.f32 v55, v26;
	v18 =	vadd.f32 v19, v18  }
0x2f7: {  	v37 =	vor.u32 v10, v17;
	v35 =	vld.idx.msk [tilespmem:v57+s16+$0x0], $0xffff  }
0x2f8: {  	v36 =	vor.u32 v10, v16;
	v39 =	vld.idx.msk [tilespmem:v61+s16+$0x0], $0xffff;
	v38 =	vmul.f32 v59, v28;
	v18 =	vadd.f32 v34, v18  }
0x2f9: {  	v40 =	vor.u32 v11, v16;
	v23 =	vld.idx.msk [tilespmem:v60+s12+$0x0], $0xffff  }
0x2fa: {  	v41 =	vor.u32 v11, v17;
	v43 =	vld.idx.msk [tilespmem:v33+s16+$0x0], $0xffff;
	v42 =	vmul.f32 v62, v25;
	v18 =	vadd.f32 v38, v18  }
0x2fb: {  	v44 =	vor.u32 v12, v16;
	v24 =	vld.idx.msk [tilespmem:v63+s12+$0x0], $0xffff  }
0x2fc: {  	v45 =	vor.u32 v12, v17;
	v47 =	vld.idx.msk [tilespmem:v37+s16+$0x0], $0xffff;
	v46 =	vmul.f32 v35, v27;
	v18 =	vadd.f32 v42, v18  }
0x2fd: {  	v48 =	vor.u32 v13, v16;
	v26 =	vld.idx.msk [tilespmem:v36+s12+$0x0], $0xffff  }
0x2fe: {  	v49 =	vor.u32 v13, v17;
	v28 =	vld.idx.msk [tilespmem:v40+s12+$0x0], $0xffff;
	v50 =	vmul.f32 v39, v23;
	v18 =	vadd.f32 v46, v18  }
0x2ff: {  	v53 =	vor.u32 v14, v17;
	v51 =	vld.idx.msk [tilespmem:v41+s16+$0x0], $0xffff  }
0x300: {  	v52 =	vor.u32 v14, v16;
	v25 =	vld.idx.msk [tilespmem:v44+s12+$0x0], $0xffff;
	v54 =	vmul.f32 v43, v24;
	v18 =	vadd.f32 v50, v18  }
0x301: {  	v17 =	vor.u32 v15, v17;
	v55 =	vld.idx.msk [tilespmem:v45+s16+$0x0], $0xffff  }
0x302: {  	v16 =	vor.u32 v15, v16;
	v56 =	vld.idx.msk [tilespmem:v48+s12+$0x0], $0xffff;
	v57 =	vmul.f32 v47, v26;
	v18 =	vadd.f32 v54, v18  }
0x303: {  	v58 =	vld.idx.msk [tilespmem:v49+s16+$0x0], $0xffff  }
0x304: {  	v60 =	vld.idx.msk [tilespmem:v53+s16+$0x0], $0xffff;
	v59 =	vmul.f32 v51, v28;
	v18 =	vadd.f32 v57, v18  }
0x305: {  	v23 =	vld.idx.msk [tilespmem:v52+s12+$0x0], $0xffff  }
0x306: {  	v17 =	vld.idx.msk [tilespmem:v17+s16+$0x0], $0xffff;
	v61 =	vmul.f32 v55, v25;
	v18 =	vadd.f32 v59, v18  }
0x307: {  	v16 =	vld.idx.msk [tilespmem:v16+s12+$0x0], $0xffff  }
0x308: {  	v62 =	vmul.f32 v58, v56;
	v18 =	vadd.f32 v61, v18;
	_ =	sdelay $0x1  }
0x309: {  	v63 =	vmul.f32 v60, v23;
	v18 =	vadd.f32 v62, v18;
	_ =	sdelay $0x1  }
0x30a: {  	v16 =	vmul.f32 v17, v16;
	v18 =	vadd.f32 v63, v18;
	_ =	sdelay $0x1  }
0x30b: {  	v16 =	vadd.f32 v16, v18;
	_ =	sdelay $0x1  }
0x30c: {  	v16 =	vsub.f32 $0.0e+00, v16;
	_ =	sdelay $0x1  }
0x30d: {  	v16 =	vmul.f32 $1.442695020e+00, v16;
	_ =	sdelay $0x1  }
0x30e: {  	(erf) = vpow2.f32 v16;
	_ =	sdelay $0x8  }
0x30f: {  	v16 =	vpop (erf)  }
0x310: {  	v16 =	vadd.f32 $1.000000000e+00, v16;
	_ =	sdelay $0x1  }
0x311: {  	(erf) = vrcp.f32 v16;
	_ =	sdelay $0x7  }
0x312: {  	s26 =	sld [smem:$0x7F9]  }
0x313: {  	v16 =	vpop (erf)  }
0x314: {  	s1 =	simm.s32 $0x0;
	s2 =	simm.s32 $0x2;
	s28 =	simm.s32 $0x10400;
	[tilespmem:s17+$0x10400] =	vst v16  }
0x315: {  	[hbm4b:s26+s1] =	stream.linear.scatter [tilespmem:s28], [sflag:$0x2], $0x200, $0x38;
	[tilespmem:$0x10600] =	vst v63  }
0x316: {  	_ =	swait.ge [sflag:s2], $0x200  }
0x317: {  	s29 =	sld [smem:$0x7F6]  }
0x318: {  	s30 =	sld [smem:$0x7FA];
	_ =	sdelay $0x1  }
0x319: {  	s3 =	sadd.s32 $0x1, s29  }
0x31a: {  	p0 =	sne.s32 s3, s30  }
.Ltmp1:
0x31b: {  	_ = 	snop;
	(pc) =	sbr.rel @p0 .LBB2_1-.Ltmp1, $3  }
0x31c: {  	_ =	sdelay $0x1  }
0x31d: {  	[sflag:s2] =	ssyncset.done $0x0  }
0x31e: {  	[sflag:s2] =	ssyncadd.s32 $0xFFFFFE00  }
0x31f: {  	_ =	sfence.sel $0x180000  }
0x320: {  	[bflag:$0x0] =	sbarrier.arrive $0xFFFF  }
0x321: {  	_ =	strace $0x90000047  }
0x322: {  	s0 =	stileid.u32;
	[bflag:$0x2] =	sbarrier.arrive $0xFFFF  }
0x323: {  	p0 =	sne.s32 s0, $0x0;
	s0 =	rddreg [dreg:$0x4]  }
0x324: {  	s0 =	sadd.s32 @!p0 $0x100000, s0  }
0x325: {  	[sflag:s0] =	ssyncadd.tile.s32 @!p0 $0x1;
	_ =	shalt  }
.Lfunc_end2:
_tile_overlayer_lowered:
.L_overlay_start_2:
0x326: {  	(tag) =	ssettag $0x2  }
0x327: {  	s0 =	rddreg [dreg:$0x0];
	s2 =	stileid.u32  }
0x328: {  	s1 =	rddreg [dreg:$0x1];
	p0 =	sne.s32 s2, $0x0  }
0x329: {  	s3 =	rddreg [dreg:$0x2];
	[bflag:$0x3] =	sbarrier.arrive $0xFFFF;
	s2 =	simm.s32 @!p0 $0x1C02  }
0x32a: {  	[timem:s3], [sflag:s2] =	dma.local @!p0 [hbm:s0], s1  }
0x32b: {  	s0 =	simm.s32 @!p0 $0x2  }
0x32c: {  	_ =	swait.ge @!p0 [sflag:s0], s1  }
0x32d: {  	s1 =	ssub.s32 @!p0 $0x0, s1;
	[sflag:s0] =	ssyncset.done @!p0 $0x0  }
0x32e: {  	[sflag:s0] =	ssyncadd.s32 @!p0 s1  }
0x32f: {  	[bflag:$0x3] =	sbarrier.arrive $0xFFFF  }
0x330: {  	_ =	shalt  }

</sc_bundles>
